<compile_context>
chip_gen: v7x
topology: tpu7x:2x2x1
jax: 0.10.2.dev20260603
libtpu: 0.0.44.dev20260713+nightly
codegen_flags: <defaults>
</compile_context>

<pallas_src>
import functools

import jax
import jax.numpy as jnp
from jax import lax
from jax.experimental import pallas as pl
from jax.experimental.pallas import tpu as pltpu
from jax.experimental.pallas import tpu_sc as plsc

N_NODES = 10000
N_EDGES = 320000
FEATURE = 128
HIDDEN = 128
CLASSES = 64

NC = 2
NS = 16
NW = NC * NS
WIN = 128
NWIN = N_EDGES // WIN
WPC = NWIN // NC
WPW = 78
NEXTRA = WPC - NS * WPW
ACC_ROWS = N_NODES + 16
STRIPE = ACC_ROWS // NS

ROW_BLK = 1000


W64 = 64


def _make_sc_partials(n_pass):
  mesh = plsc.VectorSubcoreMesh(core_axis_name="c", subcore_axis_name="s")

  @functools.partial(
      pl.kernel,
      mesh=mesh,
      compiler_params=pltpu.CompilerParams(use_tc_tiling_on_sc=False),
      out_type=jax.ShapeDtypeStruct((NC, N_NODES, 2 * W64), jnp.float32),
      scratch_types=[
          pltpu.VMEM((WPW + 1, WIN), jnp.int32),
          pltpu.VMEM((WPW + 1, WIN), jnp.int32),
          pltpu.VMEM((WIN, W64), jnp.float32),
          pltpu.VMEM((WIN, W64), jnp.float32),
          pltpu.VMEM_SHARED((N_NODES, W64), jnp.float32),
          pltpu.VMEM_SHARED((ACC_ROWS, W64), jnp.float32),
          pltpu.SemaphoreType.DMA,
          pltpu.SemaphoreType.DMA,
      ],
  )
  def sc_kernel(y_hbm, edges_hbm, out_hbm, src_v, dst_v, buf, buf_b,
                y_s, acc, sem, sem_b):
    c = lax.axis_index("c")
    s = lax.axis_index("s")

    wbase = c * WPC + s * WPW
    has_extra = s < NEXTRA
    pltpu.sync_copy(edges_hbm.at[0, pl.ds(wbase, WPW)],
                    src_v.at[pl.ds(0, WPW)])
    pltpu.sync_copy(edges_hbm.at[1, pl.ds(wbase, WPW)],
                    dst_v.at[pl.ds(0, WPW)])

    @pl.when(has_extra)
    def _():
      xw = c * WPC + NS * WPW + s
      pltpu.sync_copy(edges_hbm.at[0, pl.ds(xw, 1)], src_v.at[pl.ds(WPW, 1)])
      pltpu.sync_copy(edges_hbm.at[1, pl.ds(xw, 1)], dst_v.at[pl.ds(WPW, 1)])

    zero16 = jnp.zeros((16,), jnp.float32)
    load = N_NODES // NS
    base = s * STRIPE

    def _pass(t):
      pltpu.sync_copy(y_hbm.at[pl.ds(s * load, load), pl.ds(W64 * t, W64)],
                      y_s.at[pl.ds(s * load, load)])

      @pl.loop(0, WIN)
      def _(r):
        for cc in range(W64 // 16):
          buf[r, pl.ds(cc * 16, 16)] = zero16

      for k in range(STRIPE // WIN):
        pltpu.sync_copy(buf, acc.at[pl.ds(base + k * WIN, WIN)])
      rem = STRIPE % WIN
      if rem:
        pltpu.sync_copy(buf.at[pl.ds(0, rem)],
                        acc.at[pl.ds(base + (STRIPE // WIN) * WIN, rem)])

      plsc.subcore_barrier()

      def _fire(j, b, sm):
        pltpu.make_async_copy(y_s.at[src_v.at[j]], b, sm).start()

      def _drain(j, b, sm):
        pltpu.make_async_copy(y_s.at[src_v.at[j]], b, sm).wait()

      _fire(0, buf, sem)

      @pl.loop(0, WPW // 2)
      def _(p):
        j = 2 * p
        _fire(j + 1, buf_b, sem_b)
        _drain(j, buf, sem)
        pltpu.sync_copy(buf, acc.at[dst_v.at[j]], add=True)

        @pl.when(j + 2 < WPW)
        def _():
          _fire(j + 2, buf, sem)

        _drain(j + 1, buf_b, sem_b)
        pltpu.sync_copy(buf_b, acc.at[dst_v.at[j + 1]], add=True)

      @pl.when(has_extra)
      def _():
        _fire(WPW, buf, sem)
        _drain(WPW, buf, sem)
        pltpu.sync_copy(buf, acc.at[dst_v.at[WPW]], add=True)

      plsc.subcore_barrier()

      @pl.when(s == 0)
      def _():
        pltpu.sync_copy(
            acc.at[pl.ds(0, N_NODES)],
            out_hbm.at[c, pl.ds(0, N_NODES), pl.ds(W64 * t, W64)])

      plsc.subcore_barrier()

    for t in range(n_pass):
      _pass(t)

  return sc_kernel


_sc_partials_l1 = _make_sc_partials(2)
_sc_partials_l2 = _make_sc_partials(1)


def _dotT(a, w):
  return lax.dot_general(a, w, (((1,), (1,)), ((), ())),
                         preferred_element_type=jnp.float32)


def _tc_y1_body(x_ref, wrel_ref, y_ref):
  y_ref[...] = _dotT(x_ref[...], wrel_ref[...])


_tc_y1 = pl.pallas_call(
    _tc_y1_body,
    grid=(N_NODES // ROW_BLK,),
    in_specs=[
        pl.BlockSpec((ROW_BLK, FEATURE), lambda i: (i, 0)),
        pl.BlockSpec((HIDDEN, FEATURE), lambda i: (0, 0)),
    ],
    out_specs=pl.BlockSpec((ROW_BLK, HIDDEN), lambda i: (i, 0)),
    out_shape=jax.ShapeDtypeStruct((N_NODES, HIDDEN), jnp.float32),
)


def _tc_xr_body(x_ref, wroot_ref, b_ref, xr_ref):
  xr_ref[...] = _dotT(x_ref[...], wroot_ref[...]) + b_ref[...]


_tc_xr = pl.pallas_call(
    _tc_xr_body,
    grid=(N_NODES // ROW_BLK,),
    in_specs=[
        pl.BlockSpec((ROW_BLK, FEATURE), lambda i: (i, 0)),
        pl.BlockSpec((HIDDEN, FEATURE), lambda i: (0, 0)),
        pl.BlockSpec((1, HIDDEN), lambda i: (0, 0)),
    ],
    out_specs=pl.BlockSpec((ROW_BLK, HIDDEN), lambda i: (i, 0)),
    out_shape=jax.ShapeDtypeStruct((N_NODES, HIDDEN), jnp.float32),
)


def _tc_mid_body(p_ref, xr_ref, wrel_ref, wroot_ref, b_ref,
                 y2_ref, hr_ref):
  h = jnp.maximum(p_ref[0] + p_ref[1] + xr_ref[...], 0.0)
  y2 = _dotT(h, wrel_ref[...])
  y2_ref[...] = jnp.concatenate(
      [y2, jnp.zeros((ROW_BLK, 2 * W64 - CLASSES), jnp.float32)], axis=1)
  hr_ref[...] = _dotT(h, wroot_ref[...]) + b_ref[...]


_tc_mid = pl.pallas_call(
    _tc_mid_body,
    grid=(N_NODES // ROW_BLK,),
    in_specs=[
        pl.BlockSpec((NC, ROW_BLK, 2 * W64), lambda i: (0, i, 0)),
        pl.BlockSpec((ROW_BLK, HIDDEN), lambda i: (i, 0)),
        pl.BlockSpec((CLASSES, HIDDEN), lambda i: (0, 0)),
        pl.BlockSpec((CLASSES, HIDDEN), lambda i: (0, 0)),
        pl.BlockSpec((1, CLASSES), lambda i: (0, 0)),
    ],
    out_specs=[
        pl.BlockSpec((ROW_BLK, 2 * W64), lambda i: (i, 0)),
        pl.BlockSpec((ROW_BLK, CLASSES), lambda i: (i, 0)),
    ],
    out_shape=[
        jax.ShapeDtypeStruct((N_NODES, 2 * W64), jnp.float32),
        jax.ShapeDtypeStruct((N_NODES, CLASSES), jnp.float32),
    ],
)


def _tc_post_body(p_ref, hr_ref, o_ref):
  z = p_ref[0, :, :CLASSES] + p_ref[1, :, :CLASSES] + hr_ref[...]
  m = jnp.max(z, axis=1, keepdims=True)
  zs = z - m
  lse = jnp.log(jnp.sum(jnp.exp(zs), axis=1, keepdims=True))
  o_ref[...] = zs - lse


_tc_post = pl.pallas_call(
    _tc_post_body,
    grid=(N_NODES // ROW_BLK,),
    in_specs=[
        pl.BlockSpec((NC, ROW_BLK, 2 * W64), lambda i: (0, i, 0)),
        pl.BlockSpec((ROW_BLK, CLASSES), lambda i: (i, 0)),
    ],
    out_specs=pl.BlockSpec((ROW_BLK, CLASSES), lambda i: (i, 0)),
    out_shape=jax.ShapeDtypeStruct((N_NODES, CLASSES), jnp.float32),
)


def kernel(x, adj_t, W1_rel, W1_root, b1, W2_rel, W2_root, b2):
  edges = adj_t.astype(jnp.int32).reshape(2, NWIN, WIN)

  y1 = _tc_y1(x, W1_rel)
  p1 = _sc_partials_l1(y1, edges)
  xr = _tc_xr(x, W1_root, b1.reshape(1, HIDDEN))
  y2, hr = _tc_mid(p1, xr, W2_rel, W2_root, b2.reshape(1, CLASSES))
  p2 = _sc_partials_l2(y2, edges)
  return _tc_post(p2, hr)

# --- scband reference (transcript-rebuilt; emitter-appended) ---
"""Pipeline reference for scband-graph-sage-73332271612561 (READ-ONLY COPY).

The authoritative reference and input builder live on the scoring server;
editing this copy changes nothing except your own understanding.
"""

import jax, jax.numpy as jnp
import numpy as np

N_NODES = 10000
N_EDGES = 320000
FEATURE = 128
HIDDEN = 128
CLASSES = 64

def setup_inputs(seed: int = 0) -> dict:
    key = jax.random.key(seed)
    ks = jax.random.split(key, 8)
    x = jax.random.normal(ks[0], (N_NODES, FEATURE), dtype=jnp.float32)
    edge_index = jax.random.randint(ks[1], (2, N_EDGES), 0, N_NODES, dtype=jnp.int64)
    s1 = 1.0 / np.sqrt(FEATURE)
    s2 = 1.0 / np.sqrt(HIDDEN)
    W1_rel = jax.random.uniform(ks[2], (HIDDEN, FEATURE), dtype=jnp.float32, minval=-s1, maxval=s1)
    W1_root = jax.random.uniform(ks[3], (HIDDEN, FEATURE), dtype=jnp.float32, minval=-s1, maxval=s1)
    b1 = jax.random.uniform(ks[4], (HIDDEN,), dtype=jnp.float32, minval=-s1, maxval=s1)
    W2_rel = jax.random.uniform(ks[5], (CLASSES, HIDDEN), dtype=jnp.float32, minval=-s2, maxval=s2)
    W2_root = jax.random.uniform(ks[6], (CLASSES, HIDDEN), dtype=jnp.float32, minval=-s2, maxval=s2)
    b2 = jax.random.uniform(ks[7], (CLASSES,), dtype=jnp.float32, minval=-s2, maxval=s2)
    return {"x": x, "adj_t": edge_index, "W1_rel": W1_rel, "W1_root": W1_root, "b1": b1, "W2_rel": W2_rel, "W2_root": W2_root, "b2": b2}

def _graph_conv(h, src, dst, W_rel, W_root, b):
    # PyG GraphConv with aggr='add': out_i = W_rel @ sum_{j in N(i)} h_j + b + W_root @ h_i
    msgs = jnp.take(h, src, axis=0)
    agg = jax.ops.segment_sum(msgs, dst, num_segments=h.shape[0])
    return agg @ W_rel.T + b + h @ W_root.T

def reference(x, adj_t, W1_rel, W1_root, b1, W2_rel, W2_root, b2):
    src = adj_t[0]
    dst = adj_t[1]
    h = _graph_conv(x, src, dst, W1_rel, W1_root, b1)
    h = jax.nn.relu(h)
    # layers=2 -> hidden_layers=0, middle loop skipped
    out = _graph_conv(h, src, dst, W2_rel, W2_root, b2)
    return jax.nn.log_softmax(out, axis=1)

if __name__ == "__main__":
    import jax
    _d = setup_inputs()
    print(jax.jit(kernel)(*tuple(_d.values())))

</pallas_src>

<mosaic_0001>
#map = affine_map<(d0, d1) -> (0, 0)>
#map1 = affine_map<(d0, d1) -> (0, 0, 0)>
module attributes {stable_mosaic.version = 14 : i64} {
  func.func @sc_kernel(%arg0: i32, %arg1: i32, %arg2: memref<10000x128xf32, #tpu.memory_space<hbm>>, %arg3: memref<2x2500x128xi32, #tpu.memory_space<hbm>>, %arg4: memref<2x10000x128xf32, #tpu.memory_space<hbm>>, %arg5: memref<79x128xi32, #tpu.memory_space<vmem>>, %arg6: memref<79x128xi32, #tpu.memory_space<vmem>>, %arg7: memref<128x64xf32, #tpu.memory_space<vmem>>, %arg8: memref<128x64xf32, #tpu.memory_space<vmem>>, %arg9: memref<10000x64xf32, #tpu.memory_space<vmem_shared>>, %arg10: memref<10016x64xf32, #tpu.memory_space<vmem_shared>>, %arg11: memref<!tpu.dma_semaphore, #tpu.memory_space<semaphore_mem>>, %arg12: memref<!tpu.dma_semaphore, #tpu.memory_space<semaphore_mem>>) attributes {dimension_semantics = [#tpu.dimension_semantics<core_parallel>, #tpu.dimension_semantics<subcore_parallel>], iteration_bounds = array<i64: 2, 16>, scalar_prefetch = 0 : i64, scratch_operands = 8 : i64, tpu.core_type = #tpu.core_type<sc_vector_subcore>, window_params = [{transform_indices = #map}, {transform_indices = #map1}, {transform_indices = #map1}]} {
    %mul3A = arith.constant 1250 : i32
    %mul3A_0 = arith.muli %arg0, %mul3A : i32
    %mul3A_1 = arith.constant 78 : i32
    %mul3A_2 = arith.muli %arg1, %mul3A_1 : i32
    %add3A = arith.addi %mul3A_0, %mul3A_2 : i32
    %lt3A = arith.constant 2 : i32
    %lt3A_3 = arith.cmpi slt, %arg1, %lt3A : i32
    %run_scoped3A = arith.constant 0 : i32
    "tpu.region"() ({
      %run_scoped3A_89 = tpu.sem_alloc : memref<!tpu.dma_semaphore, #tpu.memory_space<semaphore_mem>>
      %dma_start3A_90 = arith.constant 0 : i32
      %dma_start3A_91 = arith.constant 0 : i32
      %dma_start3A_92 = tpu.memref_slice %arg5[%dma_start3A_90, %dma_start3A_91] : memref<79x128xi32, #tpu.memory_space<vmem>> -> memref<78x128xi32, #tpu.memory_space<vmem>>
      %dma_start3A_93 = arith.constant 0 : i32
      %dma_start3A_94 = tpu.memref_slice %arg3[%run_scoped3A, %add3A, %dma_start3A_93] : memref<2x2500x128xi32, #tpu.memory_space<hbm>> -> memref<1x78x128xi32, #tpu.memory_space<hbm>>
      %dma_start3A_95 = tpu.memref_squeeze %dma_start3A_94 : memref<1x78x128xi32, #tpu.memory_space<hbm>> -> memref<78x128xi32, #tpu.memory_space<hbm>>
      %dma_start3A_96 = arith.constant 0 : i32
      %dma_start3A_97 = arith.constant 0 : i32
      %dma_start3A_98 = tpu.memref_slice %arg5[%dma_start3A_96, %dma_start3A_97] : memref<79x128xi32, #tpu.memory_space<vmem>> -> memref<78x128xi32, #tpu.memory_space<vmem>>
      %dma_start3A_99 = arith.constant 0 : i32
      %dma_start3A_100 = tpu.memref_slice %arg3[%run_scoped3A, %add3A, %dma_start3A_99] : memref<2x2500x128xi32, #tpu.memory_space<hbm>> -> memref<1x78x128xi32, #tpu.memory_space<hbm>>
      %dma_start3A_101 = tpu.memref_squeeze %dma_start3A_100 : memref<1x78x128xi32, #tpu.memory_space<hbm>> -> memref<78x128xi32, #tpu.memory_space<hbm>>
      tpu.enqueue_dma source(%dma_start3A_101 : memref<78x128xi32, #tpu.memory_space<hbm>>) target(%dma_start3A_98 : memref<78x128xi32, #tpu.memory_space<vmem>>) target_semaphore(%run_scoped3A_89 : memref<!tpu.dma_semaphore, #tpu.memory_space<semaphore_mem>>)
      %dma_wait3A = arith.constant 0 : i32
      %dma_wait3A_102 = arith.constant 0 : i32
      %dma_wait3A_103 = tpu.memref_slice %arg5[%dma_wait3A, %dma_wait3A_102] : memref<79x128xi32, #tpu.memory_space<vmem>> -> memref<78x128xi32, #tpu.memory_space<vmem>>
      %dma_wait3A_104 = arith.constant 0 : i32
      %dma_wait3A_105 = tpu.memref_slice %arg3[%run_scoped3A, %add3A, %dma_wait3A_104] : memref<2x2500x128xi32, #tpu.memory_space<hbm>> -> memref<1x78x128xi32, #tpu.memory_space<hbm>>
      %dma_wait3A_106 = tpu.memref_squeeze %dma_wait3A_105 : memref<1x78x128xi32, #tpu.memory_space<hbm>> -> memref<78x128xi32, #tpu.memory_space<hbm>>
      %dma_wait3A_107 = arith.constant 0 : i32
      %dma_wait3A_108 = arith.constant 0 : i32
      %dma_wait3A_109 = tpu.memref_slice %arg5[%dma_wait3A_107, %dma_wait3A_108] : memref<79x128xi32, #tpu.memory_space<vmem>> -> memref<78x128xi32, #tpu.memory_space<vmem>>
      %dma_wait3A_110 = arith.constant 0 : i32
      %dma_wait3A_111 = tpu.memref_slice %arg3[%run_scoped3A, %add3A, %dma_wait3A_110] : memref<2x2500x128xi32, #tpu.memory_space<hbm>> -> memref<1x78x128xi32, #tpu.memory_space<hbm>>
      %dma_wait3A_112 = tpu.memref_squeeze %dma_wait3A_111 : memref<1x78x128xi32, #tpu.memory_space<hbm>> -> memref<78x128xi32, #tpu.memory_space<hbm>>
      tpu.wait_dma2 semaphore(%run_scoped3A_89 : memref<!tpu.dma_semaphore, #tpu.memory_space<semaphore_mem>>) src(%dma_wait3A_112 : memref<78x128xi32, #tpu.memory_space<hbm>>) dst(%dma_wait3A_109 : memref<78x128xi32, #tpu.memory_space<vmem>>)
      tpu.yield
    }) : () -> ()
    %run_scoped3A_4 = arith.constant 1 : i32
    "tpu.region"() ({
      %run_scoped3A_89 = tpu.sem_alloc : memref<!tpu.dma_semaphore, #tpu.memory_space<semaphore_mem>>
      %dma_start3A_90 = arith.constant 0 : i32
      %dma_start3A_91 = arith.constant 0 : i32
      %dma_start3A_92 = tpu.memref_slice %arg6[%dma_start3A_90, %dma_start3A_91] : memref<79x128xi32, #tpu.memory_space<vmem>> -> memref<78x128xi32, #tpu.memory_space<vmem>>
      %dma_start3A_93 = arith.constant 0 : i32
      %dma_start3A_94 = tpu.memref_slice %arg3[%run_scoped3A_4, %add3A, %dma_start3A_93] : memref<2x2500x128xi32, #tpu.memory_space<hbm>> -> memref<1x78x128xi32, #tpu.memory_space<hbm>>
      %dma_start3A_95 = tpu.memref_squeeze %dma_start3A_94 : memref<1x78x128xi32, #tpu.memory_space<hbm>> -> memref<78x128xi32, #tpu.memory_space<hbm>>
      %dma_start3A_96 = arith.constant 0 : i32
      %dma_start3A_97 = arith.constant 0 : i32
      %dma_start3A_98 = tpu.memref_slice %arg6[%dma_start3A_96, %dma_start3A_97] : memref<79x128xi32, #tpu.memory_space<vmem>> -> memref<78x128xi32, #tpu.memory_space<vmem>>
      %dma_start3A_99 = arith.constant 0 : i32
      %dma_start3A_100 = tpu.memref_slice %arg3[%run_scoped3A_4, %add3A, %dma_start3A_99] : memref<2x2500x128xi32, #tpu.memory_space<hbm>> -> memref<1x78x128xi32, #tpu.memory_space<hbm>>
      %dma_start3A_101 = tpu.memref_squeeze %dma_start3A_100 : memref<1x78x128xi32, #tpu.memory_space<hbm>> -> memref<78x128xi32, #tpu.memory_space<hbm>>
      tpu.enqueue_dma source(%dma_start3A_101 : memref<78x128xi32, #tpu.memory_space<hbm>>) target(%dma_start3A_98 : memref<78x128xi32, #tpu.memory_space<vmem>>) target_semaphore(%run_scoped3A_89 : memref<!tpu.dma_semaphore, #tpu.memory_space<semaphore_mem>>)
      %dma_wait3A = arith.constant 0 : i32
      %dma_wait3A_102 = arith.constant 0 : i32
      %dma_wait3A_103 = tpu.memref_slice %arg6[%dma_wait3A, %dma_wait3A_102] : memref<79x128xi32, #tpu.memory_space<vmem>> -> memref<78x128xi32, #tpu.memory_space<vmem>>
      %dma_wait3A_104 = arith.constant 0 : i32
      %dma_wait3A_105 = tpu.memref_slice %arg3[%run_scoped3A_4, %add3A, %dma_wait3A_104] : memref<2x2500x128xi32, #tpu.memory_space<hbm>> -> memref<1x78x128xi32, #tpu.memory_space<hbm>>
      %dma_wait3A_106 = tpu.memref_squeeze %dma_wait3A_105 : memref<1x78x128xi32, #tpu.memory_space<hbm>> -> memref<78x128xi32, #tpu.memory_space<hbm>>
      %dma_wait3A_107 = arith.constant 0 : i32
      %dma_wait3A_108 = arith.constant 0 : i32
      %dma_wait3A_109 = tpu.memref_slice %arg6[%dma_wait3A_107, %dma_wait3A_108] : memref<79x128xi32, #tpu.memory_space<vmem>> -> memref<78x128xi32, #tpu.memory_space<vmem>>
      %dma_wait3A_110 = arith.constant 0 : i32
      %dma_wait3A_111 = tpu.memref_slice %arg3[%run_scoped3A_4, %add3A, %dma_wait3A_110] : memref<2x2500x128xi32, #tpu.memory_space<hbm>> -> memref<1x78x128xi32, #tpu.memory_space<hbm>>
      %dma_wait3A_112 = tpu.memref_squeeze %dma_wait3A_111 : memref<1x78x128xi32, #tpu.memory_space<hbm>> -> memref<78x128xi32, #tpu.memory_space<hbm>>
      tpu.wait_dma2 semaphore(%run_scoped3A_89 : memref<!tpu.dma_semaphore, #tpu.memory_space<semaphore_mem>>) src(%dma_wait3A_112 : memref<78x128xi32, #tpu.memory_space<hbm>>) dst(%dma_wait3A_109 : memref<78x128xi32, #tpu.memory_space<vmem>>)
      tpu.yield
    }) : () -> ()
    %convert_element_type3A = arith.extui %lt3A_3 : i1 to i32
    %cond3A = arith.constant 0 : i32
    %cond3A_5 = arith.cmpi ne, %convert_element_type3A, %cond3A : i32
    scf.if %cond3A_5 {
      %mul3A_89 = arith.constant 1250 : i32
      %mul3A_90 = arith.muli %arg0, %mul3A_89 : i32
      %add3A_91 = arith.constant 1248 : i32
      %add3A_92 = arith.addi %mul3A_90, %add3A_91 : i32
      %add3A_93 = arith.addi %add3A_92, %arg1 : i32
      %run_scoped3A_94 = arith.constant 0 : i32
      "tpu.region"() ({
        %run_scoped3A_96 = tpu.sem_alloc : memref<!tpu.dma_semaphore, #tpu.memory_space<semaphore_mem>>
        %dma_start3A_97 = arith.constant 78 : i32
        %dma_start3A_98 = arith.constant 0 : i32
        %dma_start3A_99 = tpu.memref_slice %arg5[%dma_start3A_97, %dma_start3A_98] : memref<79x128xi32, #tpu.memory_space<vmem>> -> memref<1x128xi32, #tpu.memory_space<vmem>>
        %dma_start3A_100 = arith.constant 0 : i32
        %dma_start3A_101 = tpu.memref_slice %arg3[%run_scoped3A_94, %add3A_93, %dma_start3A_100] : memref<2x2500x128xi32, #tpu.memory_space<hbm>> -> memref<1x1x128xi32, #tpu.memory_space<hbm>>
        %dma_start3A_102 = tpu.memref_squeeze %dma_start3A_101 : memref<1x1x128xi32, #tpu.memory_space<hbm>> -> memref<1x128xi32, #tpu.memory_space<hbm>>
        %dma_start3A_103 = arith.constant 78 : i32
        %dma_start3A_104 = arith.constant 0 : i32
        %dma_start3A_105 = tpu.memref_slice %arg5[%dma_start3A_103, %dma_start3A_104] : memref<79x128xi32, #tpu.memory_space<vmem>> -> memref<1x128xi32, #tpu.memory_space<vmem>>
        %dma_start3A_106 = arith.constant 0 : i32
        %dma_start3A_107 = tpu.memref_slice %arg3[%run_scoped3A_94, %add3A_93, %dma_start3A_106] : memref<2x2500x128xi32, #tpu.memory_space<hbm>> -> memref<1x1x128xi32, #tpu.memory_space<hbm>>
        %dma_start3A_108 = tpu.memref_squeeze %dma_start3A_107 : memref<1x1x128xi32, #tpu.memory_space<hbm>> -> memref<1x128xi32, #tpu.memory_space<hbm>>
        tpu.enqueue_dma source(%dma_start3A_108 : memref<1x128xi32, #tpu.memory_space<hbm>>) target(%dma_start3A_105 : memref<1x128xi32, #tpu.memory_space<vmem>>) target_semaphore(%run_scoped3A_96 : memref<!tpu.dma_semaphore, #tpu.memory_space<semaphore_mem>>)
        %dma_wait3A = arith.constant 78 : i32
        %dma_wait3A_109 = arith.constant 0 : i32
        %dma_wait3A_110 = tpu.memref_slice %arg5[%dma_wait3A, %dma_wait3A_109] : memref<79x128xi32, #tpu.memory_space<vmem>> -> memref<1x128xi32, #tpu.memory_space<vmem>>
        %dma_wait3A_111 = arith.constant 0 : i32
        %dma_wait3A_112 = tpu.memref_slice %arg3[%run_scoped3A_94, %add3A_93, %dma_wait3A_111] : memref<2x2500x128xi32, #tpu.memory_space<hbm>> -> memref<1x1x128xi32, #tpu.memory_space<hbm>>
        %dma_wait3A_113 = tpu.memref_squeeze %dma_wait3A_112 : memref<1x1x128xi32, #tpu.memory_space<hbm>> -> memref<1x128xi32, #tpu.memory_space<hbm>>
        %dma_wait3A_114 = arith.constant 78 : i32
        %dma_wait3A_115 = arith.constant 0 : i32
        %dma_wait3A_116 = tpu.memref_slice %arg5[%dma_wait3A_114, %dma_wait3A_115] : memref<79x128xi32, #tpu.memory_space<vmem>> -> memref<1x128xi32, #tpu.memory_space<vmem>>
        %dma_wait3A_117 = arith.constant 0 : i32
        %dma_wait3A_118 = tpu.memref_slice %arg3[%run_scoped3A_94, %add3A_93, %dma_wait3A_117] : memref<2x2500x128xi32, #tpu.memory_space<hbm>> -> memref<1x1x128xi32, #tpu.memory_space<hbm>>
        %dma_wait3A_119 = tpu.memref_squeeze %dma_wait3A_118 : memref<1x1x128xi32, #tpu.memory_space<hbm>> -> memref<1x128xi32, #tpu.memory_space<hbm>>
        tpu.wait_dma2 semaphore(%run_scoped3A_96 : memref<!tpu.dma_semaphore, #tpu.memory_space<semaphore_mem>>) src(%dma_wait3A_119 : memref<1x128xi32, #tpu.memory_space<hbm>>) dst(%dma_wait3A_116 : memref<1x128xi32, #tpu.memory_space<vmem>>)
        tpu.yield
      }) : () -> ()
      %run_scoped3A_95 = arith.constant 1 : i32
      "tpu.region"() ({
        %run_scoped3A_96 = tpu.sem_alloc : memref<!tpu.dma_semaphore, #tpu.memory_space<semaphore_mem>>
        %dma_start3A_97 = arith.constant 78 : i32
        %dma_start3A_98 = arith.constant 0 : i32
        %dma_start3A_99 = tpu.memref_slice %arg6[%dma_start3A_97, %dma_start3A_98] : memref<79x128xi32, #tpu.memory_space<vmem>> -> memref<1x128xi32, #tpu.memory_space<vmem>>
        %dma_start3A_100 = arith.constant 0 : i32
        %dma_start3A_101 = tpu.memref_slice %arg3[%run_scoped3A_95, %add3A_93, %dma_start3A_100] : memref<2x2500x128xi32, #tpu.memory_space<hbm>> -> memref<1x1x128xi32, #tpu.memory_space<hbm>>
        %dma_start3A_102 = tpu.memref_squeeze %dma_start3A_101 : memref<1x1x128xi32, #tpu.memory_space<hbm>> -> memref<1x128xi32, #tpu.memory_space<hbm>>
        %dma_start3A_103 = arith.constant 78 : i32
        %dma_start3A_104 = arith.constant 0 : i32
        %dma_start3A_105 = tpu.memref_slice %arg6[%dma_start3A_103, %dma_start3A_104] : memref<79x128xi32, #tpu.memory_space<vmem>> -> memref<1x128xi32, #tpu.memory_space<vmem>>
        %dma_start3A_106 = arith.constant 0 : i32
        %dma_start3A_107 = tpu.memref_slice %arg3[%run_scoped3A_95, %add3A_93, %dma_start3A_106] : memref<2x2500x128xi32, #tpu.memory_space<hbm>> -> memref<1x1x128xi32, #tpu.memory_space<hbm>>
        %dma_start3A_108 = tpu.memref_squeeze %dma_start3A_107 : memref<1x1x128xi32, #tpu.memory_space<hbm>> -> memref<1x128xi32, #tpu.memory_space<hbm>>
        tpu.enqueue_dma source(%dma_start3A_108 : memref<1x128xi32, #tpu.memory_space<hbm>>) target(%dma_start3A_105 : memref<1x128xi32, #tpu.memory_space<vmem>>) target_semaphore(%run_scoped3A_96 : memref<!tpu.dma_semaphore, #tpu.memory_space<semaphore_mem>>)
        %dma_wait3A = arith.constant 78 : i32
        %dma_wait3A_109 = arith.constant 0 : i32
        %dma_wait3A_110 = tpu.memref_slice %arg6[%dma_wait3A, %dma_wait3A_109] : memref<79x128xi32, #tpu.memory_space<vmem>> -> memref<1x128xi32, #tpu.memory_space<vmem>>
        %dma_wait3A_111 = arith.constant 0 : i32
        %dma_wait3A_112 = tpu.memref_slice %arg3[%run_scoped3A_95, %add3A_93, %dma_wait3A_111] : memref<2x2500x128xi32, #tpu.memory_space<hbm>> -> memref<1x1x128xi32, #tpu.memory_space<hbm>>
        %dma_wait3A_113 = tpu.memref_squeeze %dma_wait3A_112 : memref<1x1x128xi32, #tpu.memory_space<hbm>> -> memref<1x128xi32, #tpu.memory_space<hbm>>
        %dma_wait3A_114 = arith.constant 78 : i32
        %dma_wait3A_115 = arith.constant 0 : i32
        %dma_wait3A_116 = tpu.memref_slice %arg6[%dma_wait3A_114, %dma_wait3A_115] : memref<79x128xi32, #tpu.memory_space<vmem>> -> memref<1x128xi32, #tpu.memory_space<vmem>>
        %dma_wait3A_117 = arith.constant 0 : i32
        %dma_wait3A_118 = tpu.memref_slice %arg3[%run_scoped3A_95, %add3A_93, %dma_wait3A_117] : memref<2x2500x128xi32, #tpu.memory_space<hbm>> -> memref<1x1x128xi32, #tpu.memory_space<hbm>>
        %dma_wait3A_119 = tpu.memref_squeeze %dma_wait3A_118 : memref<1x1x128xi32, #tpu.memory_space<hbm>> -> memref<1x128xi32, #tpu.memory_space<hbm>>
        tpu.wait_dma2 semaphore(%run_scoped3A_96 : memref<!tpu.dma_semaphore, #tpu.memory_space<semaphore_mem>>) src(%dma_wait3A_119 : memref<1x128xi32, #tpu.memory_space<hbm>>) dst(%dma_wait3A_116 : memref<1x128xi32, #tpu.memory_space<vmem>>)
        tpu.yield
      }) : () -> ()
    } else {
    }
    %broadcast_in_dim3A = arith.constant 0.000000e+00 : f32
    %broadcast_in_dim3A_6 = vector.broadcast %broadcast_in_dim3A : f32 to vector<16xf32>
    %mul3A_7 = arith.constant 626 : i32
    %mul3A_8 = arith.muli %arg1, %mul3A_7 : i32
    %mul3A_9 = arith.constant 625 : i32
    %mul3A_10 = arith.muli %arg1, %mul3A_9 : i32
    %mul3A_11 = arith.constant 625 : i32
    %mul3A_12 = arith.muli %arg1, %mul3A_11 : i32
    "tpu.region"() ({
      %run_scoped3A_89 = tpu.sem_alloc : memref<!tpu.dma_semaphore, #tpu.memory_space<semaphore_mem>>
      %dma_start3A_90 = arith.constant 0 : i32
      %dma_start3A_91 = tpu.memref_slice %arg9[%mul3A_12, %dma_start3A_90] : memref<10000x64xf32, #tpu.memory_space<vmem_shared>> -> memref<625x64xf32, #tpu.memory_space<vmem_shared>>
      %dma_start3A_92 = arith.constant 0 : i32
      %dma_start3A_93 = tpu.memref_slice %arg2[%mul3A_10, %dma_start3A_92] : memref<10000x128xf32, #tpu.memory_space<hbm>> -> memref<625x64xf32, #tpu.memory_space<hbm>>
      tpu.enqueue_dma source(%dma_start3A_93 : memref<625x64xf32, #tpu.memory_space<hbm>>) target(%dma_start3A_91 : memref<625x64xf32, #tpu.memory_space<vmem_shared>>) target_semaphore(%run_scoped3A_89 : memref<!tpu.dma_semaphore, #tpu.memory_space<semaphore_mem>>)
      %dma_wait3A = arith.constant 0 : i32
      %dma_wait3A_94 = tpu.memref_slice %arg9[%mul3A_12, %dma_wait3A] : memref<10000x64xf32, #tpu.memory_space<vmem_shared>> -> memref<625x64xf32, #tpu.memory_space<vmem_shared>>
      %dma_wait3A_95 = arith.constant 0 : i32
      %dma_wait3A_96 = tpu.memref_slice %arg2[%mul3A_10, %dma_wait3A_95] : memref<10000x128xf32, #tpu.memory_space<hbm>> -> memref<625x64xf32, #tpu.memory_space<hbm>>
      tpu.wait_dma2 semaphore(%run_scoped3A_89 : memref<!tpu.dma_semaphore, #tpu.memory_space<semaphore_mem>>) src(%dma_wait3A_96 : memref<625x64xf32, #tpu.memory_space<hbm>>) dst(%dma_wait3A_94 : memref<625x64xf32, #tpu.memory_space<vmem_shared>>)
      tpu.yield
    }) : () -> ()
    %scan3A = arith.constant 0 : i32
    %scan3A_13 = arith.constant 128 : i32
    %scan3A_14 = arith.addi %scan3A, %scan3A_13 : i32
    %scan3A_15 = arith.constant 1 : i32
    scf.for %scan3A_89 = %scan3A to %scan3A_14 step %scan3A_15  : i32 {
      %mul3A_90 = arith.constant 1 : i32
      %mul3A_91 = arith.muli %scan3A_89, %mul3A_90 : i32
      %add3A_92 = arith.constant 0 : i32
      %add3A_93 = arith.addi %add3A_92, %mul3A_91 : i32
      %swap3A = arith.index_cast %add3A_93 : i32 to index
      %swap3A_94 = arith.constant 0 : index
      %swap3A_95 = tpu.vector_load %arg7[%swap3A, %swap3A_94] {strides = array<i32>} : memref<128x64xf32, #tpu.memory_space<vmem>>, vector<1x16xf32>,
      %swap3A_96 = vector.shape_cast %swap3A_95 : vector<1x16xf32> to vector<16xf32>
      %swap3A_97 = vector.shape_cast %broadcast_in_dim3A_6 : vector<16xf32> to vector<1x16xf32>
      tpu.vector_store %arg7[%swap3A, %swap3A_94], %swap3A_97 {strides = array<i32>} : memref<128x64xf32, #tpu.memory_space<vmem>>, vector<1x16xf32>,
      %swap3A_98 = arith.index_cast %add3A_93 : i32 to index
      %swap3A_99 = arith.constant 16 : index
      %swap3A_100 = tpu.vector_load %arg7[%swap3A_98, %swap3A_99] {strides = array<i32>} : memref<128x64xf32, #tpu.memory_space<vmem>>, vector<1x16xf32>,
      %swap3A_101 = vector.shape_cast %swap3A_100 : vector<1x16xf32> to vector<16xf32>
      %swap3A_102 = vector.shape_cast %broadcast_in_dim3A_6 : vector<16xf32> to vector<1x16xf32>
      tpu.vector_store %arg7[%swap3A_98, %swap3A_99], %swap3A_102 {strides = array<i32>} : memref<128x64xf32, #tpu.memory_space<vmem>>, vector<1x16xf32>,
      %swap3A_103 = arith.index_cast %add3A_93 : i32 to index
      %swap3A_104 = arith.constant 32 : index
      %swap3A_105 = tpu.vector_load %arg7[%swap3A_103, %swap3A_104] {strides = array<i32>} : memref<128x64xf32, #tpu.memory_space<vmem>>, vector<1x16xf32>,
      %swap3A_106 = vector.shape_cast %swap3A_105 : vector<1x16xf32> to vector<16xf32>
      %swap3A_107 = vector.shape_cast %broadcast_in_dim3A_6 : vector<16xf32> to vector<1x16xf32>
      tpu.vector_store %arg7[%swap3A_103, %swap3A_104], %swap3A_107 {strides = array<i32>} : memref<128x64xf32, #tpu.memory_space<vmem>>, vector<1x16xf32>,
      %swap3A_108 = arith.index_cast %add3A_93 : i32 to index
      %swap3A_109 = arith.constant 48 : index
      %swap3A_110 = tpu.vector_load %arg7[%swap3A_108, %swap3A_109] {strides = array<i32>} : memref<128x64xf32, #tpu.memory_space<vmem>>, vector<1x16xf32>,
      %swap3A_111 = vector.shape_cast %swap3A_110 : vector<1x16xf32> to vector<16xf32>
      %swap3A_112 = vector.shape_cast %broadcast_in_dim3A_6 : vector<16xf32> to vector<1x16xf32>
      tpu.vector_store %arg7[%swap3A_108, %swap3A_109], %swap3A_112 {strides = array<i32>} : memref<128x64xf32, #tpu.memory_space<vmem>>, vector<1x16xf32>,
    }
    %scan3A_16 = arith.constant 128 : i32
    %add3A_17 = arith.constant 0 : i32
    %add3A_18 = arith.addi %mul3A_8, %add3A_17 : i32
    "tpu.region"() ({
      %run_scoped3A_89 = tpu.sem_alloc : memref<!tpu.dma_semaphore, #tpu.memory_space<semaphore_mem>>
      %dma_start3A_90 = arith.constant 0 : i32
      %dma_start3A_91 = tpu.memref_slice %arg10[%add3A_18, %dma_start3A_90] : memref<10016x64xf32, #tpu.memory_space<vmem_shared>> -> memref<128x64xf32, #tpu.memory_space<vmem_shared>>
      %dma_start3A_92 = arith.constant 0 : i32
      %dma_start3A_93 = tpu.memref_slice %arg10[%add3A_18, %dma_start3A_92] : memref<10016x64xf32, #tpu.memory_space<vmem_shared>> -> memref<128x64xf32, #tpu.memory_space<vmem_shared>>
      tpu.enqueue_dma source(%arg7 : memref<128x64xf32, #tpu.memory_space<vmem>>) target(%dma_start3A_93 : memref<128x64xf32, #tpu.memory_space<vmem_shared>>) target_semaphore(%run_scoped3A_89 : memref<!tpu.dma_semaphore, #tpu.memory_space<semaphore_mem>>)
      %dma_wait3A = arith.constant 0 : i32
      %dma_wait3A_94 = tpu.memref_slice %arg10[%add3A_18, %dma_wait3A] : memref<10016x64xf32, #tpu.memory_space<vmem_shared>> -> memref<128x64xf32, #tpu.memory_space<vmem_shared>>
      %dma_wait3A_95 = arith.constant 0 : i32
      %dma_wait3A_96 = tpu.memref_slice %arg10[%add3A_18, %dma_wait3A_95] : memref<10016x64xf32, #tpu.memory_space<vmem_shared>> -> memref<128x64xf32, #tpu.memory_space<vmem_shared>>
      tpu.wait_dma2 semaphore(%run_scoped3A_89 : memref<!tpu.dma_semaphore, #tpu.memory_space<semaphore_mem>>) src(%arg7 : memref<128x64xf32, #tpu.memory_space<vmem>>) dst(%dma_wait3A_96 : memref<128x64xf32, #tpu.memory_space<vmem_shared>>)
      tpu.yield
    }) : () -> ()
    %add3A_19 = arith.constant 128 : i32
    %add3A_20 = arith.addi %mul3A_8, %add3A_19 : i32
    "tpu.region"() ({
      %run_scoped3A_89 = tpu.sem_alloc : memref<!tpu.dma_semaphore, #tpu.memory_space<semaphore_mem>>
      %dma_start3A_90 = arith.constant 0 : i32
      %dma_start3A_91 = tpu.memref_slice %arg10[%add3A_20, %dma_start3A_90] : memref<10016x64xf32, #tpu.memory_space<vmem_shared>> -> memref<128x64xf32, #tpu.memory_space<vmem_shared>>
      %dma_start3A_92 = arith.constant 0 : i32
      %dma_start3A_93 = tpu.memref_slice %arg10[%add3A_20, %dma_start3A_92] : memref<10016x64xf32, #tpu.memory_space<vmem_shared>> -> memref<128x64xf32, #tpu.memory_space<vmem_shared>>
      tpu.enqueue_dma source(%arg7 : memref<128x64xf32, #tpu.memory_space<vmem>>) target(%dma_start3A_93 : memref<128x64xf32, #tpu.memory_space<vmem_shared>>) target_semaphore(%run_scoped3A_89 : memref<!tpu.dma_semaphore, #tpu.memory_space<semaphore_mem>>)
      %dma_wait3A = arith.constant 0 : i32
      %dma_wait3A_94 = tpu.memref_slice %arg10[%add3A_20, %dma_wait3A] : memref<10016x64xf32, #tpu.memory_space<vmem_shared>> -> memref<128x64xf32, #tpu.memory_space<vmem_shared>>
      %dma_wait3A_95 = arith.constant 0 : i32
      %dma_wait3A_96 = tpu.memref_slice %arg10[%add3A_20, %dma_wait3A_95] : memref<10016x64xf32, #tpu.memory_space<vmem_shared>> -> memref<128x64xf32, #tpu.memory_space<vmem_shared>>
      tpu.wait_dma2 semaphore(%run_scoped3A_89 : memref<!tpu.dma_semaphore, #tpu.memory_space<semaphore_mem>>) src(%arg7 : memref<128x64xf32, #tpu.memory_space<vmem>>) dst(%dma_wait3A_96 : memref<128x64xf32, #tpu.memory_space<vmem_shared>>)
      tpu.yield
    }) : () -> ()
    %add3A_21 = arith.constant 256 : i32
    %add3A_22 = arith.addi %mul3A_8, %add3A_21 : i32
    "tpu.region"() ({
      %run_scoped3A_89 = tpu.sem_alloc : memref<!tpu.dma_semaphore, #tpu.memory_space<semaphore_mem>>
      %dma_start3A_90 = arith.constant 0 : i32
      %dma_start3A_91 = tpu.memref_slice %arg10[%add3A_22, %dma_start3A_90] : memref<10016x64xf32, #tpu.memory_space<vmem_shared>> -> memref<128x64xf32, #tpu.memory_space<vmem_shared>>
      %dma_start3A_92 = arith.constant 0 : i32
      %dma_start3A_93 = tpu.memref_slice %arg10[%add3A_22, %dma_start3A_92] : memref<10016x64xf32, #tpu.memory_space<vmem_shared>> -> memref<128x64xf32, #tpu.memory_space<vmem_shared>>
      tpu.enqueue_dma source(%arg7 : memref<128x64xf32, #tpu.memory_space<vmem>>) target(%dma_start3A_93 : memref<128x64xf32, #tpu.memory_space<vmem_shared>>) target_semaphore(%run_scoped3A_89 : memref<!tpu.dma_semaphore, #tpu.memory_space<semaphore_mem>>)
      %dma_wait3A = arith.constant 0 : i32
      %dma_wait3A_94 = tpu.memref_slice %arg10[%add3A_22, %dma_wait3A] : memref<10016x64xf32, #tpu.memory_space<vmem_shared>> -> memref<128x64xf32, #tpu.memory_space<vmem_shared>>
      %dma_wait3A_95 = arith.constant 0 : i32
      %dma_wait3A_96 = tpu.memref_slice %arg10[%add3A_22, %dma_wait3A_95] : memref<10016x64xf32, #tpu.memory_space<vmem_shared>> -> memref<128x64xf32, #tpu.memory_space<vmem_shared>>
      tpu.wait_dma2 semaphore(%run_scoped3A_89 : memref<!tpu.dma_semaphore, #tpu.memory_space<semaphore_mem>>) src(%arg7 : memref<128x64xf32, #tpu.memory_space<vmem>>) dst(%dma_wait3A_96 : memref<128x64xf32, #tpu.memory_space<vmem_shared>>)
      tpu.yield
    }) : () -> ()
    %add3A_23 = arith.constant 384 : i32
    %add3A_24 = arith.addi %mul3A_8, %add3A_23 : i32
    "tpu.region"() ({
      %run_scoped3A_89 = tpu.sem_alloc : memref<!tpu.dma_semaphore, #tpu.memory_space<semaphore_mem>>
      %dma_start3A_90 = arith.constant 0 : i32
      %dma_start3A_91 = tpu.memref_slice %arg10[%add3A_24, %dma_start3A_90] : memref<10016x64xf32, #tpu.memory_space<vmem_shared>> -> memref<128x64xf32, #tpu.memory_space<vmem_shared>>
      %dma_start3A_92 = arith.constant 0 : i32
      %dma_start3A_93 = tpu.memref_slice %arg10[%add3A_24, %dma_start3A_92] : memref<10016x64xf32, #tpu.memory_space<vmem_shared>> -> memref<128x64xf32, #tpu.memory_space<vmem_shared>>
      tpu.enqueue_dma source(%arg7 : memref<128x64xf32, #tpu.memory_space<vmem>>) target(%dma_start3A_93 : memref<128x64xf32, #tpu.memory_space<vmem_shared>>) target_semaphore(%run_scoped3A_89 : memref<!tpu.dma_semaphore, #tpu.memory_space<semaphore_mem>>)
      %dma_wait3A = arith.constant 0 : i32
      %dma_wait3A_94 = tpu.memref_slice %arg10[%add3A_24, %dma_wait3A] : memref<10016x64xf32, #tpu.memory_space<vmem_shared>> -> memref<128x64xf32, #tpu.memory_space<vmem_shared>>
      %dma_wait3A_95 = arith.constant 0 : i32
      %dma_wait3A_96 = tpu.memref_slice %arg10[%add3A_24, %dma_wait3A_95] : memref<10016x64xf32, #tpu.memory_space<vmem_shared>> -> memref<128x64xf32, #tpu.memory_space<vmem_shared>>
      tpu.wait_dma2 semaphore(%run_scoped3A_89 : memref<!tpu.dma_semaphore, #tpu.memory_space<semaphore_mem>>) src(%arg7 : memref<128x64xf32, #tpu.memory_space<vmem>>) dst(%dma_wait3A_96 : memref<128x64xf32, #tpu.memory_space<vmem_shared>>)
      tpu.yield
    }) : () -> ()
    %add3A_25 = arith.constant 512 : i32
    %add3A_26 = arith.addi %mul3A_8, %add3A_25 : i32
    "tpu.region"() ({
      %run_scoped3A_89 = tpu.sem_alloc : memref<!tpu.dma_semaphore, #tpu.memory_space<semaphore_mem>>
      %dma_start3A_90 = arith.constant 0 : i32
      %dma_start3A_91 = arith.constant 0 : i32
      %dma_start3A_92 = tpu.memref_slice %arg7[%dma_start3A_90, %dma_start3A_91] : memref<128x64xf32, #tpu.memory_space<vmem>> -> memref<114x64xf32, #tpu.memory_space<vmem>>
      %dma_start3A_93 = arith.constant 0 : i32
      %dma_start3A_94 = tpu.memref_slice %arg10[%add3A_26, %dma_start3A_93] : memref<10016x64xf32, #tpu.memory_space<vmem_shared>> -> memref<114x64xf32, #tpu.memory_space<vmem_shared>>
      %dma_start3A_95 = arith.constant 0 : i32
      %dma_start3A_96 = tpu.memref_slice %arg10[%add3A_26, %dma_start3A_95] : memref<10016x64xf32, #tpu.memory_space<vmem_shared>> -> memref<114x64xf32, #tpu.memory_space<vmem_shared>>
      %dma_start3A_97 = arith.constant 0 : i32
      %dma_start3A_98 = arith.constant 0 : i32
      %dma_start3A_99 = tpu.memref_slice %arg7[%dma_start3A_97, %dma_start3A_98] : memref<128x64xf32, #tpu.memory_space<vmem>> -> memref<114x64xf32, #tpu.memory_space<vmem>>
      tpu.enqueue_dma source(%dma_start3A_99 : memref<114x64xf32, #tpu.memory_space<vmem>>) target(%dma_start3A_96 : memref<114x64xf32, #tpu.memory_space<vmem_shared>>) target_semaphore(%run_scoped3A_89 : memref<!tpu.dma_semaphore, #tpu.memory_space<semaphore_mem>>)
      %dma_wait3A = arith.constant 0 : i32
      %dma_wait3A_100 = arith.constant 0 : i32
      %dma_wait3A_101 = tpu.memref_slice %arg7[%dma_wait3A, %dma_wait3A_100] : memref<128x64xf32, #tpu.memory_space<vmem>> -> memref<114x64xf32, #tpu.memory_space<vmem>>
      %dma_wait3A_102 = arith.constant 0 : i32
      %dma_wait3A_103 = tpu.memref_slice %arg10[%add3A_26, %dma_wait3A_102] : memref<10016x64xf32, #tpu.memory_space<vmem_shared>> -> memref<114x64xf32, #tpu.memory_space<vmem_shared>>
      %dma_wait3A_104 = arith.constant 0 : i32
      %dma_wait3A_105 = tpu.memref_slice %arg10[%add3A_26, %dma_wait3A_104] : memref<10016x64xf32, #tpu.memory_space<vmem_shared>> -> memref<114x64xf32, #tpu.memory_space<vmem_shared>>
      %dma_wait3A_106 = arith.constant 0 : i32
      %dma_wait3A_107 = arith.constant 0 : i32
      %dma_wait3A_108 = tpu.memref_slice %arg7[%dma_wait3A_106, %dma_wait3A_107] : memref<128x64xf32, #tpu.memory_space<vmem>> -> memref<114x64xf32, #tpu.memory_space<vmem>>
      tpu.wait_dma2 semaphore(%run_scoped3A_89 : memref<!tpu.dma_semaphore, #tpu.memory_space<semaphore_mem>>) src(%dma_wait3A_108 : memref<114x64xf32, #tpu.memory_space<vmem>>) dst(%dma_wait3A_105 : memref<114x64xf32, #tpu.memory_space<vmem_shared>>)
      tpu.yield
    }) : () -> ()
    %barrier3A = arith.constant 0 : index
    tpu.barrier barrier_id(%barrier3A)
    %dma_start3A = arith.constant 0 : i32
    %dma_start3A_27 = arith.constant 0 : i32
    %dma_start3A_28 = tpu.memref_slice %arg5[%dma_start3A, %dma_start3A_27] : memref<79x128xi32, #tpu.memory_space<vmem>> -> memref<1x128xi32, #tpu.memory_space<vmem>>
    %dma_start3A_29 = tpu.memref_squeeze %dma_start3A_28 : memref<1x128xi32, #tpu.memory_space<vmem>> -> memref<128xi32, #tpu.memory_space<vmem>>
    %dma_start3A_30 = arith.constant 0 : i32
    %dma_start3A_31 = arith.constant 0 : i32
    %dma_start3A_32 = tpu.memref_slice %arg9[%dma_start3A_30, %dma_start3A_31] : memref<10000x64xf32, #tpu.memory_space<vmem_shared>> -> memref<10000x64xf32, #tpu.memory_space<vmem_shared>>
    tpu.enqueue_indirect_dma source(%dma_start3A_32 : memref<10000x64xf32, #tpu.memory_space<vmem_shared>>) target(%arg7 : memref<128x64xf32, #tpu.memory_space<vmem>>) offsets(%dma_start3A_29 : memref<128xi32, #tpu.memory_space<vmem>>) semaphore(%arg11 : memref<!tpu.dma_semaphore, #tpu.memory_space<semaphore_mem>>)
    %scan3A_33 = arith.constant 0 : i32
    %scan3A_34 = arith.constant 39 : i32
    %scan3A_35 = arith.addi %scan3A_33, %scan3A_34 : i32
    %scan3A_36 = arith.constant 1 : i32
    scf.for %scan3A_89 = %scan3A_33 to %scan3A_35 step %scan3A_36  : i32 {
      %mul3A_90 = arith.constant 1 : i32
      %mul3A_91 = arith.muli %scan3A_89, %mul3A_90 : i32
      %add3A_92 = arith.constant 0 : i32
      %add3A_93 = arith.addi %add3A_92, %mul3A_91 : i32
      %mul3A_94 = arith.constant 2 : i32
      %mul3A_95 = arith.muli %mul3A_94, %add3A_93 : i32
      %add3A_96 = arith.constant 1 : i32
      %add3A_97 = arith.addi %mul3A_95, %add3A_96 : i32
      %dma_start3A_98 = arith.constant 0 : i32
      %dma_start3A_99 = tpu.memref_slice %arg5[%add3A_97, %dma_start3A_98] : memref<79x128xi32, #tpu.memory_space<vmem>> -> memref<1x128xi32, #tpu.memory_space<vmem>>
      %dma_start3A_100 = tpu.memref_squeeze %dma_start3A_99 : memref<1x128xi32, #tpu.memory_space<vmem>> -> memref<128xi32, #tpu.memory_space<vmem>>
      %dma_start3A_101 = arith.constant 0 : i32
      %dma_start3A_102 = arith.constant 0 : i32
      %dma_start3A_103 = tpu.memref_slice %arg9[%dma_start3A_101, %dma_start3A_102] : memref<10000x64xf32, #tpu.memory_space<vmem_shared>> -> memref<10000x64xf32, #tpu.memory_space<vmem_shared>>
      tpu.enqueue_indirect_dma source(%dma_start3A_103 : memref<10000x64xf32, #tpu.memory_space<vmem_shared>>) target(%arg8 : memref<128x64xf32, #tpu.memory_space<vmem>>) offsets(%dma_start3A_100 : memref<128xi32, #tpu.memory_space<vmem>>) semaphore(%arg12 : memref<!tpu.dma_semaphore, #tpu.memory_space<semaphore_mem>>)
      %dma_wait3A = arith.constant 0 : i32
      %dma_wait3A_104 = tpu.memref_slice %arg5[%mul3A_95, %dma_wait3A] : memref<79x128xi32, #tpu.memory_space<vmem>> -> memref<1x128xi32, #tpu.memory_space<vmem>>
      %dma_wait3A_105 = tpu.memref_squeeze %dma_wait3A_104 : memref<1x128xi32, #tpu.memory_space<vmem>> -> memref<128xi32, #tpu.memory_space<vmem>>
      %dma_wait3A_106 = arith.constant 0 : i32
      %dma_wait3A_107 = arith.constant 0 : i32
      %dma_wait3A_108 = tpu.memref_slice %arg9[%dma_wait3A_106, %dma_wait3A_107] : memref<10000x64xf32, #tpu.memory_space<vmem_shared>> -> memref<10000x64xf32, #tpu.memory_space<vmem_shared>>
      tpu.wait_indirect_dma semaphore(%arg11 : memref<!tpu.dma_semaphore, #tpu.memory_space<semaphore_mem>>) src(%dma_wait3A_108 : memref<10000x64xf32, #tpu.memory_space<vmem_shared>>) dst(%arg7 : memref<128x64xf32, #tpu.memory_space<vmem>>)
      "tpu.region"() ({
        %run_scoped3A_126 = tpu.sem_alloc : memref<!tpu.dma_semaphore, #tpu.memory_space<semaphore_mem>>
        %dma_start3A_127 = arith.constant 0 : i32
        %dma_start3A_128 = tpu.memref_slice %arg6[%mul3A_95, %dma_start3A_127] : memref<79x128xi32, #tpu.memory_space<vmem>> -> memref<1x128xi32, #tpu.memory_space<vmem>>
        %dma_start3A_129 = tpu.memref_squeeze %dma_start3A_128 : memref<1x128xi32, #tpu.memory_space<vmem>> -> memref<128xi32, #tpu.memory_space<vmem>>
        %dma_start3A_130 = arith.constant 0 : i32
        %dma_start3A_131 = arith.constant 0 : i32
        %dma_start3A_132 = tpu.memref_slice %arg10[%dma_start3A_130, %dma_start3A_131] : memref<10016x64xf32, #tpu.memory_space<vmem_shared>> -> memref<10016x64xf32, #tpu.memory_space<vmem_shared>>
        tpu.enqueue_indirect_dma source(%arg7 : memref<128x64xf32, #tpu.memory_space<vmem>>) target(%dma_start3A_132 : memref<10016x64xf32, #tpu.memory_space<vmem_shared>>) offsets(%dma_start3A_129 : memref<128xi32, #tpu.memory_space<vmem>>) semaphore(%run_scoped3A_126 : memref<!tpu.dma_semaphore, #tpu.memory_space<semaphore_mem>>) {add = true}
        %dma_wait3A_133 = arith.constant 0 : i32
        %dma_wait3A_134 = tpu.memref_slice %arg6[%mul3A_95, %dma_wait3A_133] : memref<79x128xi32, #tpu.memory_space<vmem>> -> memref<1x128xi32, #tpu.memory_space<vmem>>
        %dma_wait3A_135 = tpu.memref_squeeze %dma_wait3A_134 : memref<1x128xi32, #tpu.memory_space<vmem>> -> memref<128xi32, #tpu.memory_space<vmem>>
        %dma_wait3A_136 = arith.constant 0 : i32
        %dma_wait3A_137 = arith.constant 0 : i32
        %dma_wait3A_138 = tpu.memref_slice %arg10[%dma_wait3A_136, %dma_wait3A_137] : memref<10016x64xf32, #tpu.memory_space<vmem_shared>> -> memref<10016x64xf32, #tpu.memory_space<vmem_shared>>
        tpu.wait_indirect_dma semaphore(%run_scoped3A_126 : memref<!tpu.dma_semaphore, #tpu.memory_space<semaphore_mem>>) src(%arg7 : memref<128x64xf32, #tpu.memory_space<vmem>>) dst(%dma_wait3A_138 : memref<10016x64xf32, #tpu.memory_space<vmem_shared>>)
        tpu.yield
      }) : () -> ()
      %add3A_109 = arith.constant 2 : i32
      %add3A_110 = arith.addi %mul3A_95, %add3A_109 : i32
      %lt3A_111 = arith.constant 78 : i32
      %lt3A_112 = arith.cmpi slt, %add3A_110, %lt3A_111 : i32
      %convert_element_type3A_113 = arith.extui %lt3A_112 : i1 to i32
      %cond3A_114 = arith.constant 0 : i32
      %cond3A_115 = arith.cmpi ne, %convert_element_type3A_113, %cond3A_114 : i32
      scf.if %cond3A_115 {
        %add3A_126 = arith.constant 2 : i32
        %add3A_127 = arith.addi %mul3A_95, %add3A_126 : i32
        %dma_start3A_128 = arith.constant 0 : i32
        %dma_start3A_129 = tpu.memref_slice %arg5[%add3A_127, %dma_start3A_128] : memref<79x128xi32, #tpu.memory_space<vmem>> -> memref<1x128xi32, #tpu.memory_space<vmem>>
        %dma_start3A_130 = tpu.memref_squeeze %dma_start3A_129 : memref<1x128xi32, #tpu.memory_space<vmem>> -> memref<128xi32, #tpu.memory_space<vmem>>
        %dma_start3A_131 = arith.constant 0 : i32
        %dma_start3A_132 = arith.constant 0 : i32
        %dma_start3A_133 = tpu.memref_slice %arg9[%dma_start3A_131, %dma_start3A_132] : memref<10000x64xf32, #tpu.memory_space<vmem_shared>> -> memref<10000x64xf32, #tpu.memory_space<vmem_shared>>
        tpu.enqueue_indirect_dma source(%dma_start3A_133 : memref<10000x64xf32, #tpu.memory_space<vmem_shared>>) target(%arg7 : memref<128x64xf32, #tpu.memory_space<vmem>>) offsets(%dma_start3A_130 : memref<128xi32, #tpu.memory_space<vmem>>) semaphore(%arg11 : memref<!tpu.dma_semaphore, #tpu.memory_space<semaphore_mem>>)
      } else {
      }
      %add3A_116 = arith.constant 1 : i32
      %add3A_117 = arith.addi %mul3A_95, %add3A_116 : i32
      %dma_wait3A_118 = arith.constant 0 : i32
      %dma_wait3A_119 = tpu.memref_slice %arg5[%add3A_117, %dma_wait3A_118] : memref<79x128xi32, #tpu.memory_space<vmem>> -> memref<1x128xi32, #tpu.memory_space<vmem>>
      %dma_wait3A_120 = tpu.memref_squeeze %dma_wait3A_119 : memref<1x128xi32, #tpu.memory_space<vmem>> -> memref<128xi32, #tpu.memory_space<vmem>>
      %dma_wait3A_121 = arith.constant 0 : i32
      %dma_wait3A_122 = arith.constant 0 : i32
      %dma_wait3A_123 = tpu.memref_slice %arg9[%dma_wait3A_121, %dma_wait3A_122] : memref<10000x64xf32, #tpu.memory_space<vmem_shared>> -> memref<10000x64xf32, #tpu.memory_space<vmem_shared>>
      tpu.wait_indirect_dma semaphore(%arg12 : memref<!tpu.dma_semaphore, #tpu.memory_space<semaphore_mem>>) src(%dma_wait3A_123 : memref<10000x64xf32, #tpu.memory_space<vmem_shared>>) dst(%arg8 : memref<128x64xf32, #tpu.memory_space<vmem>>)
      %add3A_124 = arith.constant 1 : i32
      %add3A_125 = arith.addi %mul3A_95, %add3A_124 : i32
      "tpu.region"() ({
        %run_scoped3A_126 = tpu.sem_alloc : memref<!tpu.dma_semaphore, #tpu.memory_space<semaphore_mem>>
        %dma_start3A_127 = arith.constant 0 : i32
        %dma_start3A_128 = tpu.memref_slice %arg6[%add3A_125, %dma_start3A_127] : memref<79x128xi32, #tpu.memory_space<vmem>> -> memref<1x128xi32, #tpu.memory_space<vmem>>
        %dma_start3A_129 = tpu.memref_squeeze %dma_start3A_128 : memref<1x128xi32, #tpu.memory_space<vmem>> -> memref<128xi32, #tpu.memory_space<vmem>>
        %dma_start3A_130 = arith.constant 0 : i32
        %dma_start3A_131 = arith.constant 0 : i32
        %dma_start3A_132 = tpu.memref_slice %arg10[%dma_start3A_130, %dma_start3A_131] : memref<10016x64xf32, #tpu.memory_space<vmem_shared>> -> memref<10016x64xf32, #tpu.memory_space<vmem_shared>>
        tpu.enqueue_indirect_dma source(%arg8 : memref<128x64xf32, #tpu.memory_space<vmem>>) target(%dma_start3A_132 : memref<10016x64xf32, #tpu.memory_space<vmem_shared>>) offsets(%dma_start3A_129 : memref<128xi32, #tpu.memory_space<vmem>>) semaphore(%run_scoped3A_126 : memref<!tpu.dma_semaphore, #tpu.memory_space<semaphore_mem>>) {add = true}
        %dma_wait3A_133 = arith.constant 0 : i32
        %dma_wait3A_134 = tpu.memref_slice %arg6[%add3A_125, %dma_wait3A_133] : memref<79x128xi32, #tpu.memory_space<vmem>> -> memref<1x128xi32, #tpu.memory_space<vmem>>
        %dma_wait3A_135 = tpu.memref_squeeze %dma_wait3A_134 : memref<1x128xi32, #tpu.memory_space<vmem>> -> memref<128xi32, #tpu.memory_space<vmem>>
        %dma_wait3A_136 = arith.constant 0 : i32
        %dma_wait3A_137 = arith.constant 0 : i32
        %dma_wait3A_138 = tpu.memref_slice %arg10[%dma_wait3A_136, %dma_wait3A_137] : memref<10016x64xf32, #tpu.memory_space<vmem_shared>> -> memref<10016x64xf32, #tpu.memory_space<vmem_shared>>
        tpu.wait_indirect_dma semaphore(%run_scoped3A_126 : memref<!tpu.dma_semaphore, #tpu.memory_space<semaphore_mem>>) src(%arg8 : memref<128x64xf32, #tpu.memory_space<vmem>>) dst(%dma_wait3A_138 : memref<10016x64xf32, #tpu.memory_space<vmem_shared>>)
        tpu.yield
      }) : () -> ()
    }
    %scan3A_37 = arith.constant 39 : i32
    %convert_element_type3A_38 = arith.extui %lt3A_3 : i1 to i32
    %cond3A_39 = arith.constant 0 : i32
    %cond3A_40 = arith.cmpi ne, %convert_element_type3A_38, %cond3A_39 : i32
    scf.if %cond3A_40 {
      %dma_start3A_89 = arith.constant 78 : i32
      %dma_start3A_90 = arith.constant 0 : i32
      %dma_start3A_91 = tpu.memref_slice %arg5[%dma_start3A_89, %dma_start3A_90] : memref<79x128xi32, #tpu.memory_space<vmem>> -> memref<1x128xi32, #tpu.memory_space<vmem>>
      %dma_start3A_92 = tpu.memref_squeeze %dma_start3A_91 : memref<1x128xi32, #tpu.memory_space<vmem>> -> memref<128xi32, #tpu.memory_space<vmem>>
      %dma_start3A_93 = arith.constant 0 : i32
      %dma_start3A_94 = arith.constant 0 : i32
      %dma_start3A_95 = tpu.memref_slice %arg9[%dma_start3A_93, %dma_start3A_94] : memref<10000x64xf32, #tpu.memory_space<vmem_shared>> -> memref<10000x64xf32, #tpu.memory_space<vmem_shared>>
      tpu.enqueue_indirect_dma source(%dma_start3A_95 : memref<10000x64xf32, #tpu.memory_space<vmem_shared>>) target(%arg7 : memref<128x64xf32, #tpu.memory_space<vmem>>) offsets(%dma_start3A_92 : memref<128xi32, #tpu.memory_space<vmem>>) semaphore(%arg11 : memref<!tpu.dma_semaphore, #tpu.memory_space<semaphore_mem>>)
      %dma_wait3A = arith.constant 78 : i32
      %dma_wait3A_96 = arith.constant 0 : i32
      %dma_wait3A_97 = tpu.memref_slice %arg5[%dma_wait3A, %dma_wait3A_96] : memref<79x128xi32, #tpu.memory_space<vmem>> -> memref<1x128xi32, #tpu.memory_space<vmem>>
      %dma_wait3A_98 = tpu.memref_squeeze %dma_wait3A_97 : memref<1x128xi32, #tpu.memory_space<vmem>> -> memref<128xi32, #tpu.memory_space<vmem>>
      %dma_wait3A_99 = arith.constant 0 : i32
      %dma_wait3A_100 = arith.constant 0 : i32
      %dma_wait3A_101 = tpu.memref_slice %arg9[%dma_wait3A_99, %dma_wait3A_100] : memref<10000x64xf32, #tpu.memory_space<vmem_shared>> -> memref<10000x64xf32, #tpu.memory_space<vmem_shared>>
      tpu.wait_indirect_dma semaphore(%arg11 : memref<!tpu.dma_semaphore, #tpu.memory_space<semaphore_mem>>) src(%dma_wait3A_101 : memref<10000x64xf32, #tpu.memory_space<vmem_shared>>) dst(%arg7 : memref<128x64xf32, #tpu.memory_space<vmem>>)
      %run_scoped3A_102 = arith.constant 78 : i32
      "tpu.region"() ({
        %run_scoped3A_103 = tpu.sem_alloc : memref<!tpu.dma_semaphore, #tpu.memory_space<semaphore_mem>>
        %dma_start3A_104 = arith.constant 0 : i32
        %dma_start3A_105 = tpu.memref_slice %arg6[%run_scoped3A_102, %dma_start3A_104] : memref<79x128xi32, #tpu.memory_space<vmem>> -> memref<1x128xi32, #tpu.memory_space<vmem>>
        %dma_start3A_106 = tpu.memref_squeeze %dma_start3A_105 : memref<1x128xi32, #tpu.memory_space<vmem>> -> memref<128xi32, #tpu.memory_space<vmem>>
        %dma_start3A_107 = arith.constant 0 : i32
        %dma_start3A_108 = arith.constant 0 : i32
        %dma_start3A_109 = tpu.memref_slice %arg10[%dma_start3A_107, %dma_start3A_108] : memref<10016x64xf32, #tpu.memory_space<vmem_shared>> -> memref<10016x64xf32, #tpu.memory_space<vmem_shared>>
        tpu.enqueue_indirect_dma source(%arg7 : memref<128x64xf32, #tpu.memory_space<vmem>>) target(%dma_start3A_109 : memref<10016x64xf32, #tpu.memory_space<vmem_shared>>) offsets(%dma_start3A_106 : memref<128xi32, #tpu.memory_space<vmem>>) semaphore(%run_scoped3A_103 : memref<!tpu.dma_semaphore, #tpu.memory_space<semaphore_mem>>) {add = true}
        %dma_wait3A_110 = arith.constant 0 : i32
        %dma_wait3A_111 = tpu.memref_slice %arg6[%run_scoped3A_102, %dma_wait3A_110] : memref<79x128xi32, #tpu.memory_space<vmem>> -> memref<1x128xi32, #tpu.memory_space<vmem>>
        %dma_wait3A_112 = tpu.memref_squeeze %dma_wait3A_111 : memref<1x128xi32, #tpu.memory_space<vmem>> -> memref<128xi32, #tpu.memory_space<vmem>>
        %dma_wait3A_113 = arith.constant 0 : i32
        %dma_wait3A_114 = arith.constant 0 : i32
        %dma_wait3A_115 = tpu.memref_slice %arg10[%dma_wait3A_113, %dma_wait3A_114] : memref<10016x64xf32, #tpu.memory_space<vmem_shared>> -> memref<10016x64xf32, #tpu.memory_space<vmem_shared>>
        tpu.wait_indirect_dma semaphore(%run_scoped3A_103 : memref<!tpu.dma_semaphore, #tpu.memory_space<semaphore_mem>>) src(%arg7 : memref<128x64xf32, #tpu.memory_space<vmem>>) dst(%dma_wait3A_115 : memref<10016x64xf32, #tpu.memory_space<vmem_shared>>)
        tpu.yield
      }) : () -> ()
    } else {
    }
    %barrier3A_41 = arith.constant 0 : index
    tpu.barrier barrier_id(%barrier3A_41)
    %eq3A = arith.constant 0 : i32
    %eq3A_42 = arith.cmpi eq, %arg1, %eq3A : i32
    %convert_element_type3A_43 = arith.extui %eq3A_42 : i1 to i32
    %cond3A_44 = arith.constant 0 : i32
    %cond3A_45 = arith.cmpi ne, %convert_element_type3A_43, %cond3A_44 : i32
    scf.if %cond3A_45 {
      "tpu.region"() ({
        %run_scoped3A_89 = tpu.sem_alloc : memref<!tpu.dma_semaphore, #tpu.memory_space<semaphore_mem>>
        %dma_start3A_90 = arith.constant 0 : i32
        %dma_start3A_91 = arith.constant 0 : i32
        %dma_start3A_92 = tpu.memref_slice %arg4[%arg0, %dma_start3A_90, %dma_start3A_91] : memref<2x10000x128xf32, #tpu.memory_space<hbm>> -> memref<1x10000x64xf32, #tpu.memory_space<hbm>>
        %dma_start3A_93 = tpu.memref_squeeze %dma_start3A_92 : memref<1x10000x64xf32, #tpu.memory_space<hbm>> -> memref<10000x64xf32, #tpu.memory_space<hbm>>
        %dma_start3A_94 = arith.constant 0 : i32
        %dma_start3A_95 = arith.constant 0 : i32
        %dma_start3A_96 = tpu.memref_slice %arg10[%dma_start3A_94, %dma_start3A_95] : memref<10016x64xf32, #tpu.memory_space<vmem_shared>> -> memref<10000x64xf32, #tpu.memory_space<vmem_shared>>
        tpu.enqueue_dma source(%dma_start3A_96 : memref<10000x64xf32, #tpu.memory_space<vmem_shared>>) target(%dma_start3A_93 : memref<10000x64xf32, #tpu.memory_space<hbm>>) target_semaphore(%run_scoped3A_89 : memref<!tpu.dma_semaphore, #tpu.memory_space<semaphore_mem>>)
        %dma_wait3A = arith.constant 0 : i32
        %dma_wait3A_97 = arith.constant 0 : i32
        %dma_wait3A_98 = tpu.memref_slice %arg4[%arg0, %dma_wait3A, %dma_wait3A_97] : memref<2x10000x128xf32, #tpu.memory_space<hbm>> -> memref<1x10000x64xf32, #tpu.memory_space<hbm>>
        %dma_wait3A_99 = tpu.memref_squeeze %dma_wait3A_98 : memref<1x10000x64xf32, #tpu.memory_space<hbm>> -> memref<10000x64xf32, #tpu.memory_space<hbm>>
        %dma_wait3A_100 = arith.constant 0 : i32
        %dma_wait3A_101 = arith.constant 0 : i32
        %dma_wait3A_102 = tpu.memref_slice %arg10[%dma_wait3A_100, %dma_wait3A_101] : memref<10016x64xf32, #tpu.memory_space<vmem_shared>> -> memref<10000x64xf32, #tpu.memory_space<vmem_shared>>
        tpu.wait_dma2 semaphore(%run_scoped3A_89 : memref<!tpu.dma_semaphore, #tpu.memory_space<semaphore_mem>>) src(%dma_wait3A_102 : memref<10000x64xf32, #tpu.memory_space<vmem_shared>>) dst(%dma_wait3A_99 : memref<10000x64xf32, #tpu.memory_space<hbm>>)
        tpu.yield
      }) : () -> ()
    } else {
    }
    %barrier3A_46 = arith.constant 0 : index
    tpu.barrier barrier_id(%barrier3A_46)
    %mul3A_47 = arith.constant 625 : i32
    %mul3A_48 = arith.muli %arg1, %mul3A_47 : i32
    %mul3A_49 = arith.constant 625 : i32
    %mul3A_50 = arith.muli %arg1, %mul3A_49 : i32
    "tpu.region"() ({
      %run_scoped3A_89 = tpu.sem_alloc : memref<!tpu.dma_semaphore, #tpu.memory_space<semaphore_mem>>
      %dma_start3A_90 = arith.constant 0 : i32
      %dma_start3A_91 = tpu.memref_slice %arg9[%mul3A_50, %dma_start3A_90] : memref<10000x64xf32, #tpu.memory_space<vmem_shared>> -> memref<625x64xf32, #tpu.memory_space<vmem_shared>>
      %dma_start3A_92 = arith.constant 64 : i32
      %dma_start3A_93 = tpu.memref_slice %arg2[%mul3A_48, %dma_start3A_92] : memref<10000x128xf32, #tpu.memory_space<hbm>> -> memref<625x64xf32, #tpu.memory_space<hbm>>
      tpu.enqueue_dma source(%dma_start3A_93 : memref<625x64xf32, #tpu.memory_space<hbm>>) target(%dma_start3A_91 : memref<625x64xf32, #tpu.memory_space<vmem_shared>>) target_semaphore(%run_scoped3A_89 : memref<!tpu.dma_semaphore, #tpu.memory_space<semaphore_mem>>)
      %dma_wait3A = arith.constant 0 : i32
      %dma_wait3A_94 = tpu.memref_slice %arg9[%mul3A_50, %dma_wait3A] : memref<10000x64xf32, #tpu.memory_space<vmem_shared>> -> memref<625x64xf32, #tpu.memory_space<vmem_shared>>
      %dma_wait3A_95 = arith.constant 64 : i32
      %dma_wait3A_96 = tpu.memref_slice %arg2[%mul3A_48, %dma_wait3A_95] : memref<10000x128xf32, #tpu.memory_space<hbm>> -> memref<625x64xf32, #tpu.memory_space<hbm>>
      tpu.wait_dma2 semaphore(%run_scoped3A_89 : memref<!tpu.dma_semaphore, #tpu.memory_space<semaphore_mem>>) src(%dma_wait3A_96 : memref<625x64xf32, #tpu.memory_space<hbm>>) dst(%dma_wait3A_94 : memref<625x64xf32, #tpu.memory_space<vmem_shared>>)
      tpu.yield
    }) : () -> ()
    %scan3A_51 = arith.constant 0 : i32
    %scan3A_52 = arith.constant 128 : i32
    %scan3A_53 = arith.addi %scan3A_51, %scan3A_52 : i32
    %scan3A_54 = arith.constant 1 : i32
    scf.for %scan3A_89 = %scan3A_51 to %scan3A_53 step %scan3A_54  : i32 {
      %mul3A_90 = arith.constant 1 : i32
      %mul3A_91 = arith.muli %scan3A_89, %mul3A_90 : i32
      %add3A_92 = arith.constant 0 : i32
      %add3A_93 = arith.addi %add3A_92, %mul3A_91 : i32
      %swap3A = arith.index_cast %add3A_93 : i32 to index
      %swap3A_94 = arith.constant 0 : index
      %swap3A_95 = tpu.vector_load %arg7[%swap3A, %swap3A_94] {strides = array<i32>} : memref<128x64xf32, #tpu.memory_space<vmem>>, vector<1x16xf32>,
      %swap3A_96 = vector.shape_cast %swap3A_95 : vector<1x16xf32> to vector<16xf32>
      %swap3A_97 = vector.shape_cast %broadcast_in_dim3A_6 : vector<16xf32> to vector<1x16xf32>
      tpu.vector_store %arg7[%swap3A, %swap3A_94], %swap3A_97 {strides = array<i32>} : memref<128x64xf32, #tpu.memory_space<vmem>>, vector<1x16xf32>,
      %swap3A_98 = arith.index_cast %add3A_93 : i32 to index
      %swap3A_99 = arith.constant 16 : index
      %swap3A_100 = tpu.vector_load %arg7[%swap3A_98, %swap3A_99] {strides = array<i32>} : memref<128x64xf32, #tpu.memory_space<vmem>>, vector<1x16xf32>,
      %swap3A_101 = vector.shape_cast %swap3A_100 : vector<1x16xf32> to vector<16xf32>
      %swap3A_102 = vector.shape_cast %broadcast_in_dim3A_6 : vector<16xf32> to vector<1x16xf32>
      tpu.vector_store %arg7[%swap3A_98, %swap3A_99], %swap3A_102 {strides = array<i32>} : memref<128x64xf32, #tpu.memory_space<vmem>>, vector<1x16xf32>,
      %swap3A_103 = arith.index_cast %add3A_93 : i32 to index
      %swap3A_104 = arith.constant 32 : index
      %swap3A_105 = tpu.vector_load %arg7[%swap3A_103, %swap3A_104] {strides = array<i32>} : memref<128x64xf32, #tpu.memory_space<vmem>>, vector<1x16xf32>,
      %swap3A_106 = vector.shape_cast %swap3A_105 : vector<1x16xf32> to vector<16xf32>
      %swap3A_107 = vector.shape_cast %broadcast_in_dim3A_6 : vector<16xf32> to vector<1x16xf32>
      tpu.vector_store %arg7[%swap3A_103, %swap3A_104], %swap3A_107 {strides = array<i32>} : memref<128x64xf32, #tpu.memory_space<vmem>>, vector<1x16xf32>,
      %swap3A_108 = arith.index_cast %add3A_93 : i32 to index
      %swap3A_109 = arith.constant 48 : index
      %swap3A_110 = tpu.vector_load %arg7[%swap3A_108, %swap3A_109] {strides = array<i32>} : memref<128x64xf32, #tpu.memory_space<vmem>>, vector<1x16xf32>,
      %swap3A_111 = vector.shape_cast %swap3A_110 : vector<1x16xf32> to vector<16xf32>
      %swap3A_112 = vector.shape_cast %broadcast_in_dim3A_6 : vector<16xf32> to vector<1x16xf32>
      tpu.vector_store %arg7[%swap3A_108, %swap3A_109], %swap3A_112 {strides = array<i32>} : memref<128x64xf32, #tpu.memory_space<vmem>>, vector<1x16xf32>,
    }
    %scan3A_55 = arith.constant 128 : i32
    %add3A_56 = arith.constant 0 : i32
    %add3A_57 = arith.addi %mul3A_8, %add3A_56 : i32
    "tpu.region"() ({
      %run_scoped3A_89 = tpu.sem_alloc : memref<!tpu.dma_semaphore, #tpu.memory_space<semaphore_mem>>
      %dma_start3A_90 = arith.constant 0 : i32
      %dma_start3A_91 = tpu.memref_slice %arg10[%add3A_57, %dma_start3A_90] : memref<10016x64xf32, #tpu.memory_space<vmem_shared>> -> memref<128x64xf32, #tpu.memory_space<vmem_shared>>
      %dma_start3A_92 = arith.constant 0 : i32
      %dma_start3A_93 = tpu.memref_slice %arg10[%add3A_57, %dma_start3A_92] : memref<10016x64xf32, #tpu.memory_space<vmem_shared>> -> memref<128x64xf32, #tpu.memory_space<vmem_shared>>
      tpu.enqueue_dma source(%arg7 : memref<128x64xf32, #tpu.memory_space<vmem>>) target(%dma_start3A_93 : memref<128x64xf32, #tpu.memory_space<vmem_shared>>) target_semaphore(%run_scoped3A_89 : memref<!tpu.dma_semaphore, #tpu.memory_space<semaphore_mem>>)
      %dma_wait3A = arith.constant 0 : i32
      %dma_wait3A_94 = tpu.memref_slice %arg10[%add3A_57, %dma_wait3A] : memref<10016x64xf32, #tpu.memory_space<vmem_shared>> -> memref<128x64xf32, #tpu.memory_space<vmem_shared>>
      %dma_wait3A_95 = arith.constant 0 : i32
      %dma_wait3A_96 = tpu.memref_slice %arg10[%add3A_57, %dma_wait3A_95] : memref<10016x64xf32, #tpu.memory_space<vmem_shared>> -> memref<128x64xf32, #tpu.memory_space<vmem_shared>>
      tpu.wait_dma2 semaphore(%run_scoped3A_89 : memref<!tpu.dma_semaphore, #tpu.memory_space<semaphore_mem>>) src(%arg7 : memref<128x64xf32, #tpu.memory_space<vmem>>) dst(%dma_wait3A_96 : memref<128x64xf32, #tpu.memory_space<vmem_shared>>)
      tpu.yield
    }) : () -> ()
    %add3A_58 = arith.constant 128 : i32
    %add3A_59 = arith.addi %mul3A_8, %add3A_58 : i32
    "tpu.region"() ({
      %run_scoped3A_89 = tpu.sem_alloc : memref<!tpu.dma_semaphore, #tpu.memory_space<semaphore_mem>>
      %dma_start3A_90 = arith.constant 0 : i32
      %dma_start3A_91 = tpu.memref_slice %arg10[%add3A_59, %dma_start3A_90] : memref<10016x64xf32, #tpu.memory_space<vmem_shared>> -> memref<128x64xf32, #tpu.memory_space<vmem_shared>>
      %dma_start3A_92 = arith.constant 0 : i32
      %dma_start3A_93 = tpu.memref_slice %arg10[%add3A_59, %dma_start3A_92] : memref<10016x64xf32, #tpu.memory_space<vmem_shared>> -> memref<128x64xf32, #tpu.memory_space<vmem_shared>>
      tpu.enqueue_dma source(%arg7 : memref<128x64xf32, #tpu.memory_space<vmem>>) target(%dma_start3A_93 : memref<128x64xf32, #tpu.memory_space<vmem_shared>>) target_semaphore(%run_scoped3A_89 : memref<!tpu.dma_semaphore, #tpu.memory_space<semaphore_mem>>)
      %dma_wait3A = arith.constant 0 : i32
      %dma_wait3A_94 = tpu.memref_slice %arg10[%add3A_59, %dma_wait3A] : memref<10016x64xf32, #tpu.memory_space<vmem_shared>> -> memref<128x64xf32, #tpu.memory_space<vmem_shared>>
      %dma_wait3A_95 = arith.constant 0 : i32
      %dma_wait3A_96 = tpu.memref_slice %arg10[%add3A_59, %dma_wait3A_95] : memref<10016x64xf32, #tpu.memory_space<vmem_shared>> -> memref<128x64xf32, #tpu.memory_space<vmem_shared>>
      tpu.wait_dma2 semaphore(%run_scoped3A_89 : memref<!tpu.dma_semaphore, #tpu.memory_space<semaphore_mem>>) src(%arg7 : memref<128x64xf32, #tpu.memory_space<vmem>>) dst(%dma_wait3A_96 : memref<128x64xf32, #tpu.memory_space<vmem_shared>>)
      tpu.yield
    }) : () -> ()
    %add3A_60 = arith.constant 256 : i32
    %add3A_61 = arith.addi %mul3A_8, %add3A_60 : i32
    "tpu.region"() ({
      %run_scoped3A_89 = tpu.sem_alloc : memref<!tpu.dma_semaphore, #tpu.memory_space<semaphore_mem>>
      %dma_start3A_90 = arith.constant 0 : i32
      %dma_start3A_91 = tpu.memref_slice %arg10[%add3A_61, %dma_start3A_90] : memref<10016x64xf32, #tpu.memory_space<vmem_shared>> -> memref<128x64xf32, #tpu.memory_space<vmem_shared>>
      %dma_start3A_92 = arith.constant 0 : i32
      %dma_start3A_93 = tpu.memref_slice %arg10[%add3A_61, %dma_start3A_92] : memref<10016x64xf32, #tpu.memory_space<vmem_shared>> -> memref<128x64xf32, #tpu.memory_space<vmem_shared>>
      tpu.enqueue_dma source(%arg7 : memref<128x64xf32, #tpu.memory_space<vmem>>) target(%dma_start3A_93 : memref<128x64xf32, #tpu.memory_space<vmem_shared>>) target_semaphore(%run_scoped3A_89 : memref<!tpu.dma_semaphore, #tpu.memory_space<semaphore_mem>>)
      %dma_wait3A = arith.constant 0 : i32
      %dma_wait3A_94 = tpu.memref_slice %arg10[%add3A_61, %dma_wait3A] : memref<10016x64xf32, #tpu.memory_space<vmem_shared>> -> memref<128x64xf32, #tpu.memory_space<vmem_shared>>
      %dma_wait3A_95 = arith.constant 0 : i32
      %dma_wait3A_96 = tpu.memref_slice %arg10[%add3A_61, %dma_wait3A_95] : memref<10016x64xf32, #tpu.memory_space<vmem_shared>> -> memref<128x64xf32, #tpu.memory_space<vmem_shared>>
      tpu.wait_dma2 semaphore(%run_scoped3A_89 : memref<!tpu.dma_semaphore, #tpu.memory_space<semaphore_mem>>) src(%arg7 : memref<128x64xf32, #tpu.memory_space<vmem>>) dst(%dma_wait3A_96 : memref<128x64xf32, #tpu.memory_space<vmem_shared>>)
      tpu.yield
    }) : () -> ()
    %add3A_62 = arith.constant 384 : i32
    %add3A_63 = arith.addi %mul3A_8, %add3A_62 : i32
    "tpu.region"() ({
      %run_scoped3A_89 = tpu.sem_alloc : memref<!tpu.dma_semaphore, #tpu.memory_space<semaphore_mem>>
      %dma_start3A_90 = arith.constant 0 : i32
      %dma_start3A_91 = tpu.memref_slice %arg10[%add3A_63, %dma_start3A_90] : memref<10016x64xf32, #tpu.memory_space<vmem_shared>> -> memref<128x64xf32, #tpu.memory_space<vmem_shared>>
      %dma_start3A_92 = arith.constant 0 : i32
      %dma_start3A_93 = tpu.memref_slice %arg10[%add3A_63, %dma_start3A_92] : memref<10016x64xf32, #tpu.memory_space<vmem_shared>> -> memref<128x64xf32, #tpu.memory_space<vmem_shared>>
      tpu.enqueue_dma source(%arg7 : memref<128x64xf32, #tpu.memory_space<vmem>>) target(%dma_start3A_93 : memref<128x64xf32, #tpu.memory_space<vmem_shared>>) target_semaphore(%run_scoped3A_89 : memref<!tpu.dma_semaphore, #tpu.memory_space<semaphore_mem>>)
      %dma_wait3A = arith.constant 0 : i32
      %dma_wait3A_94 = tpu.memref_slice %arg10[%add3A_63, %dma_wait3A] : memref<10016x64xf32, #tpu.memory_space<vmem_shared>> -> memref<128x64xf32, #tpu.memory_space<vmem_shared>>
      %dma_wait3A_95 = arith.constant 0 : i32
      %dma_wait3A_96 = tpu.memref_slice %arg10[%add3A_63, %dma_wait3A_95] : memref<10016x64xf32, #tpu.memory_space<vmem_shared>> -> memref<128x64xf32, #tpu.memory_space<vmem_shared>>
      tpu.wait_dma2 semaphore(%run_scoped3A_89 : memref<!tpu.dma_semaphore, #tpu.memory_space<semaphore_mem>>) src(%arg7 : memref<128x64xf32, #tpu.memory_space<vmem>>) dst(%dma_wait3A_96 : memref<128x64xf32, #tpu.memory_space<vmem_shared>>)
      tpu.yield
    }) : () -> ()
    %add3A_64 = arith.constant 512 : i32
    %add3A_65 = arith.addi %mul3A_8, %add3A_64 : i32
    "tpu.region"() ({
      %run_scoped3A_89 = tpu.sem_alloc : memref<!tpu.dma_semaphore, #tpu.memory_space<semaphore_mem>>
      %dma_start3A_90 = arith.constant 0 : i32
      %dma_start3A_91 = arith.constant 0 : i32
      %dma_start3A_92 = tpu.memref_slice %arg7[%dma_start3A_90, %dma_start3A_91] : memref<128x64xf32, #tpu.memory_space<vmem>> -> memref<114x64xf32, #tpu.memory_space<vmem>>
      %dma_start3A_93 = arith.constant 0 : i32
      %dma_start3A_94 = tpu.memref_slice %arg10[%add3A_65, %dma_start3A_93] : memref<10016x64xf32, #tpu.memory_space<vmem_shared>> -> memref<114x64xf32, #tpu.memory_space<vmem_shared>>
      %dma_start3A_95 = arith.constant 0 : i32
      %dma_start3A_96 = tpu.memref_slice %arg10[%add3A_65, %dma_start3A_95] : memref<10016x64xf32, #tpu.memory_space<vmem_shared>> -> memref<114x64xf32, #tpu.memory_space<vmem_shared>>
      %dma_start3A_97 = arith.constant 0 : i32
      %dma_start3A_98 = arith.constant 0 : i32
      %dma_start3A_99 = tpu.memref_slice %arg7[%dma_start3A_97, %dma_start3A_98] : memref<128x64xf32, #tpu.memory_space<vmem>> -> memref<114x64xf32, #tpu.memory_space<vmem>>
      tpu.enqueue_dma source(%dma_start3A_99 : memref<114x64xf32, #tpu.memory_space<vmem>>) target(%dma_start3A_96 : memref<114x64xf32, #tpu.memory_space<vmem_shared>>) target_semaphore(%run_scoped3A_89 : memref<!tpu.dma_semaphore, #tpu.memory_space<semaphore_mem>>)
      %dma_wait3A = arith.constant 0 : i32
      %dma_wait3A_100 = arith.constant 0 : i32
      %dma_wait3A_101 = tpu.memref_slice %arg7[%dma_wait3A, %dma_wait3A_100] : memref<128x64xf32, #tpu.memory_space<vmem>> -> memref<114x64xf32, #tpu.memory_space<vmem>>
      %dma_wait3A_102 = arith.constant 0 : i32
      %dma_wait3A_103 = tpu.memref_slice %arg10[%add3A_65, %dma_wait3A_102] : memref<10016x64xf32, #tpu.memory_space<vmem_shared>> -> memref<114x64xf32, #tpu.memory_space<vmem_shared>>
      %dma_wait3A_104 = arith.constant 0 : i32
      %dma_wait3A_105 = tpu.memref_slice %arg10[%add3A_65, %dma_wait3A_104] : memref<10016x64xf32, #tpu.memory_space<vmem_shared>> -> memref<114x64xf32, #tpu.memory_space<vmem_shared>>
      %dma_wait3A_106 = arith.constant 0 : i32
      %dma_wait3A_107 = arith.constant 0 : i32
      %dma_wait3A_108 = tpu.memref_slice %arg7[%dma_wait3A_106, %dma_wait3A_107] : memref<128x64xf32, #tpu.memory_space<vmem>> -> memref<114x64xf32, #tpu.memory_space<vmem>>
      tpu.wait_dma2 semaphore(%run_scoped3A_89 : memref<!tpu.dma_semaphore, #tpu.memory_space<semaphore_mem>>) src(%dma_wait3A_108 : memref<114x64xf32, #tpu.memory_space<vmem>>) dst(%dma_wait3A_105 : memref<114x64xf32, #tpu.memory_space<vmem_shared>>)
      tpu.yield
    }) : () -> ()
    %barrier3A_66 = arith.constant 0 : index
    tpu.barrier barrier_id(%barrier3A_66)
    %dma_start3A_67 = arith.constant 0 : i32
    %dma_start3A_68 = arith.constant 0 : i32
    %dma_start3A_69 = tpu.memref_slice %arg5[%dma_start3A_67, %dma_start3A_68] : memref<79x128xi32, #tpu.memory_space<vmem>> -> memref<1x128xi32, #tpu.memory_space<vmem>>
    %dma_start3A_70 = tpu.memref_squeeze %dma_start3A_69 : memref<1x128xi32, #tpu.memory_space<vmem>> -> memref<128xi32, #tpu.memory_space<vmem>>
    %dma_start3A_71 = arith.constant 0 : i32
    %dma_start3A_72 = arith.constant 0 : i32
    %dma_start3A_73 = tpu.memref_slice %arg9[%dma_start3A_71, %dma_start3A_72] : memref<10000x64xf32, #tpu.memory_space<vmem_shared>> -> memref<10000x64xf32, #tpu.memory_space<vmem_shared>>
    tpu.enqueue_indirect_dma source(%dma_start3A_73 : memref<10000x64xf32, #tpu.memory_space<vmem_shared>>) target(%arg7 : memref<128x64xf32, #tpu.memory_space<vmem>>) offsets(%dma_start3A_70 : memref<128xi32, #tpu.memory_space<vmem>>) semaphore(%arg11 : memref<!tpu.dma_semaphore, #tpu.memory_space<semaphore_mem>>)
    %scan3A_74 = arith.constant 0 : i32
    %scan3A_75 = arith.constant 39 : i32
    %scan3A_76 = arith.addi %scan3A_74, %scan3A_75 : i32
    %scan3A_77 = arith.constant 1 : i32
    scf.for %scan3A_89 = %scan3A_74 to %scan3A_76 step %scan3A_77  : i32 {
      %mul3A_90 = arith.constant 1 : i32
      %mul3A_91 = arith.muli %scan3A_89, %mul3A_90 : i32
      %add3A_92 = arith.constant 0 : i32
      %add3A_93 = arith.addi %add3A_92, %mul3A_91 : i32
      %mul3A_94 = arith.constant 2 : i32
      %mul3A_95 = arith.muli %mul3A_94, %add3A_93 : i32
      %add3A_96 = arith.constant 1 : i32
      %add3A_97 = arith.addi %mul3A_95, %add3A_96 : i32
      %dma_start3A_98 = arith.constant 0 : i32
      %dma_start3A_99 = tpu.memref_slice %arg5[%add3A_97, %dma_start3A_98] : memref<79x128xi32, #tpu.memory_space<vmem>> -> memref<1x128xi32, #tpu.memory_space<vmem>>
      %dma_start3A_100 = tpu.memref_squeeze %dma_start3A_99 : memref<1x128xi32, #tpu.memory_space<vmem>> -> memref<128xi32, #tpu.memory_space<vmem>>
      %dma_start3A_101 = arith.constant 0 : i32
      %dma_start3A_102 = arith.constant 0 : i32
      %dma_start3A_103 = tpu.memref_slice %arg9[%dma_start3A_101, %dma_start3A_102] : memref<10000x64xf32, #tpu.memory_space<vmem_shared>> -> memref<10000x64xf32, #tpu.memory_space<vmem_shared>>
      tpu.enqueue_indirect_dma source(%dma_start3A_103 : memref<10000x64xf32, #tpu.memory_space<vmem_shared>>) target(%arg8 : memref<128x64xf32, #tpu.memory_space<vmem>>) offsets(%dma_start3A_100 : memref<128xi32, #tpu.memory_space<vmem>>) semaphore(%arg12 : memref<!tpu.dma_semaphore, #tpu.memory_space<semaphore_mem>>)
      %dma_wait3A = arith.constant 0 : i32
      %dma_wait3A_104 = tpu.memref_slice %arg5[%mul3A_95, %dma_wait3A] : memref<79x128xi32, #tpu.memory_space<vmem>> -> memref<1x128xi32, #tpu.memory_space<vmem>>
      %dma_wait3A_105 = tpu.memref_squeeze %dma_wait3A_104 : memref<1x128xi32, #tpu.memory_space<vmem>> -> memref<128xi32, #tpu.memory_space<vmem>>
      %dma_wait3A_106 = arith.constant 0 : i32
      %dma_wait3A_107 = arith.constant 0 : i32
      %dma_wait3A_108 = tpu.memref_slice %arg9[%dma_wait3A_106, %dma_wait3A_107] : memref<10000x64xf32, #tpu.memory_space<vmem_shared>> -> memref<10000x64xf32, #tpu.memory_space<vmem_shared>>
      tpu.wait_indirect_dma semaphore(%arg11 : memref<!tpu.dma_semaphore, #tpu.memory_space<semaphore_mem>>) src(%dma_wait3A_108 : memref<10000x64xf32, #tpu.memory_space<vmem_shared>>) dst(%arg7 : memref<128x64xf32, #tpu.memory_space<vmem>>)
      "tpu.region"() ({
        %run_scoped3A_126 = tpu.sem_alloc : memref<!tpu.dma_semaphore, #tpu.memory_space<semaphore_mem>>
        %dma_start3A_127 = arith.constant 0 : i32
        %dma_start3A_128 = tpu.memref_slice %arg6[%mul3A_95, %dma_start3A_127] : memref<79x128xi32, #tpu.memory_space<vmem>> -> memref<1x128xi32, #tpu.memory_space<vmem>>
        %dma_start3A_129 = tpu.memref_squeeze %dma_start3A_128 : memref<1x128xi32, #tpu.memory_space<vmem>> -> memref<128xi32, #tpu.memory_space<vmem>>
        %dma_start3A_130 = arith.constant 0 : i32
        %dma_start3A_131 = arith.constant 0 : i32
        %dma_start3A_132 = tpu.memref_slice %arg10[%dma_start3A_130, %dma_start3A_131] : memref<10016x64xf32, #tpu.memory_space<vmem_shared>> -> memref<10016x64xf32, #tpu.memory_space<vmem_shared>>
        tpu.enqueue_indirect_dma source(%arg7 : memref<128x64xf32, #tpu.memory_space<vmem>>) target(%dma_start3A_132 : memref<10016x64xf32, #tpu.memory_space<vmem_shared>>) offsets(%dma_start3A_129 : memref<128xi32, #tpu.memory_space<vmem>>) semaphore(%run_scoped3A_126 : memref<!tpu.dma_semaphore, #tpu.memory_space<semaphore_mem>>) {add = true}
        %dma_wait3A_133 = arith.constant 0 : i32
        %dma_wait3A_134 = tpu.memref_slice %arg6[%mul3A_95, %dma_wait3A_133] : memref<79x128xi32, #tpu.memory_space<vmem>> -> memref<1x128xi32, #tpu.memory_space<vmem>>
        %dma_wait3A_135 = tpu.memref_squeeze %dma_wait3A_134 : memref<1x128xi32, #tpu.memory_space<vmem>> -> memref<128xi32, #tpu.memory_space<vmem>>
        %dma_wait3A_136 = arith.constant 0 : i32
        %dma_wait3A_137 = arith.constant 0 : i32
        %dma_wait3A_138 = tpu.memref_slice %arg10[%dma_wait3A_136, %dma_wait3A_137] : memref<10016x64xf32, #tpu.memory_space<vmem_shared>> -> memref<10016x64xf32, #tpu.memory_space<vmem_shared>>
        tpu.wait_indirect_dma semaphore(%run_scoped3A_126 : memref<!tpu.dma_semaphore, #tpu.memory_space<semaphore_mem>>) src(%arg7 : memref<128x64xf32, #tpu.memory_space<vmem>>) dst(%dma_wait3A_138 : memref<10016x64xf32, #tpu.memory_space<vmem_shared>>)
        tpu.yield
      }) : () -> ()
      %add3A_109 = arith.constant 2 : i32
      %add3A_110 = arith.addi %mul3A_95, %add3A_109 : i32
      %lt3A_111 = arith.constant 78 : i32
      %lt3A_112 = arith.cmpi slt, %add3A_110, %lt3A_111 : i32
      %convert_element_type3A_113 = arith.extui %lt3A_112 : i1 to i32
      %cond3A_114 = arith.constant 0 : i32
      %cond3A_115 = arith.cmpi ne, %convert_element_type3A_113, %cond3A_114 : i32
      scf.if %cond3A_115 {
        %add3A_126 = arith.constant 2 : i32
        %add3A_127 = arith.addi %mul3A_95, %add3A_126 : i32
        %dma_start3A_128 = arith.constant 0 : i32
        %dma_start3A_129 = tpu.memref_slice %arg5[%add3A_127, %dma_start3A_128] : memref<79x128xi32, #tpu.memory_space<vmem>> -> memref<1x128xi32, #tpu.memory_space<vmem>>
        %dma_start3A_130 = tpu.memref_squeeze %dma_start3A_129 : memref<1x128xi32, #tpu.memory_space<vmem>> -> memref<128xi32, #tpu.memory_space<vmem>>
        %dma_start3A_131 = arith.constant 0 : i32
        %dma_start3A_132 = arith.constant 0 : i32
        %dma_start3A_133 = tpu.memref_slice %arg9[%dma_start3A_131, %dma_start3A_132] : memref<10000x64xf32, #tpu.memory_space<vmem_shared>> -> memref<10000x64xf32, #tpu.memory_space<vmem_shared>>
        tpu.enqueue_indirect_dma source(%dma_start3A_133 : memref<10000x64xf32, #tpu.memory_space<vmem_shared>>) target(%arg7 : memref<128x64xf32, #tpu.memory_space<vmem>>) offsets(%dma_start3A_130 : memref<128xi32, #tpu.memory_space<vmem>>) semaphore(%arg11 : memref<!tpu.dma_semaphore, #tpu.memory_space<semaphore_mem>>)
      } else {
      }
      %add3A_116 = arith.constant 1 : i32
      %add3A_117 = arith.addi %mul3A_95, %add3A_116 : i32
      %dma_wait3A_118 = arith.constant 0 : i32
      %dma_wait3A_119 = tpu.memref_slice %arg5[%add3A_117, %dma_wait3A_118] : memref<79x128xi32, #tpu.memory_space<vmem>> -> memref<1x128xi32, #tpu.memory_space<vmem>>
      %dma_wait3A_120 = tpu.memref_squeeze %dma_wait3A_119 : memref<1x128xi32, #tpu.memory_space<vmem>> -> memref<128xi32, #tpu.memory_space<vmem>>
      %dma_wait3A_121 = arith.constant 0 : i32
      %dma_wait3A_122 = arith.constant 0 : i32
      %dma_wait3A_123 = tpu.memref_slice %arg9[%dma_wait3A_121, %dma_wait3A_122] : memref<10000x64xf32, #tpu.memory_space<vmem_shared>> -> memref<10000x64xf32, #tpu.memory_space<vmem_shared>>
      tpu.wait_indirect_dma semaphore(%arg12 : memref<!tpu.dma_semaphore, #tpu.memory_space<semaphore_mem>>) src(%dma_wait3A_123 : memref<10000x64xf32, #tpu.memory_space<vmem_shared>>) dst(%arg8 : memref<128x64xf32, #tpu.memory_space<vmem>>)
      %add3A_124 = arith.constant 1 : i32
      %add3A_125 = arith.addi %mul3A_95, %add3A_124 : i32
      "tpu.region"() ({
        %run_scoped3A_126 = tpu.sem_alloc : memref<!tpu.dma_semaphore, #tpu.memory_space<semaphore_mem>>
        %dma_start3A_127 = arith.constant 0 : i32
        %dma_start3A_128 = tpu.memref_slice %arg6[%add3A_125, %dma_start3A_127] : memref<79x128xi32, #tpu.memory_space<vmem>> -> memref<1x128xi32, #tpu.memory_space<vmem>>
        %dma_start3A_129 = tpu.memref_squeeze %dma_start3A_128 : memref<1x128xi32, #tpu.memory_space<vmem>> -> memref<128xi32, #tpu.memory_space<vmem>>
        %dma_start3A_130 = arith.constant 0 : i32
        %dma_start3A_131 = arith.constant 0 : i32
        %dma_start3A_132 = tpu.memref_slice %arg10[%dma_start3A_130, %dma_start3A_131] : memref<10016x64xf32, #tpu.memory_space<vmem_shared>> -> memref<10016x64xf32, #tpu.memory_space<vmem_shared>>
        tpu.enqueue_indirect_dma source(%arg8 : memref<128x64xf32, #tpu.memory_space<vmem>>) target(%dma_start3A_132 : memref<10016x64xf32, #tpu.memory_space<vmem_shared>>) offsets(%dma_start3A_129 : memref<128xi32, #tpu.memory_space<vmem>>) semaphore(%run_scoped3A_126 : memref<!tpu.dma_semaphore, #tpu.memory_space<semaphore_mem>>) {add = true}
        %dma_wait3A_133 = arith.constant 0 : i32
        %dma_wait3A_134 = tpu.memref_slice %arg6[%add3A_125, %dma_wait3A_133] : memref<79x128xi32, #tpu.memory_space<vmem>> -> memref<1x128xi32, #tpu.memory_space<vmem>>
        %dma_wait3A_135 = tpu.memref_squeeze %dma_wait3A_134 : memref<1x128xi32, #tpu.memory_space<vmem>> -> memref<128xi32, #tpu.memory_space<vmem>>
        %dma_wait3A_136 = arith.constant 0 : i32
        %dma_wait3A_137 = arith.constant 0 : i32
        %dma_wait3A_138 = tpu.memref_slice %arg10[%dma_wait3A_136, %dma_wait3A_137] : memref<10016x64xf32, #tpu.memory_space<vmem_shared>> -> memref<10016x64xf32, #tpu.memory_space<vmem_shared>>
        tpu.wait_indirect_dma semaphore(%run_scoped3A_126 : memref<!tpu.dma_semaphore, #tpu.memory_space<semaphore_mem>>) src(%arg8 : memref<128x64xf32, #tpu.memory_space<vmem>>) dst(%dma_wait3A_138 : memref<10016x64xf32, #tpu.memory_space<vmem_shared>>)
        tpu.yield
      }) : () -> ()
    }
    %scan3A_78 = arith.constant 39 : i32
    %convert_element_type3A_79 = arith.extui %lt3A_3 : i1 to i32
    %cond3A_80 = arith.constant 0 : i32
    %cond3A_81 = arith.cmpi ne, %convert_element_type3A_79, %cond3A_80 : i32
    scf.if %cond3A_81 {
      %dma_start3A_89 = arith.constant 78 : i32
      %dma_start3A_90 = arith.constant 0 : i32
      %dma_start3A_91 = tpu.memref_slice %arg5[%dma_start3A_89, %dma_start3A_90] : memref<79x128xi32, #tpu.memory_space<vmem>> -> memref<1x128xi32, #tpu.memory_space<vmem>>
      %dma_start3A_92 = tpu.memref_squeeze %dma_start3A_91 : memref<1x128xi32, #tpu.memory_space<vmem>> -> memref<128xi32, #tpu.memory_space<vmem>>
      %dma_start3A_93 = arith.constant 0 : i32
      %dma_start3A_94 = arith.constant 0 : i32
      %dma_start3A_95 = tpu.memref_slice %arg9[%dma_start3A_93, %dma_start3A_94] : memref<10000x64xf32, #tpu.memory_space<vmem_shared>> -> memref<10000x64xf32, #tpu.memory_space<vmem_shared>>
      tpu.enqueue_indirect_dma source(%dma_start3A_95 : memref<10000x64xf32, #tpu.memory_space<vmem_shared>>) target(%arg7 : memref<128x64xf32, #tpu.memory_space<vmem>>) offsets(%dma_start3A_92 : memref<128xi32, #tpu.memory_space<vmem>>) semaphore(%arg11 : memref<!tpu.dma_semaphore, #tpu.memory_space<semaphore_mem>>)
      %dma_wait3A = arith.constant 78 : i32
      %dma_wait3A_96 = arith.constant 0 : i32
      %dma_wait3A_97 = tpu.memref_slice %arg5[%dma_wait3A, %dma_wait3A_96] : memref<79x128xi32, #tpu.memory_space<vmem>> -> memref<1x128xi32, #tpu.memory_space<vmem>>
      %dma_wait3A_98 = tpu.memref_squeeze %dma_wait3A_97 : memref<1x128xi32, #tpu.memory_space<vmem>> -> memref<128xi32, #tpu.memory_space<vmem>>
      %dma_wait3A_99 = arith.constant 0 : i32
      %dma_wait3A_100 = arith.constant 0 : i32
      %dma_wait3A_101 = tpu.memref_slice %arg9[%dma_wait3A_99, %dma_wait3A_100] : memref<10000x64xf32, #tpu.memory_space<vmem_shared>> -> memref<10000x64xf32, #tpu.memory_space<vmem_shared>>
      tpu.wait_indirect_dma semaphore(%arg11 : memref<!tpu.dma_semaphore, #tpu.memory_space<semaphore_mem>>) src(%dma_wait3A_101 : memref<10000x64xf32, #tpu.memory_space<vmem_shared>>) dst(%arg7 : memref<128x64xf32, #tpu.memory_space<vmem>>)
      %run_scoped3A_102 = arith.constant 78 : i32
      "tpu.region"() ({
        %run_scoped3A_103 = tpu.sem_alloc : memref<!tpu.dma_semaphore, #tpu.memory_space<semaphore_mem>>
        %dma_start3A_104 = arith.constant 0 : i32
        %dma_start3A_105 = tpu.memref_slice %arg6[%run_scoped3A_102, %dma_start3A_104] : memref<79x128xi32, #tpu.memory_space<vmem>> -> memref<1x128xi32, #tpu.memory_space<vmem>>
        %dma_start3A_106 = tpu.memref_squeeze %dma_start3A_105 : memref<1x128xi32, #tpu.memory_space<vmem>> -> memref<128xi32, #tpu.memory_space<vmem>>
        %dma_start3A_107 = arith.constant 0 : i32
        %dma_start3A_108 = arith.constant 0 : i32
        %dma_start3A_109 = tpu.memref_slice %arg10[%dma_start3A_107, %dma_start3A_108] : memref<10016x64xf32, #tpu.memory_space<vmem_shared>> -> memref<10016x64xf32, #tpu.memory_space<vmem_shared>>
        tpu.enqueue_indirect_dma source(%arg7 : memref<128x64xf32, #tpu.memory_space<vmem>>) target(%dma_start3A_109 : memref<10016x64xf32, #tpu.memory_space<vmem_shared>>) offsets(%dma_start3A_106 : memref<128xi32, #tpu.memory_space<vmem>>) semaphore(%run_scoped3A_103 : memref<!tpu.dma_semaphore, #tpu.memory_space<semaphore_mem>>) {add = true}
        %dma_wait3A_110 = arith.constant 0 : i32
        %dma_wait3A_111 = tpu.memref_slice %arg6[%run_scoped3A_102, %dma_wait3A_110] : memref<79x128xi32, #tpu.memory_space<vmem>> -> memref<1x128xi32, #tpu.memory_space<vmem>>
        %dma_wait3A_112 = tpu.memref_squeeze %dma_wait3A_111 : memref<1x128xi32, #tpu.memory_space<vmem>> -> memref<128xi32, #tpu.memory_space<vmem>>
        %dma_wait3A_113 = arith.constant 0 : i32
        %dma_wait3A_114 = arith.constant 0 : i32
        %dma_wait3A_115 = tpu.memref_slice %arg10[%dma_wait3A_113, %dma_wait3A_114] : memref<10016x64xf32, #tpu.memory_space<vmem_shared>> -> memref<10016x64xf32, #tpu.memory_space<vmem_shared>>
        tpu.wait_indirect_dma semaphore(%run_scoped3A_103 : memref<!tpu.dma_semaphore, #tpu.memory_space<semaphore_mem>>) src(%arg7 : memref<128x64xf32, #tpu.memory_space<vmem>>) dst(%dma_wait3A_115 : memref<10016x64xf32, #tpu.memory_space<vmem_shared>>)
        tpu.yield
      }) : () -> ()
    } else {
    }
    %barrier3A_82 = arith.constant 0 : index
    tpu.barrier barrier_id(%barrier3A_82)
    %eq3A_83 = arith.constant 0 : i32
    %eq3A_84 = arith.cmpi eq, %arg1, %eq3A_83 : i32
    %convert_element_type3A_85 = arith.extui %eq3A_84 : i1 to i32
    %cond3A_86 = arith.constant 0 : i32
    %cond3A_87 = arith.cmpi ne, %convert_element_type3A_85, %cond3A_86 : i32
    scf.if %cond3A_87 {
      "tpu.region"() ({
        %run_scoped3A_89 = tpu.sem_alloc : memref<!tpu.dma_semaphore, #tpu.memory_space<semaphore_mem>>
        %dma_start3A_90 = arith.constant 0 : i32
        %dma_start3A_91 = arith.constant 64 : i32
        %dma_start3A_92 = tpu.memref_slice %arg4[%arg0, %dma_start3A_90, %dma_start3A_91] : memref<2x10000x128xf32, #tpu.memory_space<hbm>> -> memref<1x10000x64xf32, #tpu.memory_space<hbm>>
        %dma_start3A_93 = tpu.memref_squeeze %dma_start3A_92 : memref<1x10000x64xf32, #tpu.memory_space<hbm>> -> memref<10000x64xf32, #tpu.memory_space<hbm>>
        %dma_start3A_94 = arith.constant 0 : i32
        %dma_start3A_95 = arith.constant 0 : i32
        %dma_start3A_96 = tpu.memref_slice %arg10[%dma_start3A_94, %dma_start3A_95] : memref<10016x64xf32, #tpu.memory_space<vmem_shared>> -> memref<10000x64xf32, #tpu.memory_space<vmem_shared>>
        tpu.enqueue_dma source(%dma_start3A_96 : memref<10000x64xf32, #tpu.memory_space<vmem_shared>>) target(%dma_start3A_93 : memref<10000x64xf32, #tpu.memory_space<hbm>>) target_semaphore(%run_scoped3A_89 : memref<!tpu.dma_semaphore, #tpu.memory_space<semaphore_mem>>)
        %dma_wait3A = arith.constant 0 : i32
        %dma_wait3A_97 = arith.constant 64 : i32
        %dma_wait3A_98 = tpu.memref_slice %arg4[%arg0, %dma_wait3A, %dma_wait3A_97] : memref<2x10000x128xf32, #tpu.memory_space<hbm>> -> memref<1x10000x64xf32, #tpu.memory_space<hbm>>
        %dma_wait3A_99 = tpu.memref_squeeze %dma_wait3A_98 : memref<1x10000x64xf32, #tpu.memory_space<hbm>> -> memref<10000x64xf32, #tpu.memory_space<hbm>>
        %dma_wait3A_100 = arith.constant 0 : i32
        %dma_wait3A_101 = arith.constant 0 : i32
        %dma_wait3A_102 = tpu.memref_slice %arg10[%dma_wait3A_100, %dma_wait3A_101] : memref<10016x64xf32, #tpu.memory_space<vmem_shared>> -> memref<10000x64xf32, #tpu.memory_space<vmem_shared>>
        tpu.wait_dma2 semaphore(%run_scoped3A_89 : memref<!tpu.dma_semaphore, #tpu.memory_space<semaphore_mem>>) src(%dma_wait3A_102 : memref<10000x64xf32, #tpu.memory_space<vmem_shared>>) dst(%dma_wait3A_99 : memref<10000x64xf32, #tpu.memory_space<hbm>>)
        tpu.yield
      }) : () -> ()
    } else {
    }
    %barrier3A_88 = arith.constant 0 : index
    tpu.barrier barrier_id(%barrier3A_88)
    return
  }
}

#map = affine_map<(d0, d1) -> (0, 0)>
#map1 = affine_map<(d0, d1) -> (0, 0, 0)>
module attributes {stable_mosaic.version = 14 : i64} {
  func.func @sc_kernel(%arg0: i32, %arg1: i32, %arg2: memref<10000x128xf32, #tpu.memory_space<hbm>>, %arg3: memref<2x2500x128xi32, #tpu.memory_space<hbm>>, %arg4: memref<2x10000x128xf32, #tpu.memory_space<hbm>>, %arg5: memref<79x128xi32, #tpu.memory_space<vmem>>, %arg6: memref<79x128xi32, #tpu.memory_space<vmem>>, %arg7: memref<128x64xf32, #tpu.memory_space<vmem>>, %arg8: memref<128x64xf32, #tpu.memory_space<vmem>>, %arg9: memref<10000x64xf32, #tpu.memory_space<vmem_shared>>, %arg10: memref<10016x64xf32, #tpu.memory_space<vmem_shared>>, %arg11: memref<!tpu.dma_semaphore, #tpu.memory_space<semaphore_mem>>, %arg12: memref<!tpu.dma_semaphore, #tpu.memory_space<semaphore_mem>>) attributes {dimension_semantics = [#tpu.dimension_semantics<core_parallel>, #tpu.dimension_semantics<subcore_parallel>], iteration_bounds = array<i64: 2, 16>, scalar_prefetch = 0 : i64, scratch_operands = 8 : i64, tpu.core_type = #tpu.core_type<sc_vector_subcore>, window_params = [{transform_indices = #map}, {transform_indices = #map1}, {transform_indices = #map1}]} {
    %mul3A = arith.constant 1250 : i32
    %mul3A_0 = arith.muli %arg0, %mul3A : i32
    %mul3A_1 = arith.constant 78 : i32
    %mul3A_2 = arith.muli %arg1, %mul3A_1 : i32
    %add3A = arith.addi %mul3A_0, %mul3A_2 : i32
    %lt3A = arith.constant 2 : i32
    %lt3A_3 = arith.cmpi slt, %arg1, %lt3A : i32
    %run_scoped3A = arith.constant 0 : i32
    "tpu.region"() ({
      %run_scoped3A_47 = tpu.sem_alloc : memref<!tpu.dma_semaphore, #tpu.memory_space<semaphore_mem>>
      %dma_start3A_48 = arith.constant 0 : i32
      %dma_start3A_49 = arith.constant 0 : i32
      %dma_start3A_50 = tpu.memref_slice %arg5[%dma_start3A_48, %dma_start3A_49] : memref<79x128xi32, #tpu.memory_space<vmem>> -> memref<78x128xi32, #tpu.memory_space<vmem>>
      %dma_start3A_51 = arith.constant 0 : i32
      %dma_start3A_52 = tpu.memref_slice %arg3[%run_scoped3A, %add3A, %dma_start3A_51] : memref<2x2500x128xi32, #tpu.memory_space<hbm>> -> memref<1x78x128xi32, #tpu.memory_space<hbm>>
      %dma_start3A_53 = tpu.memref_squeeze %dma_start3A_52 : memref<1x78x128xi32, #tpu.memory_space<hbm>> -> memref<78x128xi32, #tpu.memory_space<hbm>>
      %dma_start3A_54 = arith.constant 0 : i32
      %dma_start3A_55 = arith.constant 0 : i32
      %dma_start3A_56 = tpu.memref_slice %arg5[%dma_start3A_54, %dma_start3A_55] : memref<79x128xi32, #tpu.memory_space<vmem>> -> memref<78x128xi32, #tpu.memory_space<vmem>>
      %dma_start3A_57 = arith.constant 0 : i32
      %dma_start3A_58 = tpu.memref_slice %arg3[%run_scoped3A, %add3A, %dma_start3A_57] : memref<2x2500x128xi32, #tpu.memory_space<hbm>> -> memref<1x78x128xi32, #tpu.memory_space<hbm>>
      %dma_start3A_59 = tpu.memref_squeeze %dma_start3A_58 : memref<1x78x128xi32, #tpu.memory_space<hbm>> -> memref<78x128xi32, #tpu.memory_space<hbm>>
      tpu.enqueue_dma source(%dma_start3A_59 : memref<78x128xi32, #tpu.memory_space<hbm>>) target(%dma_start3A_56 : memref<78x128xi32, #tpu.memory_space<vmem>>) target_semaphore(%run_scoped3A_47 : memref<!tpu.dma_semaphore, #tpu.memory_space<semaphore_mem>>)
      %dma_wait3A = arith.constant 0 : i32
      %dma_wait3A_60 = arith.constant 0 : i32
      %dma_wait3A_61 = tpu.memref_slice %arg5[%dma_wait3A, %dma_wait3A_60] : memref<79x128xi32, #tpu.memory_space<vmem>> -> memref<78x128xi32, #tpu.memory_space<vmem>>
      %dma_wait3A_62 = arith.constant 0 : i32
      %dma_wait3A_63 = tpu.memref_slice %arg3[%run_scoped3A, %add3A, %dma_wait3A_62] : memref<2x2500x128xi32, #tpu.memory_space<hbm>> -> memref<1x78x128xi32, #tpu.memory_space<hbm>>
      %dma_wait3A_64 = tpu.memref_squeeze %dma_wait3A_63 : memref<1x78x128xi32, #tpu.memory_space<hbm>> -> memref<78x128xi32, #tpu.memory_space<hbm>>
      %dma_wait3A_65 = arith.constant 0 : i32
      %dma_wait3A_66 = arith.constant 0 : i32
      %dma_wait3A_67 = tpu.memref_slice %arg5[%dma_wait3A_65, %dma_wait3A_66] : memref<79x128xi32, #tpu.memory_space<vmem>> -> memref<78x128xi32, #tpu.memory_space<vmem>>
      %dma_wait3A_68 = arith.constant 0 : i32
      %dma_wait3A_69 = tpu.memref_slice %arg3[%run_scoped3A, %add3A, %dma_wait3A_68] : memref<2x2500x128xi32, #tpu.memory_space<hbm>> -> memref<1x78x128xi32, #tpu.memory_space<hbm>>
      %dma_wait3A_70 = tpu.memref_squeeze %dma_wait3A_69 : memref<1x78x128xi32, #tpu.memory_space<hbm>> -> memref<78x128xi32, #tpu.memory_space<hbm>>
      tpu.wait_dma2 semaphore(%run_scoped3A_47 : memref<!tpu.dma_semaphore, #tpu.memory_space<semaphore_mem>>) src(%dma_wait3A_70 : memref<78x128xi32, #tpu.memory_space<hbm>>) dst(%dma_wait3A_67 : memref<78x128xi32, #tpu.memory_space<vmem>>)
      tpu.yield
    }) : () -> ()
    %run_scoped3A_4 = arith.constant 1 : i32
    "tpu.region"() ({
      %run_scoped3A_47 = tpu.sem_alloc : memref<!tpu.dma_semaphore, #tpu.memory_space<semaphore_mem>>
      %dma_start3A_48 = arith.constant 0 : i32
      %dma_start3A_49 = arith.constant 0 : i32
      %dma_start3A_50 = tpu.memref_slice %arg6[%dma_start3A_48, %dma_start3A_49] : memref<79x128xi32, #tpu.memory_space<vmem>> -> memref<78x128xi32, #tpu.memory_space<vmem>>
      %dma_start3A_51 = arith.constant 0 : i32
      %dma_start3A_52 = tpu.memref_slice %arg3[%run_scoped3A_4, %add3A, %dma_start3A_51] : memref<2x2500x128xi32, #tpu.memory_space<hbm>> -> memref<1x78x128xi32, #tpu.memory_space<hbm>>
      %dma_start3A_53 = tpu.memref_squeeze %dma_start3A_52 : memref<1x78x128xi32, #tpu.memory_space<hbm>> -> memref<78x128xi32, #tpu.memory_space<hbm>>
      %dma_start3A_54 = arith.constant 0 : i32
      %dma_start3A_55 = arith.constant 0 : i32
      %dma_start3A_56 = tpu.memref_slice %arg6[%dma_start3A_54, %dma_start3A_55] : memref<79x128xi32, #tpu.memory_space<vmem>> -> memref<78x128xi32, #tpu.memory_space<vmem>>
      %dma_start3A_57 = arith.constant 0 : i32
      %dma_start3A_58 = tpu.memref_slice %arg3[%run_scoped3A_4, %add3A, %dma_start3A_57] : memref<2x2500x128xi32, #tpu.memory_space<hbm>> -> memref<1x78x128xi32, #tpu.memory_space<hbm>>
      %dma_start3A_59 = tpu.memref_squeeze %dma_start3A_58 : memref<1x78x128xi32, #tpu.memory_space<hbm>> -> memref<78x128xi32, #tpu.memory_space<hbm>>
      tpu.enqueue_dma source(%dma_start3A_59 : memref<78x128xi32, #tpu.memory_space<hbm>>) target(%dma_start3A_56 : memref<78x128xi32, #tpu.memory_space<vmem>>) target_semaphore(%run_scoped3A_47 : memref<!tpu.dma_semaphore, #tpu.memory_space<semaphore_mem>>)
      %dma_wait3A = arith.constant 0 : i32
      %dma_wait3A_60 = arith.constant 0 : i32
      %dma_wait3A_61 = tpu.memref_slice %arg6[%dma_wait3A, %dma_wait3A_60] : memref<79x128xi32, #tpu.memory_space<vmem>> -> memref<78x128xi32, #tpu.memory_space<vmem>>
      %dma_wait3A_62 = arith.constant 0 : i32
      %dma_wait3A_63 = tpu.memref_slice %arg3[%run_scoped3A_4, %add3A, %dma_wait3A_62] : memref<2x2500x128xi32, #tpu.memory_space<hbm>> -> memref<1x78x128xi32, #tpu.memory_space<hbm>>
      %dma_wait3A_64 = tpu.memref_squeeze %dma_wait3A_63 : memref<1x78x128xi32, #tpu.memory_space<hbm>> -> memref<78x128xi32, #tpu.memory_space<hbm>>
      %dma_wait3A_65 = arith.constant 0 : i32
      %dma_wait3A_66 = arith.constant 0 : i32
      %dma_wait3A_67 = tpu.memref_slice %arg6[%dma_wait3A_65, %dma_wait3A_66] : memref<79x128xi32, #tpu.memory_space<vmem>> -> memref<78x128xi32, #tpu.memory_space<vmem>>
      %dma_wait3A_68 = arith.constant 0 : i32
      %dma_wait3A_69 = tpu.memref_slice %arg3[%run_scoped3A_4, %add3A, %dma_wait3A_68] : memref<2x2500x128xi32, #tpu.memory_space<hbm>> -> memref<1x78x128xi32, #tpu.memory_space<hbm>>
      %dma_wait3A_70 = tpu.memref_squeeze %dma_wait3A_69 : memref<1x78x128xi32, #tpu.memory_space<hbm>> -> memref<78x128xi32, #tpu.memory_space<hbm>>
      tpu.wait_dma2 semaphore(%run_scoped3A_47 : memref<!tpu.dma_semaphore, #tpu.memory_space<semaphore_mem>>) src(%dma_wait3A_70 : memref<78x128xi32, #tpu.memory_space<hbm>>) dst(%dma_wait3A_67 : memref<78x128xi32, #tpu.memory_space<vmem>>)
      tpu.yield
    }) : () -> ()
    %convert_element_type3A = arith.extui %lt3A_3 : i1 to i32
    %cond3A = arith.constant 0 : i32
    %cond3A_5 = arith.cmpi ne, %convert_element_type3A, %cond3A : i32
    scf.if %cond3A_5 {
      %mul3A_47 = arith.constant 1250 : i32
      %mul3A_48 = arith.muli %arg0, %mul3A_47 : i32
      %add3A_49 = arith.constant 1248 : i32
      %add3A_50 = arith.addi %mul3A_48, %add3A_49 : i32
      %add3A_51 = arith.addi %add3A_50, %arg1 : i32
      %run_scoped3A_52 = arith.constant 0 : i32
      "tpu.region"() ({
        %run_scoped3A_54 = tpu.sem_alloc : memref<!tpu.dma_semaphore, #tpu.memory_space<semaphore_mem>>
        %dma_start3A_55 = arith.constant 78 : i32
        %dma_start3A_56 = arith.constant 0 : i32
        %dma_start3A_57 = tpu.memref_slice %arg5[%dma_start3A_55, %dma_start3A_56] : memref<79x128xi32, #tpu.memory_space<vmem>> -> memref<1x128xi32, #tpu.memory_space<vmem>>
        %dma_start3A_58 = arith.constant 0 : i32
        %dma_start3A_59 = tpu.memref_slice %arg3[%run_scoped3A_52, %add3A_51, %dma_start3A_58] : memref<2x2500x128xi32, #tpu.memory_space<hbm>> -> memref<1x1x128xi32, #tpu.memory_space<hbm>>
        %dma_start3A_60 = tpu.memref_squeeze %dma_start3A_59 : memref<1x1x128xi32, #tpu.memory_space<hbm>> -> memref<1x128xi32, #tpu.memory_space<hbm>>
        %dma_start3A_61 = arith.constant 78 : i32
        %dma_start3A_62 = arith.constant 0 : i32
        %dma_start3A_63 = tpu.memref_slice %arg5[%dma_start3A_61, %dma_start3A_62] : memref<79x128xi32, #tpu.memory_space<vmem>> -> memref<1x128xi32, #tpu.memory_space<vmem>>
        %dma_start3A_64 = arith.constant 0 : i32
        %dma_start3A_65 = tpu.memref_slice %arg3[%run_scoped3A_52, %add3A_51, %dma_start3A_64] : memref<2x2500x128xi32, #tpu.memory_space<hbm>> -> memref<1x1x128xi32, #tpu.memory_space<hbm>>
        %dma_start3A_66 = tpu.memref_squeeze %dma_start3A_65 : memref<1x1x128xi32, #tpu.memory_space<hbm>> -> memref<1x128xi32, #tpu.memory_space<hbm>>
        tpu.enqueue_dma source(%dma_start3A_66 : memref<1x128xi32, #tpu.memory_space<hbm>>) target(%dma_start3A_63 : memref<1x128xi32, #tpu.memory_space<vmem>>) target_semaphore(%run_scoped3A_54 : memref<!tpu.dma_semaphore, #tpu.memory_space<semaphore_mem>>)
        %dma_wait3A = arith.constant 78 : i32
        %dma_wait3A_67 = arith.constant 0 : i32
        %dma_wait3A_68 = tpu.memref_slice %arg5[%dma_wait3A, %dma_wait3A_67] : memref<79x128xi32, #tpu.memory_space<vmem>> -> memref<1x128xi32, #tpu.memory_space<vmem>>
        %dma_wait3A_69 = arith.constant 0 : i32
        %dma_wait3A_70 = tpu.memref_slice %arg3[%run_scoped3A_52, %add3A_51, %dma_wait3A_69] : memref<2x2500x128xi32, #tpu.memory_space<hbm>> -> memref<1x1x128xi32, #tpu.memory_space<hbm>>
        %dma_wait3A_71 = tpu.memref_squeeze %dma_wait3A_70 : memref<1x1x128xi32, #tpu.memory_space<hbm>> -> memref<1x128xi32, #tpu.memory_space<hbm>>
        %dma_wait3A_72 = arith.constant 78 : i32
        %dma_wait3A_73 = arith.constant 0 : i32
        %dma_wait3A_74 = tpu.memref_slice %arg5[%dma_wait3A_72, %dma_wait3A_73] : memref<79x128xi32, #tpu.memory_space<vmem>> -> memref<1x128xi32, #tpu.memory_space<vmem>>
        %dma_wait3A_75 = arith.constant 0 : i32
        %dma_wait3A_76 = tpu.memref_slice %arg3[%run_scoped3A_52, %add3A_51, %dma_wait3A_75] : memref<2x2500x128xi32, #tpu.memory_space<hbm>> -> memref<1x1x128xi32, #tpu.memory_space<hbm>>
        %dma_wait3A_77 = tpu.memref_squeeze %dma_wait3A_76 : memref<1x1x128xi32, #tpu.memory_space<hbm>> -> memref<1x128xi32, #tpu.memory_space<hbm>>
        tpu.wait_dma2 semaphore(%run_scoped3A_54 : memref<!tpu.dma_semaphore, #tpu.memory_space<semaphore_mem>>) src(%dma_wait3A_77 : memref<1x128xi32, #tpu.memory_space<hbm>>) dst(%dma_wait3A_74 : memref<1x128xi32, #tpu.memory_space<vmem>>)
        tpu.yield
      }) : () -> ()
      %run_scoped3A_53 = arith.constant 1 : i32
      "tpu.region"() ({
        %run_scoped3A_54 = tpu.sem_alloc : memref<!tpu.dma_semaphore, #tpu.memory_space<semaphore_mem>>
        %dma_start3A_55 = arith.constant 78 : i32
        %dma_start3A_56 = arith.constant 0 : i32
        %dma_start3A_57 = tpu.memref_slice %arg6[%dma_start3A_55, %dma_start3A_56] : memref<79x128xi32, #tpu.memory_space<vmem>> -> memref<1x128xi32, #tpu.memory_space<vmem>>
        %dma_start3A_58 = arith.constant 0 : i32
        %dma_start3A_59 = tpu.memref_slice %arg3[%run_scoped3A_53, %add3A_51, %dma_start3A_58] : memref<2x2500x128xi32, #tpu.memory_space<hbm>> -> memref<1x1x128xi32, #tpu.memory_space<hbm>>
        %dma_start3A_60 = tpu.memref_squeeze %dma_start3A_59 : memref<1x1x128xi32, #tpu.memory_space<hbm>> -> memref<1x128xi32, #tpu.memory_space<hbm>>
        %dma_start3A_61 = arith.constant 78 : i32
        %dma_start3A_62 = arith.constant 0 : i32
        %dma_start3A_63 = tpu.memref_slice %arg6[%dma_start3A_61, %dma_start3A_62] : memref<79x128xi32, #tpu.memory_space<vmem>> -> memref<1x128xi32, #tpu.memory_space<vmem>>
        %dma_start3A_64 = arith.constant 0 : i32
        %dma_start3A_65 = tpu.memref_slice %arg3[%run_scoped3A_53, %add3A_51, %dma_start3A_64] : memref<2x2500x128xi32, #tpu.memory_space<hbm>> -> memref<1x1x128xi32, #tpu.memory_space<hbm>>
        %dma_start3A_66 = tpu.memref_squeeze %dma_start3A_65 : memref<1x1x128xi32, #tpu.memory_space<hbm>> -> memref<1x128xi32, #tpu.memory_space<hbm>>
        tpu.enqueue_dma source(%dma_start3A_66 : memref<1x128xi32, #tpu.memory_space<hbm>>) target(%dma_start3A_63 : memref<1x128xi32, #tpu.memory_space<vmem>>) target_semaphore(%run_scoped3A_54 : memref<!tpu.dma_semaphore, #tpu.memory_space<semaphore_mem>>)
        %dma_wait3A = arith.constant 78 : i32
        %dma_wait3A_67 = arith.constant 0 : i32
        %dma_wait3A_68 = tpu.memref_slice %arg6[%dma_wait3A, %dma_wait3A_67] : memref<79x128xi32, #tpu.memory_space<vmem>> -> memref<1x128xi32, #tpu.memory_space<vmem>>
        %dma_wait3A_69 = arith.constant 0 : i32
        %dma_wait3A_70 = tpu.memref_slice %arg3[%run_scoped3A_53, %add3A_51, %dma_wait3A_69] : memref<2x2500x128xi32, #tpu.memory_space<hbm>> -> memref<1x1x128xi32, #tpu.memory_space<hbm>>
        %dma_wait3A_71 = tpu.memref_squeeze %dma_wait3A_70 : memref<1x1x128xi32, #tpu.memory_space<hbm>> -> memref<1x128xi32, #tpu.memory_space<hbm>>
        %dma_wait3A_72 = arith.constant 78 : i32
        %dma_wait3A_73 = arith.constant 0 : i32
        %dma_wait3A_74 = tpu.memref_slice %arg6[%dma_wait3A_72, %dma_wait3A_73] : memref<79x128xi32, #tpu.memory_space<vmem>> -> memref<1x128xi32, #tpu.memory_space<vmem>>
        %dma_wait3A_75 = arith.constant 0 : i32
        %dma_wait3A_76 = tpu.memref_slice %arg3[%run_scoped3A_53, %add3A_51, %dma_wait3A_75] : memref<2x2500x128xi32, #tpu.memory_space<hbm>> -> memref<1x1x128xi32, #tpu.memory_space<hbm>>
        %dma_wait3A_77 = tpu.memref_squeeze %dma_wait3A_76 : memref<1x1x128xi32, #tpu.memory_space<hbm>> -> memref<1x128xi32, #tpu.memory_space<hbm>>
        tpu.wait_dma2 semaphore(%run_scoped3A_54 : memref<!tpu.dma_semaphore, #tpu.memory_space<semaphore_mem>>) src(%dma_wait3A_77 : memref<1x128xi32, #tpu.memory_space<hbm>>) dst(%dma_wait3A_74 : memref<1x128xi32, #tpu.memory_space<vmem>>)
        tpu.yield
      }) : () -> ()
    } else {
    }
    %broadcast_in_dim3A = arith.constant 0.000000e+00 : f32
    %broadcast_in_dim3A_6 = vector.broadcast %broadcast_in_dim3A : f32 to vector<16xf32>
    %mul3A_7 = arith.constant 626 : i32
    %mul3A_8 = arith.muli %arg1, %mul3A_7 : i32
    %mul3A_9 = arith.constant 625 : i32
    %mul3A_10 = arith.muli %arg1, %mul3A_9 : i32
    %mul3A_11 = arith.constant 625 : i32
    %mul3A_12 = arith.muli %arg1, %mul3A_11 : i32
    "tpu.region"() ({
      %run_scoped3A_47 = tpu.sem_alloc : memref<!tpu.dma_semaphore, #tpu.memory_space<semaphore_mem>>
      %dma_start3A_48 = arith.constant 0 : i32
      %dma_start3A_49 = tpu.memref_slice %arg9[%mul3A_12, %dma_start3A_48] : memref<10000x64xf32, #tpu.memory_space<vmem_shared>> -> memref<625x64xf32, #tpu.memory_space<vmem_shared>>
      %dma_start3A_50 = arith.constant 0 : i32
      %dma_start3A_51 = tpu.memref_slice %arg2[%mul3A_10, %dma_start3A_50] : memref<10000x128xf32, #tpu.memory_space<hbm>> -> memref<625x64xf32, #tpu.memory_space<hbm>>
      tpu.enqueue_dma source(%dma_start3A_51 : memref<625x64xf32, #tpu.memory_space<hbm>>) target(%dma_start3A_49 : memref<625x64xf32, #tpu.memory_space<vmem_shared>>) target_semaphore(%run_scoped3A_47 : memref<!tpu.dma_semaphore, #tpu.memory_space<semaphore_mem>>)
      %dma_wait3A = arith.constant 0 : i32
      %dma_wait3A_52 = tpu.memref_slice %arg9[%mul3A_12, %dma_wait3A] : memref<10000x64xf32, #tpu.memory_space<vmem_shared>> -> memref<625x64xf32, #tpu.memory_space<vmem_shared>>
      %dma_wait3A_53 = arith.constant 0 : i32
      %dma_wait3A_54 = tpu.memref_slice %arg2[%mul3A_10, %dma_wait3A_53] : memref<10000x128xf32, #tpu.memory_space<hbm>> -> memref<625x64xf32, #tpu.memory_space<hbm>>
      tpu.wait_dma2 semaphore(%run_scoped3A_47 : memref<!tpu.dma_semaphore, #tpu.memory_space<semaphore_mem>>) src(%dma_wait3A_54 : memref<625x64xf32, #tpu.memory_space<hbm>>) dst(%dma_wait3A_52 : memref<625x64xf32, #tpu.memory_space<vmem_shared>>)
      tpu.yield
    }) : () -> ()
    %scan3A = arith.constant 0 : i32
    %scan3A_13 = arith.constant 128 : i32
    %scan3A_14 = arith.addi %scan3A, %scan3A_13 : i32
    %scan3A_15 = arith.constant 1 : i32
    scf.for %scan3A_47 = %scan3A to %scan3A_14 step %scan3A_15  : i32 {
      %mul3A_48 = arith.constant 1 : i32
      %mul3A_49 = arith.muli %scan3A_47, %mul3A_48 : i32
      %add3A_50 = arith.constant 0 : i32
      %add3A_51 = arith.addi %add3A_50, %mul3A_49 : i32
      %swap3A = arith.index_cast %add3A_51 : i32 to index
      %swap3A_52 = arith.constant 0 : index
      %swap3A_53 = tpu.vector_load %arg7[%swap3A, %swap3A_52] {strides = array<i32>} : memref<128x64xf32, #tpu.memory_space<vmem>>, vector<1x16xf32>,
      %swap3A_54 = vector.shape_cast %swap3A_53 : vector<1x16xf32> to vector<16xf32>
      %swap3A_55 = vector.shape_cast %broadcast_in_dim3A_6 : vector<16xf32> to vector<1x16xf32>
      tpu.vector_store %arg7[%swap3A, %swap3A_52], %swap3A_55 {strides = array<i32>} : memref<128x64xf32, #tpu.memory_space<vmem>>, vector<1x16xf32>,
      %swap3A_56 = arith.index_cast %add3A_51 : i32 to index
      %swap3A_57 = arith.constant 16 : index
      %swap3A_58 = tpu.vector_load %arg7[%swap3A_56, %swap3A_57] {strides = array<i32>} : memref<128x64xf32, #tpu.memory_space<vmem>>, vector<1x16xf32>,
      %swap3A_59 = vector.shape_cast %swap3A_58 : vector<1x16xf32> to vector<16xf32>
      %swap3A_60 = vector.shape_cast %broadcast_in_dim3A_6 : vector<16xf32> to vector<1x16xf32>
      tpu.vector_store %arg7[%swap3A_56, %swap3A_57], %swap3A_60 {strides = array<i32>} : memref<128x64xf32, #tpu.memory_space<vmem>>, vector<1x16xf32>,
      %swap3A_61 = arith.index_cast %add3A_51 : i32 to index
      %swap3A_62 = arith.constant 32 : index
      %swap3A_63 = tpu.vector_load %arg7[%swap3A_61, %swap3A_62] {strides = array<i32>} : memref<128x64xf32, #tpu.memory_space<vmem>>, vector<1x16xf32>,
      %swap3A_64 = vector.shape_cast %swap3A_63 : vector<1x16xf32> to vector<16xf32>
      %swap3A_65 = vector.shape_cast %broadcast_in_dim3A_6 : vector<16xf32> to vector<1x16xf32>
      tpu.vector_store %arg7[%swap3A_61, %swap3A_62], %swap3A_65 {strides = array<i32>} : memref<128x64xf32, #tpu.memory_space<vmem>>, vector<1x16xf32>,
      %swap3A_66 = arith.index_cast %add3A_51 : i32 to index
      %swap3A_67 = arith.constant 48 : index
      %swap3A_68 = tpu.vector_load %arg7[%swap3A_66, %swap3A_67] {strides = array<i32>} : memref<128x64xf32, #tpu.memory_space<vmem>>, vector<1x16xf32>,
      %swap3A_69 = vector.shape_cast %swap3A_68 : vector<1x16xf32> to vector<16xf32>
      %swap3A_70 = vector.shape_cast %broadcast_in_dim3A_6 : vector<16xf32> to vector<1x16xf32>
      tpu.vector_store %arg7[%swap3A_66, %swap3A_67], %swap3A_70 {strides = array<i32>} : memref<128x64xf32, #tpu.memory_space<vmem>>, vector<1x16xf32>,
    }
    %scan3A_16 = arith.constant 128 : i32
    %add3A_17 = arith.constant 0 : i32
    %add3A_18 = arith.addi %mul3A_8, %add3A_17 : i32
    "tpu.region"() ({
      %run_scoped3A_47 = tpu.sem_alloc : memref<!tpu.dma_semaphore, #tpu.memory_space<semaphore_mem>>
      %dma_start3A_48 = arith.constant 0 : i32
      %dma_start3A_49 = tpu.memref_slice %arg10[%add3A_18, %dma_start3A_48] : memref<10016x64xf32, #tpu.memory_space<vmem_shared>> -> memref<128x64xf32, #tpu.memory_space<vmem_shared>>
      %dma_start3A_50 = arith.constant 0 : i32
      %dma_start3A_51 = tpu.memref_slice %arg10[%add3A_18, %dma_start3A_50] : memref<10016x64xf32, #tpu.memory_space<vmem_shared>> -> memref<128x64xf32, #tpu.memory_space<vmem_shared>>
      tpu.enqueue_dma source(%arg7 : memref<128x64xf32, #tpu.memory_space<vmem>>) target(%dma_start3A_51 : memref<128x64xf32, #tpu.memory_space<vmem_shared>>) target_semaphore(%run_scoped3A_47 : memref<!tpu.dma_semaphore, #tpu.memory_space<semaphore_mem>>)
      %dma_wait3A = arith.constant 0 : i32
      %dma_wait3A_52 = tpu.memref_slice %arg10[%add3A_18, %dma_wait3A] : memref<10016x64xf32, #tpu.memory_space<vmem_shared>> -> memref<128x64xf32, #tpu.memory_space<vmem_shared>>
      %dma_wait3A_53 = arith.constant 0 : i32
      %dma_wait3A_54 = tpu.memref_slice %arg10[%add3A_18, %dma_wait3A_53] : memref<10016x64xf32, #tpu.memory_space<vmem_shared>> -> memref<128x64xf32, #tpu.memory_space<vmem_shared>>
      tpu.wait_dma2 semaphore(%run_scoped3A_47 : memref<!tpu.dma_semaphore, #tpu.memory_space<semaphore_mem>>) src(%arg7 : memref<128x64xf32, #tpu.memory_space<vmem>>) dst(%dma_wait3A_54 : memref<128x64xf32, #tpu.memory_space<vmem_shared>>)
      tpu.yield
    }) : () -> ()
    %add3A_19 = arith.constant 128 : i32
    %add3A_20 = arith.addi %mul3A_8, %add3A_19 : i32
    "tpu.region"() ({
      %run_scoped3A_47 = tpu.sem_alloc : memref<!tpu.dma_semaphore, #tpu.memory_space<semaphore_mem>>
      %dma_start3A_48 = arith.constant 0 : i32
      %dma_start3A_49 = tpu.memref_slice %arg10[%add3A_20, %dma_start3A_48] : memref<10016x64xf32, #tpu.memory_space<vmem_shared>> -> memref<128x64xf32, #tpu.memory_space<vmem_shared>>
      %dma_start3A_50 = arith.constant 0 : i32
      %dma_start3A_51 = tpu.memref_slice %arg10[%add3A_20, %dma_start3A_50] : memref<10016x64xf32, #tpu.memory_space<vmem_shared>> -> memref<128x64xf32, #tpu.memory_space<vmem_shared>>
      tpu.enqueue_dma source(%arg7 : memref<128x64xf32, #tpu.memory_space<vmem>>) target(%dma_start3A_51 : memref<128x64xf32, #tpu.memory_space<vmem_shared>>) target_semaphore(%run_scoped3A_47 : memref<!tpu.dma_semaphore, #tpu.memory_space<semaphore_mem>>)
      %dma_wait3A = arith.constant 0 : i32
      %dma_wait3A_52 = tpu.memref_slice %arg10[%add3A_20, %dma_wait3A] : memref<10016x64xf32, #tpu.memory_space<vmem_shared>> -> memref<128x64xf32, #tpu.memory_space<vmem_shared>>
      %dma_wait3A_53 = arith.constant 0 : i32
      %dma_wait3A_54 = tpu.memref_slice %arg10[%add3A_20, %dma_wait3A_53] : memref<10016x64xf32, #tpu.memory_space<vmem_shared>> -> memref<128x64xf32, #tpu.memory_space<vmem_shared>>
      tpu.wait_dma2 semaphore(%run_scoped3A_47 : memref<!tpu.dma_semaphore, #tpu.memory_space<semaphore_mem>>) src(%arg7 : memref<128x64xf32, #tpu.memory_space<vmem>>) dst(%dma_wait3A_54 : memref<128x64xf32, #tpu.memory_space<vmem_shared>>)
      tpu.yield
    }) : () -> ()
    %add3A_21 = arith.constant 256 : i32
    %add3A_22 = arith.addi %mul3A_8, %add3A_21 : i32
    "tpu.region"() ({
      %run_scoped3A_47 = tpu.sem_alloc : memref<!tpu.dma_semaphore, #tpu.memory_space<semaphore_mem>>
      %dma_start3A_48 = arith.constant 0 : i32
      %dma_start3A_49 = tpu.memref_slice %arg10[%add3A_22, %dma_start3A_48] : memref<10016x64xf32, #tpu.memory_space<vmem_shared>> -> memref<128x64xf32, #tpu.memory_space<vmem_shared>>
      %dma_start3A_50 = arith.constant 0 : i32
      %dma_start3A_51 = tpu.memref_slice %arg10[%add3A_22, %dma_start3A_50] : memref<10016x64xf32, #tpu.memory_space<vmem_shared>> -> memref<128x64xf32, #tpu.memory_space<vmem_shared>>
      tpu.enqueue_dma source(%arg7 : memref<128x64xf32, #tpu.memory_space<vmem>>) target(%dma_start3A_51 : memref<128x64xf32, #tpu.memory_space<vmem_shared>>) target_semaphore(%run_scoped3A_47 : memref<!tpu.dma_semaphore, #tpu.memory_space<semaphore_mem>>)
      %dma_wait3A = arith.constant 0 : i32
      %dma_wait3A_52 = tpu.memref_slice %arg10[%add3A_22, %dma_wait3A] : memref<10016x64xf32, #tpu.memory_space<vmem_shared>> -> memref<128x64xf32, #tpu.memory_space<vmem_shared>>
      %dma_wait3A_53 = arith.constant 0 : i32
      %dma_wait3A_54 = tpu.memref_slice %arg10[%add3A_22, %dma_wait3A_53] : memref<10016x64xf32, #tpu.memory_space<vmem_shared>> -> memref<128x64xf32, #tpu.memory_space<vmem_shared>>
      tpu.wait_dma2 semaphore(%run_scoped3A_47 : memref<!tpu.dma_semaphore, #tpu.memory_space<semaphore_mem>>) src(%arg7 : memref<128x64xf32, #tpu.memory_space<vmem>>) dst(%dma_wait3A_54 : memref<128x64xf32, #tpu.memory_space<vmem_shared>>)
      tpu.yield
    }) : () -> ()
    %add3A_23 = arith.constant 384 : i32
    %add3A_24 = arith.addi %mul3A_8, %add3A_23 : i32
    "tpu.region"() ({
      %run_scoped3A_47 = tpu.sem_alloc : memref<!tpu.dma_semaphore, #tpu.memory_space<semaphore_mem>>
      %dma_start3A_48 = arith.constant 0 : i32
      %dma_start3A_49 = tpu.memref_slice %arg10[%add3A_24, %dma_start3A_48] : memref<10016x64xf32, #tpu.memory_space<vmem_shared>> -> memref<128x64xf32, #tpu.memory_space<vmem_shared>>
      %dma_start3A_50 = arith.constant 0 : i32
      %dma_start3A_51 = tpu.memref_slice %arg10[%add3A_24, %dma_start3A_50] : memref<10016x64xf32, #tpu.memory_space<vmem_shared>> -> memref<128x64xf32, #tpu.memory_space<vmem_shared>>
      tpu.enqueue_dma source(%arg7 : memref<128x64xf32, #tpu.memory_space<vmem>>) target(%dma_start3A_51 : memref<128x64xf32, #tpu.memory_space<vmem_shared>>) target_semaphore(%run_scoped3A_47 : memref<!tpu.dma_semaphore, #tpu.memory_space<semaphore_mem>>)
      %dma_wait3A = arith.constant 0 : i32
      %dma_wait3A_52 = tpu.memref_slice %arg10[%add3A_24, %dma_wait3A] : memref<10016x64xf32, #tpu.memory_space<vmem_shared>> -> memref<128x64xf32, #tpu.memory_space<vmem_shared>>
      %dma_wait3A_53 = arith.constant 0 : i32
      %dma_wait3A_54 = tpu.memref_slice %arg10[%add3A_24, %dma_wait3A_53] : memref<10016x64xf32, #tpu.memory_space<vmem_shared>> -> memref<128x64xf32, #tpu.memory_space<vmem_shared>>
      tpu.wait_dma2 semaphore(%run_scoped3A_47 : memref<!tpu.dma_semaphore, #tpu.memory_space<semaphore_mem>>) src(%arg7 : memref<128x64xf32, #tpu.memory_space<vmem>>) dst(%dma_wait3A_54 : memref<128x64xf32, #tpu.memory_space<vmem_shared>>)
      tpu.yield
    }) : () -> ()
    %add3A_25 = arith.constant 512 : i32
    %add3A_26 = arith.addi %mul3A_8, %add3A_25 : i32
    "tpu.region"() ({
      %run_scoped3A_47 = tpu.sem_alloc : memref<!tpu.dma_semaphore, #tpu.memory_space<semaphore_mem>>
      %dma_start3A_48 = arith.constant 0 : i32
      %dma_start3A_49 = arith.constant 0 : i32
      %dma_start3A_50 = tpu.memref_slice %arg7[%dma_start3A_48, %dma_start3A_49] : memref<128x64xf32, #tpu.memory_space<vmem>> -> memref<114x64xf32, #tpu.memory_space<vmem>>
      %dma_start3A_51 = arith.constant 0 : i32
      %dma_start3A_52 = tpu.memref_slice %arg10[%add3A_26, %dma_start3A_51] : memref<10016x64xf32, #tpu.memory_space<vmem_shared>> -> memref<114x64xf32, #tpu.memory_space<vmem_shared>>
      %dma_start3A_53 = arith.constant 0 : i32
      %dma_start3A_54 = tpu.memref_slice %arg10[%add3A_26, %dma_start3A_53] : memref<10016x64xf32, #tpu.memory_space<vmem_shared>> -> memref<114x64xf32, #tpu.memory_space<vmem_shared>>
      %dma_start3A_55 = arith.constant 0 : i32
      %dma_start3A_56 = arith.constant 0 : i32
      %dma_start3A_57 = tpu.memref_slice %arg7[%dma_start3A_55, %dma_start3A_56] : memref<128x64xf32, #tpu.memory_space<vmem>> -> memref<114x64xf32, #tpu.memory_space<vmem>>
      tpu.enqueue_dma source(%dma_start3A_57 : memref<114x64xf32, #tpu.memory_space<vmem>>) target(%dma_start3A_54 : memref<114x64xf32, #tpu.memory_space<vmem_shared>>) target_semaphore(%run_scoped3A_47 : memref<!tpu.dma_semaphore, #tpu.memory_space<semaphore_mem>>)
      %dma_wait3A = arith.constant 0 : i32
      %dma_wait3A_58 = arith.constant 0 : i32
      %dma_wait3A_59 = tpu.memref_slice %arg7[%dma_wait3A, %dma_wait3A_58] : memref<128x64xf32, #tpu.memory_space<vmem>> -> memref<114x64xf32, #tpu.memory_space<vmem>>
      %dma_wait3A_60 = arith.constant 0 : i32
      %dma_wait3A_61 = tpu.memref_slice %arg10[%add3A_26, %dma_wait3A_60] : memref<10016x64xf32, #tpu.memory_space<vmem_shared>> -> memref<114x64xf32, #tpu.memory_space<vmem_shared>>
      %dma_wait3A_62 = arith.constant 0 : i32
      %dma_wait3A_63 = tpu.memref_slice %arg10[%add3A_26, %dma_wait3A_62] : memref<10016x64xf32, #tpu.memory_space<vmem_shared>> -> memref<114x64xf32, #tpu.memory_space<vmem_shared>>
      %dma_wait3A_64 = arith.constant 0 : i32
      %dma_wait3A_65 = arith.constant 0 : i32
      %dma_wait3A_66 = tpu.memref_slice %arg7[%dma_wait3A_64, %dma_wait3A_65] : memref<128x64xf32, #tpu.memory_space<vmem>> -> memref<114x64xf32, #tpu.memory_space<vmem>>
      tpu.wait_dma2 semaphore(%run_scoped3A_47 : memref<!tpu.dma_semaphore, #tpu.memory_space<semaphore_mem>>) src(%dma_wait3A_66 : memref<114x64xf32, #tpu.memory_space<vmem>>) dst(%dma_wait3A_63 : memref<114x64xf32, #tpu.memory_space<vmem_shared>>)
      tpu.yield
    }) : () -> ()
    %barrier3A = arith.constant 0 : index
    tpu.barrier barrier_id(%barrier3A)
    %dma_start3A = arith.constant 0 : i32
    %dma_start3A_27 = arith.constant 0 : i32
    %dma_start3A_28 = tpu.memref_slice %arg5[%dma_start3A, %dma_start3A_27] : memref<79x128xi32, #tpu.memory_space<vmem>> -> memref<1x128xi32, #tpu.memory_space<vmem>>
    %dma_start3A_29 = tpu.memref_squeeze %dma_start3A_28 : memref<1x128xi32, #tpu.memory_space<vmem>> -> memref<128xi32, #tpu.memory_space<vmem>>
    %dma_start3A_30 = arith.constant 0 : i32
    %dma_start3A_31 = arith.constant 0 : i32
    %dma_start3A_32 = tpu.memref_slice %arg9[%dma_start3A_30, %dma_start3A_31] : memref<10000x64xf32, #tpu.memory_space<vmem_shared>> -> memref<10000x64xf32, #tpu.memory_space<vmem_shared>>
    tpu.enqueue_indirect_dma source(%dma_start3A_32 : memref<10000x64xf32, #tpu.memory_space<vmem_shared>>) target(%arg7 : memref<128x64xf32, #tpu.memory_space<vmem>>) offsets(%dma_start3A_29 : memref<128xi32, #tpu.memory_space<vmem>>) semaphore(%arg11 : memref<!tpu.dma_semaphore, #tpu.memory_space<semaphore_mem>>)
    %scan3A_33 = arith.constant 0 : i32
    %scan3A_34 = arith.constant 39 : i32
    %scan3A_35 = arith.addi %scan3A_33, %scan3A_34 : i32
    %scan3A_36 = arith.constant 1 : i32
    scf.for %scan3A_47 = %scan3A_33 to %scan3A_35 step %scan3A_36  : i32 {
      %mul3A_48 = arith.constant 1 : i32
      %mul3A_49 = arith.muli %scan3A_47, %mul3A_48 : i32
      %add3A_50 = arith.constant 0 : i32
      %add3A_51 = arith.addi %add3A_50, %mul3A_49 : i32
      %mul3A_52 = arith.constant 2 : i32
      %mul3A_53 = arith.muli %mul3A_52, %add3A_51 : i32
      %add3A_54 = arith.constant 1 : i32
      %add3A_55 = arith.addi %mul3A_53, %add3A_54 : i32
      %dma_start3A_56 = arith.constant 0 : i32
      %dma_start3A_57 = tpu.memref_slice %arg5[%add3A_55, %dma_start3A_56] : memref<79x128xi32, #tpu.memory_space<vmem>> -> memref<1x128xi32, #tpu.memory_space<vmem>>
      %dma_start3A_58 = tpu.memref_squeeze %dma_start3A_57 : memref<1x128xi32, #tpu.memory_space<vmem>> -> memref<128xi32, #tpu.memory_space<vmem>>
      %dma_start3A_59 = arith.constant 0 : i32
      %dma_start3A_60 = arith.constant 0 : i32
      %dma_start3A_61 = tpu.memref_slice %arg9[%dma_start3A_59, %dma_start3A_60] : memref<10000x64xf32, #tpu.memory_space<vmem_shared>> -> memref<10000x64xf32, #tpu.memory_space<vmem_shared>>
      tpu.enqueue_indirect_dma source(%dma_start3A_61 : memref<10000x64xf32, #tpu.memory_space<vmem_shared>>) target(%arg8 : memref<128x64xf32, #tpu.memory_space<vmem>>) offsets(%dma_start3A_58 : memref<128xi32, #tpu.memory_space<vmem>>) semaphore(%arg12 : memref<!tpu.dma_semaphore, #tpu.memory_space<semaphore_mem>>)
      %dma_wait3A = arith.constant 0 : i32
      %dma_wait3A_62 = tpu.memref_slice %arg5[%mul3A_53, %dma_wait3A] : memref<79x128xi32, #tpu.memory_space<vmem>> -> memref<1x128xi32, #tpu.memory_space<vmem>>
      %dma_wait3A_63 = tpu.memref_squeeze %dma_wait3A_62 : memref<1x128xi32, #tpu.memory_space<vmem>> -> memref<128xi32, #tpu.memory_space<vmem>>
      %dma_wait3A_64 = arith.constant 0 : i32
      %dma_wait3A_65 = arith.constant 0 : i32
      %dma_wait3A_66 = tpu.memref_slice %arg9[%dma_wait3A_64, %dma_wait3A_65] : memref<10000x64xf32, #tpu.memory_space<vmem_shared>> -> memref<10000x64xf32, #tpu.memory_space<vmem_shared>>
      tpu.wait_indirect_dma semaphore(%arg11 : memref<!tpu.dma_semaphore, #tpu.memory_space<semaphore_mem>>) src(%dma_wait3A_66 : memref<10000x64xf32, #tpu.memory_space<vmem_shared>>) dst(%arg7 : memref<128x64xf32, #tpu.memory_space<vmem>>)
      "tpu.region"() ({
        %run_scoped3A_84 = tpu.sem_alloc : memref<!tpu.dma_semaphore, #tpu.memory_space<semaphore_mem>>
        %dma_start3A_85 = arith.constant 0 : i32
        %dma_start3A_86 = tpu.memref_slice %arg6[%mul3A_53, %dma_start3A_85] : memref<79x128xi32, #tpu.memory_space<vmem>> -> memref<1x128xi32, #tpu.memory_space<vmem>>
        %dma_start3A_87 = tpu.memref_squeeze %dma_start3A_86 : memref<1x128xi32, #tpu.memory_space<vmem>> -> memref<128xi32, #tpu.memory_space<vmem>>
        %dma_start3A_88 = arith.constant 0 : i32
        %dma_start3A_89 = arith.constant 0 : i32
        %dma_start3A_90 = tpu.memref_slice %arg10[%dma_start3A_88, %dma_start3A_89] : memref<10016x64xf32, #tpu.memory_space<vmem_shared>> -> memref<10016x64xf32, #tpu.memory_space<vmem_shared>>
        tpu.enqueue_indirect_dma source(%arg7 : memref<128x64xf32, #tpu.memory_space<vmem>>) target(%dma_start3A_90 : memref<10016x64xf32, #tpu.memory_space<vmem_shared>>) offsets(%dma_start3A_87 : memref<128xi32, #tpu.memory_space<vmem>>) semaphore(%run_scoped3A_84 : memref<!tpu.dma_semaphore, #tpu.memory_space<semaphore_mem>>) {add = true}
        %dma_wait3A_91 = arith.constant 0 : i32
        %dma_wait3A_92 = tpu.memref_slice %arg6[%mul3A_53, %dma_wait3A_91] : memref<79x128xi32, #tpu.memory_space<vmem>> -> memref<1x128xi32, #tpu.memory_space<vmem>>
        %dma_wait3A_93 = tpu.memref_squeeze %dma_wait3A_92 : memref<1x128xi32, #tpu.memory_space<vmem>> -> memref<128xi32, #tpu.memory_space<vmem>>
        %dma_wait3A_94 = arith.constant 0 : i32
        %dma_wait3A_95 = arith.constant 0 : i32
        %dma_wait3A_96 = tpu.memref_slice %arg10[%dma_wait3A_94, %dma_wait3A_95] : memref<10016x64xf32, #tpu.memory_space<vmem_shared>> -> memref<10016x64xf32, #tpu.memory_space<vmem_shared>>
        tpu.wait_indirect_dma semaphore(%run_scoped3A_84 : memref<!tpu.dma_semaphore, #tpu.memory_space<semaphore_mem>>) src(%arg7 : memref<128x64xf32, #tpu.memory_space<vmem>>) dst(%dma_wait3A_96 : memref<10016x64xf32, #tpu.memory_space<vmem_shared>>)
        tpu.yield
      }) : () -> ()
      %add3A_67 = arith.constant 2 : i32
      %add3A_68 = arith.addi %mul3A_53, %add3A_67 : i32
      %lt3A_69 = arith.constant 78 : i32
      %lt3A_70 = arith.cmpi slt, %add3A_68, %lt3A_69 : i32
      %convert_element_type3A_71 = arith.extui %lt3A_70 : i1 to i32
      %cond3A_72 = arith.constant 0 : i32
      %cond3A_73 = arith.cmpi ne, %convert_element_type3A_71, %cond3A_72 : i32
      scf.if %cond3A_73 {
        %add3A_84 = arith.constant 2 : i32
        %add3A_85 = arith.addi %mul3A_53, %add3A_84 : i32
        %dma_start3A_86 = arith.constant 0 : i32
        %dma_start3A_87 = tpu.memref_slice %arg5[%add3A_85, %dma_start3A_86] : memref<79x128xi32, #tpu.memory_space<vmem>> -> memref<1x128xi32, #tpu.memory_space<vmem>>
        %dma_start3A_88 = tpu.memref_squeeze %dma_start3A_87 : memref<1x128xi32, #tpu.memory_space<vmem>> -> memref<128xi32, #tpu.memory_space<vmem>>
        %dma_start3A_89 = arith.constant 0 : i32
        %dma_start3A_90 = arith.constant 0 : i32
        %dma_start3A_91 = tpu.memref_slice %arg9[%dma_start3A_89, %dma_start3A_90] : memref<10000x64xf32, #tpu.memory_space<vmem_shared>> -> memref<10000x64xf32, #tpu.memory_space<vmem_shared>>
        tpu.enqueue_indirect_dma source(%dma_start3A_91 : memref<10000x64xf32, #tpu.memory_space<vmem_shared>>) target(%arg7 : memref<128x64xf32, #tpu.memory_space<vmem>>) offsets(%dma_start3A_88 : memref<128xi32, #tpu.memory_space<vmem>>) semaphore(%arg11 : memref<!tpu.dma_semaphore, #tpu.memory_space<semaphore_mem>>)
      } else {
      }
      %add3A_74 = arith.constant 1 : i32
      %add3A_75 = arith.addi %mul3A_53, %add3A_74 : i32
      %dma_wait3A_76 = arith.constant 0 : i32
      %dma_wait3A_77 = tpu.memref_slice %arg5[%add3A_75, %dma_wait3A_76] : memref<79x128xi32, #tpu.memory_space<vmem>> -> memref<1x128xi32, #tpu.memory_space<vmem>>
      %dma_wait3A_78 = tpu.memref_squeeze %dma_wait3A_77 : memref<1x128xi32, #tpu.memory_space<vmem>> -> memref<128xi32, #tpu.memory_space<vmem>>
      %dma_wait3A_79 = arith.constant 0 : i32
      %dma_wait3A_80 = arith.constant 0 : i32
      %dma_wait3A_81 = tpu.memref_slice %arg9[%dma_wait3A_79, %dma_wait3A_80] : memref<10000x64xf32, #tpu.memory_space<vmem_shared>> -> memref<10000x64xf32, #tpu.memory_space<vmem_shared>>
      tpu.wait_indirect_dma semaphore(%arg12 : memref<!tpu.dma_semaphore, #tpu.memory_space<semaphore_mem>>) src(%dma_wait3A_81 : memref<10000x64xf32, #tpu.memory_space<vmem_shared>>) dst(%arg8 : memref<128x64xf32, #tpu.memory_space<vmem>>)
      %add3A_82 = arith.constant 1 : i32
      %add3A_83 = arith.addi %mul3A_53, %add3A_82 : i32
      "tpu.region"() ({
        %run_scoped3A_84 = tpu.sem_alloc : memref<!tpu.dma_semaphore, #tpu.memory_space<semaphore_mem>>
        %dma_start3A_85 = arith.constant 0 : i32
        %dma_start3A_86 = tpu.memref_slice %arg6[%add3A_83, %dma_start3A_85] : memref<79x128xi32, #tpu.memory_space<vmem>> -> memref<1x128xi32, #tpu.memory_space<vmem>>
        %dma_start3A_87 = tpu.memref_squeeze %dma_start3A_86 : memref<1x128xi32, #tpu.memory_space<vmem>> -> memref<128xi32, #tpu.memory_space<vmem>>
        %dma_start3A_88 = arith.constant 0 : i32
        %dma_start3A_89 = arith.constant 0 : i32
        %dma_start3A_90 = tpu.memref_slice %arg10[%dma_start3A_88, %dma_start3A_89] : memref<10016x64xf32, #tpu.memory_space<vmem_shared>> -> memref<10016x64xf32, #tpu.memory_space<vmem_shared>>
        tpu.enqueue_indirect_dma source(%arg8 : memref<128x64xf32, #tpu.memory_space<vmem>>) target(%dma_start3A_90 : memref<10016x64xf32, #tpu.memory_space<vmem_shared>>) offsets(%dma_start3A_87 : memref<128xi32, #tpu.memory_space<vmem>>) semaphore(%run_scoped3A_84 : memref<!tpu.dma_semaphore, #tpu.memory_space<semaphore_mem>>) {add = true}
        %dma_wait3A_91 = arith.constant 0 : i32
        %dma_wait3A_92 = tpu.memref_slice %arg6[%add3A_83, %dma_wait3A_91] : memref<79x128xi32, #tpu.memory_space<vmem>> -> memref<1x128xi32, #tpu.memory_space<vmem>>
        %dma_wait3A_93 = tpu.memref_squeeze %dma_wait3A_92 : memref<1x128xi32, #tpu.memory_space<vmem>> -> memref<128xi32, #tpu.memory_space<vmem>>
        %dma_wait3A_94 = arith.constant 0 : i32
        %dma_wait3A_95 = arith.constant 0 : i32
        %dma_wait3A_96 = tpu.memref_slice %arg10[%dma_wait3A_94, %dma_wait3A_95] : memref<10016x64xf32, #tpu.memory_space<vmem_shared>> -> memref<10016x64xf32, #tpu.memory_space<vmem_shared>>
        tpu.wait_indirect_dma semaphore(%run_scoped3A_84 : memref<!tpu.dma_semaphore, #tpu.memory_space<semaphore_mem>>) src(%arg8 : memref<128x64xf32, #tpu.memory_space<vmem>>) dst(%dma_wait3A_96 : memref<10016x64xf32, #tpu.memory_space<vmem_shared>>)
        tpu.yield
      }) : () -> ()
    }
    %scan3A_37 = arith.constant 39 : i32
    %convert_element_type3A_38 = arith.extui %lt3A_3 : i1 to i32
    %cond3A_39 = arith.constant 0 : i32
    %cond3A_40 = arith.cmpi ne, %convert_element_type3A_38, %cond3A_39 : i32
    scf.if %cond3A_40 {
      %dma_start3A_47 = arith.constant 78 : i32
      %dma_start3A_48 = arith.constant 0 : i32
      %dma_start3A_49 = tpu.memref_slice %arg5[%dma_start3A_47, %dma_start3A_48] : memref<79x128xi32, #tpu.memory_space<vmem>> -> memref<1x128xi32, #tpu.memory_space<vmem>>
      %dma_start3A_50 = tpu.memref_squeeze %dma_start3A_49 : memref<1x128xi32, #tpu.memory_space<vmem>> -> memref<128xi32, #tpu.memory_space<vmem>>
      %dma_start3A_51 = arith.constant 0 : i32
      %dma_start3A_52 = arith.constant 0 : i32
      %dma_start3A_53 = tpu.memref_slice %arg9[%dma_start3A_51, %dma_start3A_52] : memref<10000x64xf32, #tpu.memory_space<vmem_shared>> -> memref<10000x64xf32, #tpu.memory_space<vmem_shared>>
      tpu.enqueue_indirect_dma source(%dma_start3A_53 : memref<10000x64xf32, #tpu.memory_space<vmem_shared>>) target(%arg7 : memref<128x64xf32, #tpu.memory_space<vmem>>) offsets(%dma_start3A_50 : memref<128xi32, #tpu.memory_space<vmem>>) semaphore(%arg11 : memref<!tpu.dma_semaphore, #tpu.memory_space<semaphore_mem>>)
      %dma_wait3A = arith.constant 78 : i32
      %dma_wait3A_54 = arith.constant 0 : i32
      %dma_wait3A_55 = tpu.memref_slice %arg5[%dma_wait3A, %dma_wait3A_54] : memref<79x128xi32, #tpu.memory_space<vmem>> -> memref<1x128xi32, #tpu.memory_space<vmem>>
      %dma_wait3A_56 = tpu.memref_squeeze %dma_wait3A_55 : memref<1x128xi32, #tpu.memory_space<vmem>> -> memref<128xi32, #tpu.memory_space<vmem>>
      %dma_wait3A_57 = arith.constant 0 : i32
      %dma_wait3A_58 = arith.constant 0 : i32
      %dma_wait3A_59 = tpu.memref_slice %arg9[%dma_wait3A_57, %dma_wait3A_58] : memref<10000x64xf32, #tpu.memory_space<vmem_shared>> -> memref<10000x64xf32, #tpu.memory_space<vmem_shared>>
      tpu.wait_indirect_dma semaphore(%arg11 : memref<!tpu.dma_semaphore, #tpu.memory_space<semaphore_mem>>) src(%dma_wait3A_59 : memref<10000x64xf32, #tpu.memory_space<vmem_shared>>) dst(%arg7 : memref<128x64xf32, #tpu.memory_space<vmem>>)
      %run_scoped3A_60 = arith.constant 78 : i32
      "tpu.region"() ({
        %run_scoped3A_61 = tpu.sem_alloc : memref<!tpu.dma_semaphore, #tpu.memory_space<semaphore_mem>>
        %dma_start3A_62 = arith.constant 0 : i32
        %dma_start3A_63 = tpu.memref_slice %arg6[%run_scoped3A_60, %dma_start3A_62] : memref<79x128xi32, #tpu.memory_space<vmem>> -> memref<1x128xi32, #tpu.memory_space<vmem>>
        %dma_start3A_64 = tpu.memref_squeeze %dma_start3A_63 : memref<1x128xi32, #tpu.memory_space<vmem>> -> memref<128xi32, #tpu.memory_space<vmem>>
        %dma_start3A_65 = arith.constant 0 : i32
        %dma_start3A_66 = arith.constant 0 : i32
        %dma_start3A_67 = tpu.memref_slice %arg10[%dma_start3A_65, %dma_start3A_66] : memref<10016x64xf32, #tpu.memory_space<vmem_shared>> -> memref<10016x64xf32, #tpu.memory_space<vmem_shared>>
        tpu.enqueue_indirect_dma source(%arg7 : memref<128x64xf32, #tpu.memory_space<vmem>>) target(%dma_start3A_67 : memref<10016x64xf32, #tpu.memory_space<vmem_shared>>) offsets(%dma_start3A_64 : memref<128xi32, #tpu.memory_space<vmem>>) semaphore(%run_scoped3A_61 : memref<!tpu.dma_semaphore, #tpu.memory_space<semaphore_mem>>) {add = true}
        %dma_wait3A_68 = arith.constant 0 : i32
        %dma_wait3A_69 = tpu.memref_slice %arg6[%run_scoped3A_60, %dma_wait3A_68] : memref<79x128xi32, #tpu.memory_space<vmem>> -> memref<1x128xi32, #tpu.memory_space<vmem>>
        %dma_wait3A_70 = tpu.memref_squeeze %dma_wait3A_69 : memref<1x128xi32, #tpu.memory_space<vmem>> -> memref<128xi32, #tpu.memory_space<vmem>>
        %dma_wait3A_71 = arith.constant 0 : i32
        %dma_wait3A_72 = arith.constant 0 : i32
        %dma_wait3A_73 = tpu.memref_slice %arg10[%dma_wait3A_71, %dma_wait3A_72] : memref<10016x64xf32, #tpu.memory_space<vmem_shared>> -> memref<10016x64xf32, #tpu.memory_space<vmem_shared>>
        tpu.wait_indirect_dma semaphore(%run_scoped3A_61 : memref<!tpu.dma_semaphore, #tpu.memory_space<semaphore_mem>>) src(%arg7 : memref<128x64xf32, #tpu.memory_space<vmem>>) dst(%dma_wait3A_73 : memref<10016x64xf32, #tpu.memory_space<vmem_shared>>)
        tpu.yield
      }) : () -> ()
    } else {
    }
    %barrier3A_41 = arith.constant 0 : index
    tpu.barrier barrier_id(%barrier3A_41)
    %eq3A = arith.constant 0 : i32
    %eq3A_42 = arith.cmpi eq, %arg1, %eq3A : i32
    %convert_element_type3A_43 = arith.extui %eq3A_42 : i1 to i32
    %cond3A_44 = arith.constant 0 : i32
    %cond3A_45 = arith.cmpi ne, %convert_element_type3A_43, %cond3A_44 : i32
    scf.if %cond3A_45 {
      "tpu.region"() ({
        %run_scoped3A_47 = tpu.sem_alloc : memref<!tpu.dma_semaphore, #tpu.memory_space<semaphore_mem>>
        %dma_start3A_48 = arith.constant 0 : i32
        %dma_start3A_49 = arith.constant 0 : i32
        %dma_start3A_50 = tpu.memref_slice %arg4[%arg0, %dma_start3A_48, %dma_start3A_49] : memref<2x10000x128xf32, #tpu.memory_space<hbm>> -> memref<1x10000x64xf32, #tpu.memory_space<hbm>>
        %dma_start3A_51 = tpu.memref_squeeze %dma_start3A_50 : memref<1x10000x64xf32, #tpu.memory_space<hbm>> -> memref<10000x64xf32, #tpu.memory_space<hbm>>
        %dma_start3A_52 = arith.constant 0 : i32
        %dma_start3A_53 = arith.constant 0 : i32
        %dma_start3A_54 = tpu.memref_slice %arg10[%dma_start3A_52, %dma_start3A_53] : memref<10016x64xf32, #tpu.memory_space<vmem_shared>> -> memref<10000x64xf32, #tpu.memory_space<vmem_shared>>
        tpu.enqueue_dma source(%dma_start3A_54 : memref<10000x64xf32, #tpu.memory_space<vmem_shared>>) target(%dma_start3A_51 : memref<10000x64xf32, #tpu.memory_space<hbm>>) target_semaphore(%run_scoped3A_47 : memref<!tpu.dma_semaphore, #tpu.memory_space<semaphore_mem>>)
        %dma_wait3A = arith.constant 0 : i32
        %dma_wait3A_55 = arith.constant 0 : i32
        %dma_wait3A_56 = tpu.memref_slice %arg4[%arg0, %dma_wait3A, %dma_wait3A_55] : memref<2x10000x128xf32, #tpu.memory_space<hbm>> -> memref<1x10000x64xf32, #tpu.memory_space<hbm>>
        %dma_wait3A_57 = tpu.memref_squeeze %dma_wait3A_56 : memref<1x10000x64xf32, #tpu.memory_space<hbm>> -> memref<10000x64xf32, #tpu.memory_space<hbm>>
        %dma_wait3A_58 = arith.constant 0 : i32
        %dma_wait3A_59 = arith.constant 0 : i32
        %dma_wait3A_60 = tpu.memref_slice %arg10[%dma_wait3A_58, %dma_wait3A_59] : memref<10016x64xf32, #tpu.memory_space<vmem_shared>> -> memref<10000x64xf32, #tpu.memory_space<vmem_shared>>
        tpu.wait_dma2 semaphore(%run_scoped3A_47 : memref<!tpu.dma_semaphore, #tpu.memory_space<semaphore_mem>>) src(%dma_wait3A_60 : memref<10000x64xf32, #tpu.memory_space<vmem_shared>>) dst(%dma_wait3A_57 : memref<10000x64xf32, #tpu.memory_space<hbm>>)
        tpu.yield
      }) : () -> ()
    } else {
    }
    %barrier3A_46 = arith.constant 0 : index
    tpu.barrier barrier_id(%barrier3A_46)
    return
  }
}

module attributes {stable_mosaic.version = 14 : i64} {
  func.func @_tc_y1_body(%arg0: i32, %arg1: memref<1000x128xf32, #tpu.memory_space<vmem>>, %arg2: memref<128x128xf32, #tpu.memory_space<vmem>>, %arg3: memref<1000x128xf32, #tpu.memory_space<vmem>>) attributes {dimension_semantics = [#tpu.dimension_semantics<arbitrary>], iteration_bounds = array<i64: 10>, scalar_prefetch = 0 : i64, scratch_operands = 0 : i64, tpu.core_type = #tpu.core_type<tc>, window_params = [{transform_indices = @transform_0, window_bounds = array<i64: 1000, 128>}, {pipeline_mode = #tpu.pipeline_mode<synchronous>, transform_indices = @transform_1, window_bounds = array<i64: 128, 128>}, {transform_indices = @transform_2, window_bounds = array<i64: 1000, 128>}]} {
    %get3A = arith.constant 0 : index
    %get3A_0 = arith.constant 0 : index
    %get3A_1 = vector.load %arg1[%get3A, %get3A_0] : memref<1000x128xf32, #tpu.memory_space<vmem>>, vector<1000x128xf32>
    %get3A_2 = arith.constant 0 : index
    %get3A_3 = arith.constant 0 : index
    %get3A_4 = vector.load %arg2[%get3A_2, %get3A_3] : memref<128x128xf32, #tpu.memory_space<vmem>>, vector<128x128xf32>
    %dot_general3A = arith.constant dense<0.000000e+00> : vector<1000x128xf32>
    %dot_general3A_5 = tpu.matmul %get3A_1, %get3A_4, %dot_general3A {dimension_numbers = #tpu.dot_dimension_numbers<[1], [1], [0], [0], [0, 0, 1, 0], [], []>, transpose_lhs_hint = false} : vector<1000x128xf32>, vector<128x128xf32>, vector<1000x128xf32> -> vector<1000x128xf32>
    %swap3A = arith.constant 0 : index
    %swap3A_6 = arith.constant 0 : index
    %swap3A_7 = vector.load %arg3[%swap3A, %swap3A_6] : memref<1000x128xf32, #tpu.memory_space<vmem>>, vector<1000x128xf32>
    tpu.vector_store %arg3[%swap3A, %swap3A_6], %dot_general3A_5 {strides = array<i32>} : memref<1000x128xf32, #tpu.memory_space<vmem>>, vector<1000x128xf32>,
    return
  }
  func.func @transform_0(%arg0: i32) -> (i32, i32) {
    %c0_i32 = arith.constant 0 : i32
    %c0_i32_0 = arith.constant 0 : i32
    return %arg0, %c0_i32 : i32, i32
  }
  func.func @transform_1(%arg0: i32) -> (i32, i32) {
    %c0_i32 = arith.constant 0 : i32
    %c0_i32_0 = arith.constant 0 : i32
    %c0_i32_1 = arith.constant 0 : i32
    return %c0_i32, %c0_i32_0 : i32, i32
  }
  func.func @transform_2(%arg0: i32) -> (i32, i32) {
    %c0_i32 = arith.constant 0 : i32
    %c0_i32_0 = arith.constant 0 : i32
    return %arg0, %c0_i32 : i32, i32
  }
}

module attributes {stable_mosaic.version = 14 : i64} {
  func.func @_tc_xr_body(%arg0: i32, %arg1: memref<1000x128xf32, #tpu.memory_space<vmem>>, %arg2: memref<128x128xf32, #tpu.memory_space<vmem>>, %arg3: memref<1x128xf32, #tpu.memory_space<vmem>>, %arg4: memref<1000x128xf32, #tpu.memory_space<vmem>>) attributes {dimension_semantics = [#tpu.dimension_semantics<arbitrary>], iteration_bounds = array<i64: 10>, scalar_prefetch = 0 : i64, scratch_operands = 0 : i64, tpu.core_type = #tpu.core_type<tc>, window_params = [{transform_indices = @transform_0, window_bounds = array<i64: 1000, 128>}, {pipeline_mode = #tpu.pipeline_mode<synchronous>, transform_indices = @transform_1, window_bounds = array<i64: 128, 128>}, {pipeline_mode = #tpu.pipeline_mode<synchronous>, transform_indices = @transform_2, window_bounds = array<i64: 1, 128>}, {transform_indices = @transform_3, window_bounds = array<i64: 1000, 128>}]} {
    %get3A = arith.constant 0 : index
    %get3A_0 = arith.constant 0 : index
    %get3A_1 = vector.load %arg1[%get3A, %get3A_0] : memref<1000x128xf32, #tpu.memory_space<vmem>>, vector<1000x128xf32>
    %get3A_2 = arith.constant 0 : index
    %get3A_3 = arith.constant 0 : index
    %get3A_4 = vector.load %arg2[%get3A_2, %get3A_3] : memref<128x128xf32, #tpu.memory_space<vmem>>, vector<128x128xf32>
    %dot_general3A = arith.constant dense<0.000000e+00> : vector<1000x128xf32>
    %dot_general3A_5 = tpu.matmul %get3A_1, %get3A_4, %dot_general3A {dimension_numbers = #tpu.dot_dimension_numbers<[1], [1], [0], [0], [0, 0, 1, 0], [], []>, transpose_lhs_hint = false} : vector<1000x128xf32>, vector<128x128xf32>, vector<1000x128xf32> -> vector<1000x128xf32>
    %get3A_6 = arith.constant 0 : index
    %get3A_7 = arith.constant 0 : index
    %get3A_8 = vector.load %arg3[%get3A_6, %get3A_7] : memref<1x128xf32, #tpu.memory_space<vmem>>, vector<1x128xf32>
    %add3A = vector.broadcast %get3A_8 : vector<1x128xf32> to vector<1000x128xf32>
    %add3A_9 = arith.addf %dot_general3A_5, %add3A : vector<1000x128xf32>
    %swap3A = arith.constant 0 : index
    %swap3A_10 = arith.constant 0 : index
    %swap3A_11 = vector.load %arg4[%swap3A, %swap3A_10] : memref<1000x128xf32, #tpu.memory_space<vmem>>, vector<1000x128xf32>
    tpu.vector_store %arg4[%swap3A, %swap3A_10], %add3A_9 {strides = array<i32>} : memref<1000x128xf32, #tpu.memory_space<vmem>>, vector<1000x128xf32>,
    return
  }
  func.func @transform_0(%arg0: i32) -> (i32, i32) {
    %c0_i32 = arith.constant 0 : i32
    %c0_i32_0 = arith.constant 0 : i32
    return %arg0, %c0_i32 : i32, i32
  }
  func.func @transform_1(%arg0: i32) -> (i32, i32) {
    %c0_i32 = arith.constant 0 : i32
    %c0_i32_0 = arith.constant 0 : i32
    %c0_i32_1 = arith.constant 0 : i32
    return %c0_i32, %c0_i32_0 : i32, i32
  }
  func.func @transform_2(%arg0: i32) -> (i32, i32) {
    %c0_i32 = arith.constant 0 : i32
    %c0_i32_0 = arith.constant 0 : i32
    %c0_i32_1 = arith.constant 0 : i32
    return %c0_i32, %c0_i32_0 : i32, i32
  }
  func.func @transform_3(%arg0: i32) -> (i32, i32) {
    %c0_i32 = arith.constant 0 : i32
    %c0_i32_0 = arith.constant 0 : i32
    return %arg0, %c0_i32 : i32, i32
  }
}

module attributes {stable_mosaic.version = 14 : i64} {
  func.func @_tc_mid_body(%arg0: i32, %arg1: memref<2x1000x128xf32, #tpu.memory_space<vmem>>, %arg2: memref<1000x128xf32, #tpu.memory_space<vmem>>, %arg3: memref<64x128xf32, #tpu.memory_space<vmem>>, %arg4: memref<64x128xf32, #tpu.memory_space<vmem>>, %arg5: memref<1x64xf32, #tpu.memory_space<vmem>>, %arg6: memref<1000x128xf32, #tpu.memory_space<vmem>>, %arg7: memref<1000x64xf32, #tpu.memory_space<vmem>>) attributes {dimension_semantics = [#tpu.dimension_semantics<arbitrary>], iteration_bounds = array<i64: 10>, scalar_prefetch = 0 : i64, scratch_operands = 0 : i64, tpu.core_type = #tpu.core_type<tc>, window_params = [{transform_indices = @transform_0, window_bounds = array<i64: 2, 1000, 128>}, {transform_indices = @transform_1, window_bounds = array<i64: 1000, 128>}, {pipeline_mode = #tpu.pipeline_mode<synchronous>, transform_indices = @transform_2, window_bounds = array<i64: 64, 128>}, {pipeline_mode = #tpu.pipeline_mode<synchronous>, transform_indices = @transform_3, window_bounds = array<i64: 64, 128>}, {pipeline_mode = #tpu.pipeline_mode<synchronous>, transform_indices = @transform_4, window_bounds = array<i64: 1, 64>}, {transform_indices = @transform_5, window_bounds = array<i64: 1000, 128>}, {transform_indices = @transform_6, window_bounds = array<i64: 1000, 64>}]} {
    %get3A = arith.constant 0 : index
    %get3A_0 = arith.constant 0 : index
    %get3A_1 = arith.constant 0 : index
    %get3A_2 = vector.load %arg1[%get3A, %get3A_0, %get3A_1] : memref<2x1000x128xf32, #tpu.memory_space<vmem>>, vector<1x1000x128xf32>
    %get3A_3 = vector.shape_cast %get3A_2 : vector<1x1000x128xf32> to vector<1000x128xf32>
    %get3A_4 = arith.constant 1 : index
    %get3A_5 = arith.constant 0 : index
    %get3A_6 = arith.constant 0 : index
    %get3A_7 = vector.load %arg1[%get3A_4, %get3A_5, %get3A_6] : memref<2x1000x128xf32, #tpu.memory_space<vmem>>, vector<1x1000x128xf32>
    %get3A_8 = vector.shape_cast %get3A_7 : vector<1x1000x128xf32> to vector<1000x128xf32>
    %add3A = arith.addf %get3A_3, %get3A_8 : vector<1000x128xf32>
    %get3A_9 = arith.constant 0 : index
    %get3A_10 = arith.constant 0 : index
    %get3A_11 = vector.load %arg2[%get3A_9, %get3A_10] : memref<1000x128xf32, #tpu.memory_space<vmem>>, vector<1000x128xf32>
    %add3A_12 = arith.addf %add3A, %get3A_11 : vector<1000x128xf32>
    %max3A = arith.constant 0.000000e+00 : f32
    %max3A_13 = vector.broadcast %max3A : f32 to vector<1000x128xf32>
    %max3A_14 = arith.maximumf %add3A_12, %max3A_13 : vector<1000x128xf32>
    %get3A_15 = arith.constant 0 : index
    %get3A_16 = arith.constant 0 : index
    %get3A_17 = vector.load %arg3[%get3A_15, %get3A_16] : memref<64x128xf32, #tpu.memory_space<vmem>>, vector<64x128xf32>
    %dot_general3A = arith.constant dense<0.000000e+00> : vector<1000x64xf32>
    %dot_general3A_18 = tpu.matmul %max3A_14, %get3A_17, %dot_general3A {dimension_numbers = #tpu.dot_dimension_numbers<[1], [1], [0], [0], [0, 0, 1, 0], [], []>, transpose_lhs_hint = false} : vector<1000x128xf32>, vector<64x128xf32>, vector<1000x64xf32> -> vector<1000x64xf32>
    %broadcast_in_dim3A = arith.constant 0.000000e+00 : f32
    %broadcast_in_dim3A_19 = vector.broadcast %broadcast_in_dim3A : f32 to vector<1000x64xf32>
    %concatenate3A = tpu.concatenate %dot_general3A_18, %broadcast_in_dim3A_19 in 1 : vector<1000x64xf32>, vector<1000x64xf32> -> vector<1000x128xf32>
    %swap3A = arith.constant 0 : index
    %swap3A_20 = arith.constant 0 : index
    %swap3A_21 = vector.load %arg6[%swap3A, %swap3A_20] : memref<1000x128xf32, #tpu.memory_space<vmem>>, vector<1000x128xf32>
    tpu.vector_store %arg6[%swap3A, %swap3A_20], %concatenate3A {strides = array<i32>} : memref<1000x128xf32, #tpu.memory_space<vmem>>, vector<1000x128xf32>,
    %get3A_22 = arith.constant 0 : index
    %get3A_23 = arith.constant 0 : index
    %get3A_24 = vector.load %arg4[%get3A_22, %get3A_23] : memref<64x128xf32, #tpu.memory_space<vmem>>, vector<64x128xf32>
    %dot_general3A_25 = arith.constant dense<0.000000e+00> : vector<1000x64xf32>
    %dot_general3A_26 = tpu.matmul %max3A_14, %get3A_24, %dot_general3A_25 {dimension_numbers = #tpu.dot_dimension_numbers<[1], [1], [0], [0], [0, 0, 1, 0], [], []>, transpose_lhs_hint = false} : vector<1000x128xf32>, vector<64x128xf32>, vector<1000x64xf32> -> vector<1000x64xf32>
    %get3A_27 = arith.constant 0 : index
    %get3A_28 = arith.constant 0 : index
    %get3A_29 = vector.load %arg5[%get3A_27, %get3A_28] : memref<1x64xf32, #tpu.memory_space<vmem>>, vector<1x64xf32>
    %add3A_30 = vector.broadcast %get3A_29 : vector<1x64xf32> to vector<1000x64xf32>
    %add3A_31 = arith.addf %dot_general3A_26, %add3A_30 : vector<1000x64xf32>
    %swap3A_32 = arith.constant 0 : index
    %swap3A_33 = arith.constant 0 : index
    %swap3A_34 = vector.load %arg7[%swap3A_32, %swap3A_33] : memref<1000x64xf32, #tpu.memory_space<vmem>>, vector<1000x64xf32>
    tpu.vector_store %arg7[%swap3A_32, %swap3A_33], %add3A_31 {strides = array<i32>} : memref<1000x64xf32, #tpu.memory_space<vmem>>, vector<1000x64xf32>,
    return
  }
  func.func @transform_0(%arg0: i32) -> (i32, i32, i32) {
    %c0_i32 = arith.constant 0 : i32
    %c0_i32_0 = arith.constant 0 : i32
    %c0_i32_1 = arith.constant 0 : i32
    return %c0_i32, %arg0, %c0_i32_0 : i32, i32, i32
  }
  func.func @transform_1(%arg0: i32) -> (i32, i32) {
    %c0_i32 = arith.constant 0 : i32
    %c0_i32_0 = arith.constant 0 : i32
    return %arg0, %c0_i32 : i32, i32
  }
  func.func @transform_2(%arg0: i32) -> (i32, i32) {
    %c0_i32 = arith.constant 0 : i32
    %c0_i32_0 = arith.constant 0 : i32
    %c0_i32_1 = arith.constant 0 : i32
    return %c0_i32, %c0_i32_0 : i32, i32
  }
  func.func @transform_3(%arg0: i32) -> (i32, i32) {
    %c0_i32 = arith.constant 0 : i32
    %c0_i32_0 = arith.constant 0 : i32
    %c0_i32_1 = arith.constant 0 : i32
    return %c0_i32, %c0_i32_0 : i32, i32
  }
  func.func @transform_4(%arg0: i32) -> (i32, i32) {
    %c0_i32 = arith.constant 0 : i32
    %c0_i32_0 = arith.constant 0 : i32
    %c0_i32_1 = arith.constant 0 : i32
    return %c0_i32, %c0_i32_0 : i32, i32
  }
  func.func @transform_5(%arg0: i32) -> (i32, i32) {
    %c0_i32 = arith.constant 0 : i32
    %c0_i32_0 = arith.constant 0 : i32
    return %arg0, %c0_i32 : i32, i32
  }
  func.func @transform_6(%arg0: i32) -> (i32, i32) {
    %c0_i32 = arith.constant 0 : i32
    %c0_i32_0 = arith.constant 0 : i32
    return %arg0, %c0_i32 : i32, i32
  }
}

module attributes {stable_mosaic.version = 14 : i64} {
  func.func @_tc_post_body(%arg0: i32, %arg1: memref<2x1000x128xf32, #tpu.memory_space<vmem>>, %arg2: memref<1000x64xf32, #tpu.memory_space<vmem>>, %arg3: memref<1000x64xf32, #tpu.memory_space<vmem>>) attributes {dimension_semantics = [#tpu.dimension_semantics<arbitrary>], iteration_bounds = array<i64: 10>, scalar_prefetch = 0 : i64, scratch_operands = 0 : i64, tpu.core_type = #tpu.core_type<tc>, window_params = [{transform_indices = @transform_0, window_bounds = array<i64: 2, 1000, 128>}, {transform_indices = @transform_1, window_bounds = array<i64: 1000, 64>}, {transform_indices = @transform_2, window_bounds = array<i64: 1000, 64>}]} {
    %get3A = arith.constant 0 : index
    %get3A_0 = arith.constant 0 : index
    %get3A_1 = arith.constant 0 : index
    %get3A_2 = vector.load %arg1[%get3A, %get3A_0, %get3A_1] : memref<2x1000x128xf32, #tpu.memory_space<vmem>>, vector<1x1000x64xf32>
    %get3A_3 = vector.shape_cast %get3A_2 : vector<1x1000x64xf32> to vector<1000x64xf32>
    %get3A_4 = arith.constant 1 : index
    %get3A_5 = arith.constant 0 : index
    %get3A_6 = arith.constant 0 : index
    %get3A_7 = vector.load %arg1[%get3A_4, %get3A_5, %get3A_6] : memref<2x1000x128xf32, #tpu.memory_space<vmem>>, vector<1x1000x64xf32>
    %get3A_8 = vector.shape_cast %get3A_7 : vector<1x1000x64xf32> to vector<1000x64xf32>
    %add3A = arith.addf %get3A_3, %get3A_8 : vector<1000x64xf32>
    %get3A_9 = arith.constant 0 : index
    %get3A_10 = arith.constant 0 : index
    %get3A_11 = vector.load %arg2[%get3A_9, %get3A_10] : memref<1000x64xf32, #tpu.memory_space<vmem>>, vector<1000x64xf32>
    %add3A_12 = arith.addf %add3A, %get3A_11 : vector<1000x64xf32>
    %reduce_max3A = arith.constant dense<0xFF800000> : vector<1000xf32>
    %reduce_max3A_13 = vector.multi_reduction <maximumf>, %add3A_12, %reduce_max3A [1] : vector<1000x64xf32> to vector<1000xf32>
    %broadcast_in_dim3A = vector.shape_cast %reduce_max3A_13 : vector<1000xf32> to vector<1000x1xf32>
    %sub3A = vector.broadcast %broadcast_in_dim3A : vector<1000x1xf32> to vector<1000x64xf32>
    %sub3A_14 = arith.subf %add3A_12, %sub3A : vector<1000x64xf32>
    %exp3A = math.exp %sub3A_14 : vector<1000x64xf32>
    %reduce_sum3A = arith.constant dense<0.000000e+00> : vector<1000xf32>
    %reduce_sum3A_15 = vector.multi_reduction <add>, %exp3A, %reduce_sum3A [1] : vector<1000x64xf32> to vector<1000xf32>
    %broadcast_in_dim3A_16 = vector.shape_cast %reduce_sum3A_15 : vector<1000xf32> to vector<1000x1xf32>
    %log3A = math.log %broadcast_in_dim3A_16 : vector<1000x1xf32>
    %sub3A_17 = vector.broadcast %log3A : vector<1000x1xf32> to vector<1000x64xf32>
    %sub3A_18 = arith.subf %sub3A_14, %sub3A_17 : vector<1000x64xf32>
    %swap3A = arith.constant 0 : index
    %swap3A_19 = arith.constant 0 : index
    %swap3A_20 = vector.load %arg3[%swap3A, %swap3A_19] : memref<1000x64xf32, #tpu.memory_space<vmem>>, vector<1000x64xf32>
    tpu.vector_store %arg3[%swap3A, %swap3A_19], %sub3A_18 {strides = array<i32>} : memref<1000x64xf32, #tpu.memory_space<vmem>>, vector<1000x64xf32>,
    return
  }
  func.func @transform_0(%arg0: i32) -> (i32, i32, i32) {
    %c0_i32 = arith.constant 0 : i32
    %c0_i32_0 = arith.constant 0 : i32
    %c0_i32_1 = arith.constant 0 : i32
    return %c0_i32, %arg0, %c0_i32_0 : i32, i32, i32
  }
  func.func @transform_1(%arg0: i32) -> (i32, i32) {
    %c0_i32 = arith.constant 0 : i32
    %c0_i32_0 = arith.constant 0 : i32
    return %arg0, %c0_i32 : i32, i32
  }
  func.func @transform_2(%arg0: i32) -> (i32, i32) {
    %c0_i32 = arith.constant 0 : i32
    %c0_i32_0 = arith.constant 0 : i32
    return %arg0, %c0_i32 : i32, i32
  }
}

</mosaic_0001>

<sc_bundles>
// kernel: kernel.11.cloned.1.call-start
scs
__scs_entry_jumppad:
0x0: {  	(pc) =	sbr.rel $0x88, $3  }
0x1: {  	(tag) =	ssettag $0x0;
	lr =	simm.s32 $0x1  }
0x2: {  	[smem:$0x3F99] =	sst lr;
	_ =	strace $0xD0000000  }
0x3: {  	_ = 	snop  }
0x4: {  	_ = 	snop  }
0x5: {  	_ = 	snop  }
0x6: {  	_ = 	snop  }
0x7: {  	_ = 	snop  }
__scs_overlays_trampoline_lowered:
0x8: {  	[smem:$0x3FA8] =	sst s0  }
0x9: {  	[smem:$0x3FA9] =	sst s1  }
0xa: {  	[smem:$0x3FAA] =	sst s2  }
0xb: {  	[smem:$0x3FAB] =	sst s3  }
0xc: {  	[smem:$0x3FAC] =	sst s4  }
0xd: {  	[smem:$0x3FAD] =	sst s5  }
0xe: {  	[smem:$0x3FAE] =	sst s6  }
0xf: {  	[smem:$0x3FAF] =	sst s7  }
0x10: {  	[smem:$0x3FB0] =	sst s8  }
0x11: {  	[smem:$0x3FB1] =	sst s9;
	s0 =	simm.s32 @!p0 $0x0  }
0x12: {  	s1 =	sld [smem:$0x3F97];
	s0 =	simm.s32 @p0 $0x1  }
0x13: {  	[smem:$0x3FB2] =	sst s0;
	s0 =	simm.s32 @!p1 $0x0  }
0x14: {  	s2 =	sld [smem:$0x3F96];
	s0 =	simm.s32 @p1 $0x1  }
0x15: {  	[smem:$0x3FB3] =	sst s0;
	s0 =	simm.s32 @!p2 $0x0  }
0x16: {  	s3 =	sld [smem:$0x3FDB];
	s0 =	simm.s32 @p2 $0x1  }
0x17: {  	s4 =	simm.s32 $0x1BF5;
	[smem:$0x3FB5] =	sst s0  }
0x18: {  	s0 =	sld [smem:$0x3F98];
	_ =	swait.ge [sflag:s4], $0x0  }
0x19: {  	s7 =	sld [smem:$0x3F99]  }
0x1a: {  	s8 =	sadd.s32 $0xFFFFE003, lr  }
0x1b: {  	s9 =	sadd.s32 $0xFFFFFEF7, lr;
	s5 =	simm.s32 $0xFFFFFFFF;
	p2 =	slt.u32 s8, $0xFFFFF086  }
0x1c: {  	p1 =	slt.u32 s9, $0xF7A;
	s5 =	simm.s32 @!p2 $0x0  }
0x1d: {  	s5 =	simm.s32 @p1 $0x1;
	p0 =	seq.s32 s7, s2  }
0x1e: {  	s7 =	smul.u32 @!p0 $0xF7A, s2;
	p2 =	seq.s32 @!p0 s5, $0x0  }
0x1f: {  	s9 =	smul.u32 $0xF7A, s1;
	s8 =	simm.s32 @!p0 $0x1BF5;
	p2 =	por !p2, p0  }
0x20: {  	[sflag:s8] =	ssyncset.s32 @!p0 $0xFFFFF086;
	s6 =	sadd.s32 @!p0 s3, s7;
	s7 =	simm.s32 @!p0 $0x108  }
0x21: {  	s3 =	sadd.s32 s3, s9;
	s6 =	sadd.s32 @!p0 $0x88, s6;
	s7 =	simm.s32 @p2 $0x1082  }
0x22: {  	[simem:s7], [sflag:s8] =	dma.local @!p0 [hbm:s6], $0xF7A  }
0x23: {  	s9 =	sor.u32 $0xD0000000, s2;
	s6 =	simm.s32 $0x108;
	_ =	swait.ge @!p0 [sflag:s8], $0x0  }
0x24: {  	s3 =	sadd.s32 $0x88, s3;
	s6 =	simm.s32 @!p1 $0x1082;
	[sflag:s4] =	ssyncset.s32 $0xFFFFF086  }
0x25: {  	[simem:s6], [sflag:s4] =	dma.local [hbm:s3], $0xF7A  }
0x26: {  	[smem:$0x3F99] =	sst s1;
	(tag) =	ssettag s2;
	_ =	strace s9  }
0x27: {  	s1 =	sld [smem:$0x3FA9]  }
0x28: {  	s2 =	sld [smem:$0x3FAA]  }
0x29: {  	s4 =	sld [smem:$0x3FAC]  }
0x2a: {  	p0 =	seq.s32 s5, $0x0;
	s5 =	sld [smem:$0x3FAD]  }
0x2b: {  	s6 =	sld [smem:$0x3FAE]  }
0x2c: {  	s7 =	sld [smem:$0x3FAF]  }
0x2d: {  	s3 =	simm.s32 $0x108;
	s8 =	sld [smem:$0x3FB0]  }
0x2e: {  	s3 =	simm.s32 @!p0 $0x1082;
	s9 =	sld [smem:$0x3FB1]  }
0x2f: {  	lr =	sadd.s32 s0, s3;
	s0 =	sld [smem:$0x3FA8]  }
0x30: {  	s3 =	sld [smem:$0x3FAB]  }
0x31: {  	[smem:$0x3FB4] =	sst s10  }
0x32: {  	s10 =	sld [smem:$0x3FB2];
	_ =	sdelay $0x3  }
0x33: {  	p0 =	seq.s32 s10, $0x1;
	s10 =	sld [smem:$0x3FB4];
	_ =	sdelay $0x3  }
0x34: {  	[smem:$0x3FB4] =	sst s10  }
0x35: {  	s10 =	sld [smem:$0x3FB3];
	_ =	sdelay $0x3  }
0x36: {  	p1 =	seq.s32 s10, $0x1;
	s10 =	sld [smem:$0x3FB4];
	_ =	sdelay $0x3  }
0x37: {  	[smem:$0x3FB4] =	sst s10  }
0x38: {  	s10 =	sld [smem:$0x3FB5]  }
0x39: {  	_ = 	snop;
	(pc) =	sbr.ind lr, $3  }
0x3a: {  	_ = 	snop  }
0x3b: {  	_ = 	snop  }
0x3c: {  	p2 =	seq.s32 s10, $0x1;
	s10 =	sld [smem:$0x3FB4]  }
0x3d: {  	_ =	shalt  }
0x3e: {  	_ =	shalt  }
0x3f: {  	_ =	shalt  }
0x40: {  	_ =	shalt  }
0x41: {  	_ =	shalt  }
0x42: {  	_ =	shalt  }
0x43: {  	_ =	shalt  }
0x44: {  	_ =	shalt  }
0x45: {  	_ =	shalt  }
0x46: {  	_ =	shalt  }
0x47: {  	_ =	shalt  }
0x48: {  	_ =	shalt  }
0x49: {  	_ =	shalt  }
0x4a: {  	_ =	shalt  }
0x4b: {  	_ =	shalt  }
0x4c: {  	_ =	shalt  }
0x4d: {  	_ =	shalt  }
0x4e: {  	_ =	shalt  }
0x4f: {  	_ =	shalt  }
0x50: {  	_ =	shalt  }
0x51: {  	_ =	shalt  }
0x52: {  	_ =	shalt  }
0x53: {  	_ =	shalt  }
0x54: {  	_ =	shalt  }
0x55: {  	_ =	shalt  }
0x56: {  	_ =	shalt  }
0x57: {  	_ =	shalt  }
0x58: {  	_ =	shalt  }
0x59: {  	_ =	shalt  }
0x5a: {  	_ =	shalt  }
0x5b: {  	_ =	shalt  }
0x5c: {  	_ =	shalt  }
0x5d: {  	_ =	shalt  }
0x5e: {  	_ =	shalt  }
0x5f: {  	_ =	shalt  }
0x60: {  	_ =	shalt  }
0x61: {  	_ =	shalt  }
0x62: {  	_ =	shalt  }
0x63: {  	_ =	shalt  }
0x64: {  	_ =	shalt  }
0x65: {  	_ =	shalt  }
0x66: {  	_ =	shalt  }
0x67: {  	_ =	shalt  }
0x68: {  	_ =	shalt  }
0x69: {  	_ =	shalt  }
0x6a: {  	_ =	shalt  }
0x6b: {  	_ =	shalt  }
0x6c: {  	_ =	shalt  }
0x6d: {  	_ =	shalt  }
0x6e: {  	_ =	shalt  }
0x6f: {  	_ =	shalt  }
0x70: {  	_ =	shalt  }
0x71: {  	_ =	shalt  }
0x72: {  	_ =	shalt  }
0x73: {  	_ =	shalt  }
0x74: {  	_ =	shalt  }
0x75: {  	_ =	shalt  }
0x76: {  	_ =	shalt  }
0x77: {  	_ =	shalt  }
0x78: {  	_ =	shalt  }
0x79: {  	_ =	shalt  }
0x7a: {  	_ =	shalt  }
0x7b: {  	_ =	shalt  }
0x7c: {  	_ =	shalt  }
0x7d: {  	_ =	shalt  }
0x7e: {  	_ =	shalt  }
0x7f: {  	_ =	shalt  }
0x80: {  	_ =	shalt  }
0x81: {  	_ =	shalt  }
0x82: {  	_ =	shalt  }
0x83: {  	_ =	shalt  }
0x84: {  	_ =	shalt  }
0x85: {  	_ =	shalt  }
0x86: {  	_ =	shalt  }
0x87: {  	_ =	shalt  }
.Lfunc_end0:
.L_simem_size_0:
called_computation.1_lowered:
.L_overlay_start_0:
0x88: {  	s2 =	sld [smem:$0x3FD9]  }
0x89: {  	s3 =	sld [smem:$0x3FFE];
	_ =	sdelay $0x1  }
0x8a: {  	s1 =	srdreg.scid  }
0x8b: {  	s0 =	sand.u32 $0x1, s1  }
0x8c: {  	s17 =	sshll.u32 s0, $0xA;
	s2 =	sadd.s32 s3, s2  }
0x8d: {  	s2 =	sadd.s32 s2, s17  }
0x8e: {  	[smem:$0x3FC0] =	sst s2  }
0x8f: {  	_ = 	snop  }
0x90: {  	s2 =	sld [smem:$0x3FD0];
	(tm) =	ssettm $0x1  }
0x91: {  	s18 =	sld [smem:$0x3FFB];
	_ =	sdelay $0x3  }
0x92: {  	_ =	strace s18  }
0x93: {  	s3 =	sld [smem:$0x3FFC];
	_ =	sdelay $0x3  }
0x94: {  	_ =	strace s3  }
0x95: {  	s3 =	sld [smem:$0x3FFD];
	_ =	sdelay $0x3  }
0x96: {  	_ =	strace s3  }
0x97: {  	_ =	strace $0x8FFFFFFF  }
0x98: {  	s19 =	sld [smem:$0x3FDB];
	_ =	sdelay $0x1  }
0x99: {  	s4 =	simm.s32 $_scs_section_size  }
0x9a: {  	s5 =	simm.s32 $_size__tile_overlayer_lowered;
	s6 =	simm.s32 $_tile_overlayer_lowered  }
0x9b: {  	s22 =	simm.s32 $0x1BFF;
	s21 =	sshll.u32 s6, $0x1;
	s3 =	sadd.s32 s4, s19  }
0x9c: {  	s7 =	simm.s32 $0x0;
	s20 =	sshll.u32 s5, $0x1;
	s5 =	sadd.s32 s21, s3  }
0x9d: {  	[timem:s7], [sflag:s22] =	dma.local [hbm:s5], s20  }
0x9e: {  	_ =	swait.ge [sflag:s22], s20  }
0x9f: {  	s4 =	ssub.s32 $0x0, s20;
	[sflag:s22] =	ssyncset.done $0x0  }
0xa0: {  	[sflag:s22] =	ssyncadd.s32 s4;
	_ =	sdelay $0x1  }
0xa1: {  	s23 =	simm.s32 $0x1B8B  }
0xa2: {  	_ =	swait.ge [sflag:s23], $0x1  }
0xa3: {  	[sflag:s23] =	ssyncset.done $0x0  }
0xa4: {  	s25 =	simm.s32 $0x1B8E;
	s24 =	sld [smem:$0x3FFE];
	[sflag:s23] =	ssyncadd.s32 $0xFFFFFFFF  }
0xa5: {  	s26 =	simm.s32 $execute0_lowered;
	[smem:$0x3FD2] =	sst s25  }
0xa6: {  	s5 =	sshll.u32 s26, $0x1;
	_ =	strace $0x80000049;
	[dreg:$0x1] =	wrdreg $0xFFFFFFFF  }
0xa7: {  	s28 =	simm.s32 $_size_execute0_lowered;
	s3 =	sadd.s32 s3, s5;
	[dreg:$0x0] =	wrdreg $0x0  }
0xa8: {  	s5 =	sshll.u32 s28, $0x1;
	[dreg:$0x2] =	wrdreg s3  }
0xa9: {  	[dreg:$0x3] =	wrdreg s5  }
0xaa: {  	[dreg:$0x4] =	wrdreg $0xC0  }
0xab: {  	_ =	task [dreg:s7], $0x5FFFF  }
0xac: {  	[dreg:$0x1] =	wrdreg $0xFFFFFFFF  }
0xad: {  	[dreg:$0x0] =	wrdreg $0x60  }
0xae: {  	[dreg:$0x2] =	wrdreg s24  }
0xaf: {  	[dreg:$0x3] =	wrdreg s2  }
0xb0: {  	[dreg:$0x4] =	wrdreg $0x8F000  }
0xb1: {  	[dreg:$0x5] =	wrdreg $0x12B400  }
0xb2: {  	[dreg:$0x6] =	wrdreg $0x9  }
0xb3: {  	_ =	task.clear_ibuf [dreg:s7], $0x7FFFF;
	_ =	strace $0x90000049  }
0xb4: {  	s29 =	simm.s32 $0x9;
	_ =	strace $0x8000004B  }
0xb5: {  	_ =	swait.ge [sflag:s29], $0x1  }
0xb6: {  	[sflag:s29] =	ssyncadd.s32 $0xFFFFFFFF  }
0xb7: {  	_ =	strace $0x9000004B  }
0xb8: {  	_ =	sfence  }
0xb9: {  	s30 =	sld [smem:$0x0];
	_ =	sdelay $0x2  }
0xba: {  	s31 =	sshll.u32 s1, $0xD;
	s1 =	sshrl.u32 s1, $0x2  }
0xbb: {  	s3 =	sand.u32 $0x4000, s31;
	s1 =	sadd.s32 s1, s30  }
0xbc: {  	s0 =	sor.u32 s3, s0;
	s1 =	sshll.u32 s1, $0x11  }
0xbd: {  	s0 =	sor.u32 s1, s0  }
0xbe: {  	s0 =	sadd.s32 $0x8F2B, s0  }
0xbf: {  	[sflag:s0] =	ssyncadd.remote.s32 $0x1  }
0xc0: {  	_ =	sfence.sel $0xFFFF  }
0xc1: {  	[dreg:$0x0] =	wrdreg $0xFFFFFFFF;
	(pc) =	sbr.abs _section_cstart, $3  }
0xc2: {  	[dreg:$0x1] =	wrdreg $0xFFFFFFFF  }
0xc3: {  	_ =	task.clear_ibuf [dreg:s7], $0x2FFFF;
	_ =	strace $0x9FFFFFFF  }
0xc4: {  	(tm) =	ssettm $0x7FFFFFFF  }
0xc5: {  	_ =	shalt  }
tec
execute0_lowered:
.L_overlay_start_1:
0x0: {  	(tag) =	ssettag $0x1  }
0x1: {  	s0 =	rddreg [dreg:$0x0]  }
0x2: {  	s1 =	rddreg [dreg:$0x1]  }
0x3: {  	s18 =	stileid.u32;
	s3 =	srdreg.scid  }
0x4: {  	s2 =	rddreg [dreg:$0x2];
	s4 =	simm.s32 $0x0;
	s17 =	simm.s32 $0x3  }
0x5: {  	s28 =	simm.s32 $0x2;
	s30 =	simm.s32 $0x4D80;
	s5 =	smul.u32 $0x2710, s18  }
0x6: {  	s6 =	sand.u32 $0x1, s3;
	s3 =	rddreg [dreg:$0x3];
	s9 =	smul.u32 $0x4E, s18  }
0x7: {  	s31 =	simm.s32 $0x4E00;
	[smem:$0x7FF] =	sst s4;
	s23 =	smul.u32 $0x27100, s18  }
0x8: {  	s24 =	sadd.s32 $0x9C40, s1;
	s11 =	smul.u32 $0x27200, s18;
	p0 =	sgt.u32 s18, $0x1  }
0x9: {  	s29 =	sshll.u32 s18, $0x6;
	p1 =	slt.u32 s18, $0x2;
	s7 =	smul.u32 $0x27100, s6  }
0xa: {  	s8 =	smul.u32 $0x4E2, s6;
	s6 =	ssub.s32 $0x2, s6;
	_ =	strace $0x8000004A  }
0xb: {  	p2 =	sne.s32 @p1 s18, $0x0;
	s10 =	sadd.s32 s5, s0;
	s19 =	sshrl.u32 s6, $0x1  }
0xc: {  	s26 =	sshrl.u32 s23, $0x2;
	s11 =	sshrl.u32 s11, $0x2;
	p2 =	por p2, !p1  }
0xd: {  	s0 =	sadd.s32 s7, s0;
	s16 =	ssub.s32 s6, s19;
	s20 =	sadd.s32 s9, s8  }
0xe: {  	s22 =	sadd.s32 s18, s8;
	s9 =	sadd.s32 s11, s3;
	s10 =	sadd.s32 $0x1E00, s10  }
0xf: {  	s19 =	sor.u32 $0x1C03, s29;
	s21 =	sshll.u32 s20, $0x4;
	s25 =	sshll.u32 s22, $0x4  }
0x10: {  	s11 =	sadd.s32 $0x2000, s9;
	s13 =	sadd.s32 $0x6000, s9;
	s14 =	sadd.s32 $0x8000, s9  }
0x11: {  	s15 =	sadd.s32 $0x29000, s0;
	s16 =	smax.u32 s16, $0x1;
	s5 =	sadd.s32 s1, s21  }
0x12: {  	s6 =	sadd.s32 s21, s24;
	s12 =	sadd.s32 $0x4E00, s25;
	s21 =	simm.s32 $0x1  }
0x13: {  	s25 =	simm.s32 $0x80;
	s7 =	sadd.s32 s1, s12;
	s8 =	sadd.s32 s12, s24  }
0x14: {  	s1 =	sadd.s32 s26, s2;
	s12 =	sadd.s32 $0x4000, s9;
	s24 =	simm.s32 $0x4F00  }
0x15: {  	v0 =	vimm.f32 $0.0e+00;
	s26 =	simm.s32 $0x6F00;
	s20 =	sshrl.u32 s1, $0x3;
	s1 =	simm.s32 $0x0  }
.LBB2_1:
0x16: {  	[tilespmem:s4], [sflag:$0x3] =	stream.linear.gather [hbm4b:s5+s4], $0x2700, $0x38;
	[tilespmem:$0x1C7C0] =	vst v63  }
0x17: {  	_ =	swait.ge [sflag:s17], $0x2700  }
0x18: {  	[sflag:s17] =	ssyncset.done $0x0  }
0x19: {  	s0 =	simm.s32 $0x2780;
	[sflag:s17] =	ssyncadd.s32 $0xFFFFD900  }
0x1a: {  	[tilespmem:s0], [sflag:$0x3] =	stream.linear.gather [hbm4b:s6+s4], $0x2700, $0x38;
	[tilespmem:$0x1C7C0] =	vst v63  }
0x1b: {  	_ =	swait.ge [sflag:s17], $0x2700  }
0x1c: {  	[sflag:s17] =	ssyncset.done $0x0  }
0x1d: {  	s18 =	simm.s32 @!p0 $0x2700;
	s0 =	simm.s32 @!p0 $0x0;
	[sflag:s17] =	ssyncadd.s32 $0xFFFFD900  }
0x1e: {  	[tilespmem:s18], [sflag:$0x3] =	stream.linear.gather @!p0 [hbm4b:s7+s0], $0x80, $0x38;
	[tilespmem:$0x1C7C0] =	vst v63  }
0x1f: {  	s18 =	simm.s32 @!p0 $0x3  }
0x20: {  	_ =	swait.ge @!p0 [sflag:s18], $0x80  }
0x21: {  	[sflag:s18] =	ssyncset.done @!p0 $0x0  }
0x22: {  	s22 =	simm.s32 @!p0 $0x4E80;
	[sflag:s18] =	ssyncadd.s32 @!p0 $0xFFFFFF80  }
0x23: {  	[tilespmem:s22], [sflag:$0x3] =	stream.linear.gather @!p0 [hbm4b:s8+s0], $0x80, $0x38;
	[tilespmem:$0x1C7C0] =	vst v63  }
0x24: {  	_ =	swait.ge @!p0 [sflag:s18], $0x80  }
0x25: {  	[sflag:s18] =	ssyncset.done @!p0 $0x0  }
0x26: {  	s23 =	simm.s32 $0x8;
	s29 =	simm.s32 $0x10;
	[sflag:s18] =	ssyncadd.s32 @!p0 $0xFFFFFF80  }
0x27: {  	[spmem:s20@s23], [sflag:s19] =	dma.strided [hbm:s10@s29], $0x1388, s21, $0x8   }
0x28: {  	_ =	swait.ge [sflag:s17], $0x1388  }
0x29: {  	[sflag:s17] =	ssyncset.done $0x0  }
0x2a: {  	s0 =	simm.s32 $0x0;
	s18 =	simm.s32 $0x100;
	[sflag:s17] =	ssyncadd.s32 $0xFFFFEC78  }
.LBB2_2:
0x2b: {  	p3 =	sne.s32 s18, $0x7F00;
	[tilespmem:s0+$0x4F30] =	vst v0;
	s22 =	smov.u32 s18;
	s18 =	sadd.s32 $0x100, s18  }
.Ltmp0:
0x2c: {  	[tilespmem:s0+$0x4F20] =	vst v0;
	(pc) =	sbr.rel @p3 .LBB2_2-.Ltmp0, $3  }
0x2d: {  	[tilespmem:s0+$0x4F00] =	vst v0  }
0x2e: {  	[tilespmem:s0+$0x4F10] =	vst v0;
	_ =	sdelay $0x1  }
0x2f: {  	s0 =	sshra.s32 s22, $0x2  }
0x30: {  	[tilespmem:s0+$0x4F30] =	vst v0  }
0x31: {  	[tilespmem:s0+$0x4F20] =	vst v0  }
0x32: {  	[tilespmem:s0+$0x4F00] =	vst v0  }
0x33: {  	[tilespmem:s0+$0x4F10] =	vst v0  }
0x34: {  	[spmem:s9] =	stream.linear.scatter [tilespmem:s24], [sflag:$0x3], $0x2000, $0x38;
	[tilespmem:$0x1C7C0] =	vst v63  }
0x35: {  	_ =	swait.ge [sflag:s17], $0x2000  }
0x36: {  	[sflag:s17] =	ssyncset.done $0x0  }
0x37: {  	[sflag:s17] =	ssyncadd.s32 $0xFFFFE000  }
0x38: {  	[spmem:s11] =	stream.linear.scatter [tilespmem:s24], [sflag:$0x3], $0x2000, $0x38;
	[tilespmem:$0x1C7C0] =	vst v63  }
0x39: {  	_ =	swait.ge [sflag:s17], $0x2000  }
0x3a: {  	[sflag:s17] =	ssyncset.done $0x0  }
0x3b: {  	[sflag:s17] =	ssyncadd.s32 $0xFFFFE000  }
0x3c: {  	[spmem:s12] =	stream.linear.scatter [tilespmem:s24], [sflag:$0x3], $0x2000, $0x38;
	[tilespmem:$0x1C7C0] =	vst v63  }
0x3d: {  	_ =	swait.ge [sflag:s17], $0x2000  }
0x3e: {  	[sflag:s17] =	ssyncset.done $0x0  }
0x3f: {  	[sflag:s17] =	ssyncadd.s32 $0xFFFFE000  }
0x40: {  	[spmem:s13] =	stream.linear.scatter [tilespmem:s24], [sflag:$0x3], $0x2000, $0x38;
	[tilespmem:$0x1C7C0] =	vst v63  }
0x41: {  	_ =	swait.ge [sflag:s17], $0x2000  }
0x42: {  	[sflag:s17] =	ssyncset.done $0x0  }
0x43: {  	[sflag:s17] =	ssyncadd.s32 $0xFFFFE000  }
0x44: {  	[spmem:s14] =	stream.linear.scatter [tilespmem:s24], [sflag:$0x3], $0x1C80, $0x38;
	[tilespmem:$0x1C7C0] =	vst v63  }
0x45: {  	_ =	swait.ge [sflag:s17], $0x1C80  }
0x46: {  	[sflag:s17] =	ssyncset.done $0x0  }
0x47: {  	[sflag:s17] =	ssyncadd.s32 $0xFFFFE380  }
0x48: {  	s29 =	simm.s32 $0x0;
	[bflag:$0x0] =	sbarrier.arrive $0xFFFF  }
0x49: {  	[tilespmem:s24], [sflag:$0x1] =	stream.indirect.gather [spmem:s2], $0x40, s29, s25, $0xb8;
	[tilespmem:$0x1C7C0] =	vst v63  }
0x4a: {  	s18 =	simm.s32 $0x80  }
0x4b: {  	[tilespmem:s26], [sflag:$0x2] =	stream.indirect.gather [spmem:s2], $0x40, s18, s25, $0xb8;
	[tilespmem:$0x1C7C0] =	vst v63  }
0x4c: {  	_ =	swait.ge [sflag:s21], $0x2000  }
0x4d: {  	[sflag:s21] =	ssyncset.done $0x0  }
0x4e: {  	s22 =	simm.s32 $0x2780;
	[sflag:s21] =	ssyncadd.s32 $0xFFFFE000  }
0x4f: {  	[spmem:s3] =	stream.indirect.scatter.add.f32 [tilespmem:s24], [sflag:$0x3], $0x40, s22, s25, $0xb8;
	[tilespmem:$0x1C7C0] =	vst v63  }
0x50: {  	_ =	swait.ge [sflag:s17], $0x2000  }
0x51: {  	[sflag:s17] =	ssyncset.done $0x0  }
0x52: {  	s23 =	simm.s32 $0x100;
	[sflag:s17] =	ssyncadd.s32 $0xFFFFE000  }
0x53: {  	[tilespmem:s24], [sflag:$0x1] =	stream.indirect.gather [spmem:s2], $0x40, s23, s25, $0xb8;
	[tilespmem:$0x1C7C0] =	vst v63  }
0x54: {  	_ =	swait.ge [sflag:s28], $0x2000  }
0x55: {  	[sflag:s28] =	ssyncset.done $0x0  }
0x56: {  	s29 =	simm.s32 $0x2800;
	[sflag:s28] =	ssyncadd.s32 $0xFFFFE000  }
0x57: {  	[spmem:s3] =	stream.indirect.scatter.add.f32 [tilespmem:s26], [sflag:$0x3], $0x40, s29, s25, $0xb8;
	[tilespmem:$0x1C7C0] =	vst v63  }
0x58: {  	_ =	swait.ge [sflag:s17], $0x2000  }
0x59: {  	s0 =	simm.s32 $0x100;
	s18 =	simm.s32 $0x800;
	[sflag:s17] =	ssyncset.done $0x0  }
.LBB2_4:
0x5a: {  	s22 =	sadd.s32 $0x80, s0  }
0x5b: {  	[sflag:s17] =	ssyncadd.s32 $0xFFFFE000;
	s23 =	smov.u32 s18;
	s29 =	sadd.s32 $0x400, s18  }
0x5c: {  	[tilespmem:s26], [sflag:$0x2] =	stream.indirect.gather [spmem:s2], $0x40, s22, s25, $0xb8;
	[tilespmem:$0x1C7C0] =	vst v63  }
0x5d: {  	p3 =	sne.s32 s18, $0x9400;
	_ =	swait.ge [sflag:s21], $0x2000  }
0x5e: {  	[sflag:s21] =	ssyncset.done $0x0  }
0x5f: {  	s18 =	sadd.s32 $0x2780, s0;
	[sflag:s21] =	ssyncadd.s32 $0xFFFFE000  }
0x60: {  	[spmem:s3] =	stream.indirect.scatter.add.f32 [tilespmem:s24], [sflag:$0x3], $0x40, s18, s25, $0xb8;
	[tilespmem:$0x1C7C0] =	vst v63  }
0x61: {  	_ =	swait.ge [sflag:s17], $0x2000  }
0x62: {  	[sflag:s17] =	ssyncset.done $0x0  }
0x63: {  	s18 =	sadd.s32 $0x100, s0;
	[sflag:s17] =	ssyncadd.s32 $0xFFFFE000  }
0x64: {  	[tilespmem:s24], [sflag:$0x1] =	stream.indirect.gather [spmem:s2], $0x40, s18, s25, $0xb8;
	[tilespmem:$0x1C7C0] =	vst v63  }
0x65: {  	_ =	swait.ge [sflag:s28], $0x2000  }
.Ltmp1:
0x66: {  	[sflag:s28] =	ssyncset.done $0x0;
	(pc) =	sbr.rel @p3 .LBB2_4-.Ltmp1, $4  }
0x67: {  	s0 =	sadd.s32 $0x2800, s0;
	[sflag:s28] =	ssyncadd.s32 $0xFFFFE000  }
0x68: {  	[spmem:s3] =	stream.indirect.scatter.add.f32 [tilespmem:s26], [sflag:$0x3], $0x40, s0, s25, $0xb8;
	[tilespmem:$0x1C7C0] =	vst v63  }
0x69: {  	_ =	swait.ge [sflag:s17], $0x2000  }
0x6a: {  	s18 =	smov.u32 s29;
	s0 =	sshra.s32 s23, $0x2;
	[sflag:s17] =	ssyncset.done $0x0  }
0x6b: {  	s18 =	sadd.s32 $0x80, s0;
	[sflag:s17] =	ssyncadd.s32 $0xFFFFE000  }
0x6c: {  	[tilespmem:s26], [sflag:$0x2] =	stream.indirect.gather [spmem:s2], $0x40, s18, s25, $0xb8;
	[tilespmem:$0x1C7C0] =	vst v63  }
0x6d: {  	_ =	swait.ge [sflag:s21], $0x2000  }
0x6e: {  	[sflag:s21] =	ssyncset.done $0x0  }
0x6f: {  	s29 =	sadd.s32 $0x2780, s0;
	[sflag:s21] =	ssyncadd.s32 $0xFFFFE000  }
0x70: {  	[spmem:s3] =	stream.indirect.scatter.add.f32 [tilespmem:s24], [sflag:$0x3], $0x40, s29, s25, $0xb8;
	[tilespmem:$0x1C7C0] =	vst v63  }
0x71: {  	_ =	swait.ge [sflag:s17], $0x2000  }
0x72: {  	[sflag:s17] =	ssyncset.done $0x0  }
0x73: {  	s22 =	sadd.s32 $0x100, s0;
	[sflag:s17] =	ssyncadd.s32 $0xFFFFE000  }
0x74: {  	[tilespmem:s24], [sflag:$0x1] =	stream.indirect.gather [spmem:s2], $0x40, s22, s25, $0xb8;
	[tilespmem:$0x1C7C0] =	vst v63  }
0x75: {  	_ =	swait.ge [sflag:s28], $0x2000  }
0x76: {  	[sflag:s28] =	ssyncset.done $0x0  }
0x77: {  	s23 =	sadd.s32 $0x2800, s0;
	[sflag:s28] =	ssyncadd.s32 $0xFFFFE000  }
0x78: {  	[spmem:s3] =	stream.indirect.scatter.add.f32 [tilespmem:s26], [sflag:$0x3], $0x40, s23, s25, $0xb8;
	[tilespmem:$0x1C7C0] =	vst v63  }
0x79: {  	_ =	swait.ge [sflag:s17], $0x2000  }
0x7a: {  	[sflag:s17] =	ssyncset.done $0x0  }
0x7b: {  	s29 =	simm.s32 $0x2680;
	[sflag:s17] =	ssyncadd.s32 $0xFFFFE000  }
0x7c: {  	[tilespmem:s26], [sflag:$0x2] =	stream.indirect.gather [spmem:s2], $0x40, s29, s25, $0xb8;
	[tilespmem:$0x1C7C0] =	vst v63  }
0x7d: {  	_ =	swait.ge [sflag:s21], $0x2000  }
0x7e: {  	[sflag:s21] =	ssyncset.done $0x0  }
0x7f: {  	[sflag:s21] =	ssyncadd.s32 $0xFFFFE000  }
0x80: {  	[spmem:s3] =	stream.indirect.scatter.add.f32 [tilespmem:s24], [sflag:$0x3], $0x40, s30, s25, $0xb8;
	[tilespmem:$0x1C7C0] =	vst v63  }
0x81: {  	_ =	swait.ge [sflag:s17], $0x2000  }
0x82: {  	[sflag:s17] =	ssyncset.done $0x0  }
0x83: {  	[sflag:s17] =	ssyncadd.s32 $0xFFFFE000  }
0x84: {  	_ =	swait.ge [sflag:s28], $0x2000  }
0x85: {  	[sflag:s28] =	ssyncset.done $0x0  }
0x86: {  	[sflag:s28] =	ssyncadd.s32 $0xFFFFE000  }
0x87: {  	[spmem:s3] =	stream.indirect.scatter.add.f32 [tilespmem:s26], [sflag:$0x3], $0x40, s31, s25, $0xb8;
	[tilespmem:$0x1C7C0] =	vst v63  }
0x88: {  	_ =	swait.ge [sflag:s17], $0x2000  }
0x89: {  	s0 =	simm.s32 @p1 $0x80;
	[sflag:s17] =	ssyncset.done $0x0  }
0x8a: {  	s18 =	simm.s32 @p1 $0x2700;
	s22 =	simm.s32 @p1 $0x4F00;
	[sflag:s17] =	ssyncadd.s32 $0xFFFFE000  }
0x8b: {  	[tilespmem:s22], [sflag:$0x1] =	stream.indirect.gather @p1 [spmem:s2], $0x40, s18, s0, $0xb8;
	[tilespmem:$0x1C7C0] =	vst v63  }
0x8c: {  	s18 =	simm.s32 @p1 $0x1  }
0x8d: {  	_ =	swait.ge @p1 [sflag:s18], $0x2000  }
0x8e: {  	[sflag:s18] =	ssyncset.done @p1 $0x0  }
0x8f: {  	[sflag:s18] =	ssyncadd.s32 @p1 $0xFFFFE000;
	s18 =	simm.s32 @p1 $0x4E80  }
0x90: {  	[spmem:s3] =	stream.indirect.scatter.add.f32 @p1 [tilespmem:s22], [sflag:$0x3], $0x40, s18, s0, $0xb8;
	[tilespmem:$0x1C7C0] =	vst v63  }
0x91: {  	s0 =	simm.s32 @p1 $0x3  }
0x92: {  	_ =	swait.ge @p1 [sflag:s0], $0x2000  }
0x93: {  	[sflag:s0] =	ssyncset.done @p1 $0x0  }
0x94: {  	s23 =	simm.s32 @!p2 $0x8;
	s18 =	simm.s32 @!p2 $0x1;
	[sflag:s0] =	ssyncadd.s32 @p1 $0xFFFFE000  }
0x95: {  	s22 =	simm.s32 @!p2 $0x10;
	s0 =	sshrl.u32 @!p2 s3, $0x3;
	[bflag:$0x0] =	sbarrier.arrive @p1 $0xFFFF  }
0x96: {  	[hbm:s15@s22], [sflag:s19] =	dma.strided @!p2 [spmem:s0@s23], $0x13880, s18, $0x8   }
0x97: {  	s1 =	sadd.s32 $0x1, s1;
	s0 =	simm.s32 @!p2 $0x3  }
0x98: {  	p3 =	sne.s32 s1, s16;
	_ =	swait.ge @!p2 [sflag:s0], $0x13880  }
.Ltmp2:
0x99: {  	[sflag:s0] =	ssyncset.done @!p2 $0x0;
	(pc) =	sbr.rel @p3 .LBB2_1-.Ltmp2, $3  }
0x9a: {  	[sflag:s0] =	ssyncadd.s32 @!p2 $0xFFFEC780  }
0x9b: {  	[bflag:$0x0] =	sbarrier.arrive @!p1 $0xFFFF  }
0x9c: {  	[bflag:$0x0] =	sbarrier.arrive $0xFFFF;
	_ =	sdelay $0x1  }
0x9d: {  	_ =	sfence.sel $0x180000  }
0x9e: {  	[bflag:$0x0] =	sbarrier.arrive $0xFFFF  }
0x9f: {  	_ =	strace $0x9000004A  }
0xa0: {  	s0 =	stileid.u32;
	[bflag:$0x2] =	sbarrier.arrive $0xFFFF  }
0xa1: {  	p0 =	sne.s32 s0, $0x0;
	s0 =	rddreg [dreg:$0x4]  }
0xa2: {  	s0 =	sadd.s32 @!p0 $0x100000, s0  }
0xa3: {  	[sflag:s0] =	ssyncadd.tile.s32 @!p0 $0x1;
	_ =	shalt  }
.Lfunc_end2:
_tile_overlayer_lowered:
.L_overlay_start_2:
0xa4: {  	(tag) =	ssettag $0x2  }
0xa5: {  	s0 =	rddreg [dreg:$0x0];
	s2 =	stileid.u32  }
0xa6: {  	s1 =	rddreg [dreg:$0x1];
	p0 =	sne.s32 s2, $0x0  }
0xa7: {  	s3 =	rddreg [dreg:$0x2];
	[bflag:$0x3] =	sbarrier.arrive $0xFFFF;
	s2 =	simm.s32 @!p0 $0x1C03  }
0xa8: {  	[timem:s3], [sflag:s2] =	dma.local @!p0 [hbm:s0], s1  }
0xa9: {  	s0 =	simm.s32 @!p0 $0x3  }
0xaa: {  	_ =	swait.ge @!p0 [sflag:s0], s1  }
0xab: {  	s1 =	ssub.s32 @!p0 $0x0, s1;
	[sflag:s0] =	ssyncset.done @!p0 $0x0  }
0xac: {  	[sflag:s0] =	ssyncadd.s32 @!p0 s1  }
0xad: {  	[bflag:$0x3] =	sbarrier.arrive $0xFFFF  }
0xae: {  	_ =	shalt  }

// kernel: kernel.8.cloned.1.call-start
scs
__scs_entry_jumppad:
0x0: {  	(pc) =	sbr.rel $0x88, $3  }
0x1: {  	(tag) =	ssettag $0x0;
	lr =	simm.s32 $0x1  }
0x2: {  	[smem:$0x3F99] =	sst lr;
	_ =	strace $0xD0000000  }
0x3: {  	_ = 	snop  }
0x4: {  	_ = 	snop  }
0x5: {  	_ = 	snop  }
0x6: {  	_ = 	snop  }
0x7: {  	_ = 	snop  }
__scs_overlays_trampoline_lowered:
0x8: {  	[smem:$0x3FA8] =	sst s0  }
0x9: {  	[smem:$0x3FA9] =	sst s1  }
0xa: {  	[smem:$0x3FAA] =	sst s2  }
0xb: {  	[smem:$0x3FAB] =	sst s3  }
0xc: {  	[smem:$0x3FAC] =	sst s4  }
0xd: {  	[smem:$0x3FAD] =	sst s5  }
0xe: {  	[smem:$0x3FAE] =	sst s6  }
0xf: {  	[smem:$0x3FAF] =	sst s7  }
0x10: {  	[smem:$0x3FB0] =	sst s8  }
0x11: {  	[smem:$0x3FB1] =	sst s9;
	s0 =	simm.s32 @!p0 $0x0  }
0x12: {  	s1 =	sld [smem:$0x3F97];
	s0 =	simm.s32 @p0 $0x1  }
0x13: {  	[smem:$0x3FB2] =	sst s0;
	s0 =	simm.s32 @!p1 $0x0  }
0x14: {  	s2 =	sld [smem:$0x3F96];
	s0 =	simm.s32 @p1 $0x1  }
0x15: {  	[smem:$0x3FB3] =	sst s0;
	s0 =	simm.s32 @!p2 $0x0  }
0x16: {  	s3 =	sld [smem:$0x3FDB];
	s0 =	simm.s32 @p2 $0x1  }
0x17: {  	s4 =	simm.s32 $0x1BF5;
	[smem:$0x3FB5] =	sst s0  }
0x18: {  	s0 =	sld [smem:$0x3F98];
	_ =	swait.ge [sflag:s4], $0x0  }
0x19: {  	s7 =	sld [smem:$0x3F99]  }
0x1a: {  	s8 =	sadd.s32 $0xFFFFE003, lr  }
0x1b: {  	s9 =	sadd.s32 $0xFFFFFEF7, lr;
	s5 =	simm.s32 $0xFFFFFFFF;
	p2 =	slt.u32 s8, $0xFFFFF086  }
0x1c: {  	p1 =	slt.u32 s9, $0xF7A;
	s5 =	simm.s32 @!p2 $0x0  }
0x1d: {  	s5 =	simm.s32 @p1 $0x1;
	p0 =	seq.s32 s7, s2  }
0x1e: {  	s7 =	smul.u32 @!p0 $0xF7A, s2;
	p2 =	seq.s32 @!p0 s5, $0x0  }
0x1f: {  	s9 =	smul.u32 $0xF7A, s1;
	s8 =	simm.s32 @!p0 $0x1BF5;
	p2 =	por !p2, p0  }
0x20: {  	[sflag:s8] =	ssyncset.s32 @!p0 $0xFFFFF086;
	s6 =	sadd.s32 @!p0 s3, s7;
	s7 =	simm.s32 @!p0 $0x108  }
0x21: {  	s3 =	sadd.s32 s3, s9;
	s6 =	sadd.s32 @!p0 $0x88, s6;
	s7 =	simm.s32 @p2 $0x1082  }
0x22: {  	[simem:s7], [sflag:s8] =	dma.local @!p0 [hbm:s6], $0xF7A  }
0x23: {  	s9 =	sor.u32 $0xD0000000, s2;
	s6 =	simm.s32 $0x108;
	_ =	swait.ge @!p0 [sflag:s8], $0x0  }
0x24: {  	s3 =	sadd.s32 $0x88, s3;
	s6 =	simm.s32 @!p1 $0x1082;
	[sflag:s4] =	ssyncset.s32 $0xFFFFF086  }
0x25: {  	[simem:s6], [sflag:s4] =	dma.local [hbm:s3], $0xF7A  }
0x26: {  	[smem:$0x3F99] =	sst s1;
	(tag) =	ssettag s2;
	_ =	strace s9  }
0x27: {  	s1 =	sld [smem:$0x3FA9]  }
0x28: {  	s2 =	sld [smem:$0x3FAA]  }
0x29: {  	s4 =	sld [smem:$0x3FAC]  }
0x2a: {  	p0 =	seq.s32 s5, $0x0;
	s5 =	sld [smem:$0x3FAD]  }
0x2b: {  	s6 =	sld [smem:$0x3FAE]  }
0x2c: {  	s7 =	sld [smem:$0x3FAF]  }
0x2d: {  	s3 =	simm.s32 $0x108;
	s8 =	sld [smem:$0x3FB0]  }
0x2e: {  	s3 =	simm.s32 @!p0 $0x1082;
	s9 =	sld [smem:$0x3FB1]  }
0x2f: {  	lr =	sadd.s32 s0, s3;
	s0 =	sld [smem:$0x3FA8]  }
0x30: {  	s3 =	sld [smem:$0x3FAB]  }
0x31: {  	[smem:$0x3FB4] =	sst s10  }
0x32: {  	s10 =	sld [smem:$0x3FB2];
	_ =	sdelay $0x3  }
0x33: {  	p0 =	seq.s32 s10, $0x1;
	s10 =	sld [smem:$0x3FB4];
	_ =	sdelay $0x3  }
0x34: {  	[smem:$0x3FB4] =	sst s10  }
0x35: {  	s10 =	sld [smem:$0x3FB3];
	_ =	sdelay $0x3  }
0x36: {  	p1 =	seq.s32 s10, $0x1;
	s10 =	sld [smem:$0x3FB4];
	_ =	sdelay $0x3  }
0x37: {  	[smem:$0x3FB4] =	sst s10  }
0x38: {  	s10 =	sld [smem:$0x3FB5]  }
0x39: {  	_ = 	snop;
	(pc) =	sbr.ind lr, $3  }
0x3a: {  	_ = 	snop  }
0x3b: {  	_ = 	snop  }
0x3c: {  	p2 =	seq.s32 s10, $0x1;
	s10 =	sld [smem:$0x3FB4]  }
0x3d: {  	_ =	shalt  }
0x3e: {  	_ =	shalt  }
0x3f: {  	_ =	shalt  }
0x40: {  	_ =	shalt  }
0x41: {  	_ =	shalt  }
0x42: {  	_ =	shalt  }
0x43: {  	_ =	shalt  }
0x44: {  	_ =	shalt  }
0x45: {  	_ =	shalt  }
0x46: {  	_ =	shalt  }
0x47: {  	_ =	shalt  }
0x48: {  	_ =	shalt  }
0x49: {  	_ =	shalt  }
0x4a: {  	_ =	shalt  }
0x4b: {  	_ =	shalt  }
0x4c: {  	_ =	shalt  }
0x4d: {  	_ =	shalt  }
0x4e: {  	_ =	shalt  }
0x4f: {  	_ =	shalt  }
0x50: {  	_ =	shalt  }
0x51: {  	_ =	shalt  }
0x52: {  	_ =	shalt  }
0x53: {  	_ =	shalt  }
0x54: {  	_ =	shalt  }
0x55: {  	_ =	shalt  }
0x56: {  	_ =	shalt  }
0x57: {  	_ =	shalt  }
0x58: {  	_ =	shalt  }
0x59: {  	_ =	shalt  }
0x5a: {  	_ =	shalt  }
0x5b: {  	_ =	shalt  }
0x5c: {  	_ =	shalt  }
0x5d: {  	_ =	shalt  }
0x5e: {  	_ =	shalt  }
0x5f: {  	_ =	shalt  }
0x60: {  	_ =	shalt  }
0x61: {  	_ =	shalt  }
0x62: {  	_ =	shalt  }
0x63: {  	_ =	shalt  }
0x64: {  	_ =	shalt  }
0x65: {  	_ =	shalt  }
0x66: {  	_ =	shalt  }
0x67: {  	_ =	shalt  }
0x68: {  	_ =	shalt  }
0x69: {  	_ =	shalt  }
0x6a: {  	_ =	shalt  }
0x6b: {  	_ =	shalt  }
0x6c: {  	_ =	shalt  }
0x6d: {  	_ =	shalt  }
0x6e: {  	_ =	shalt  }
0x6f: {  	_ =	shalt  }
0x70: {  	_ =	shalt  }
0x71: {  	_ =	shalt  }
0x72: {  	_ =	shalt  }
0x73: {  	_ =	shalt  }
0x74: {  	_ =	shalt  }
0x75: {  	_ =	shalt  }
0x76: {  	_ =	shalt  }
0x77: {  	_ =	shalt  }
0x78: {  	_ =	shalt  }
0x79: {  	_ =	shalt  }
0x7a: {  	_ =	shalt  }
0x7b: {  	_ =	shalt  }
0x7c: {  	_ =	shalt  }
0x7d: {  	_ =	shalt  }
0x7e: {  	_ =	shalt  }
0x7f: {  	_ =	shalt  }
0x80: {  	_ =	shalt  }
0x81: {  	_ =	shalt  }
0x82: {  	_ =	shalt  }
0x83: {  	_ =	shalt  }
0x84: {  	_ =	shalt  }
0x85: {  	_ =	shalt  }
0x86: {  	_ =	shalt  }
0x87: {  	_ =	shalt  }
.Lfunc_end0:
.L_simem_size_0:
called_computation_lowered:
.L_overlay_start_0:
0x88: {  	s2 =	sld [smem:$0x3FD9]  }
0x89: {  	s3 =	sld [smem:$0x3FFE];
	_ =	sdelay $0x1  }
0x8a: {  	s1 =	srdreg.scid  }
0x8b: {  	s0 =	sand.u32 $0x1, s1  }
0x8c: {  	s17 =	sshll.u32 s0, $0xA;
	s2 =	sadd.s32 s3, s2  }
0x8d: {  	s2 =	sadd.s32 s2, s17  }
0x8e: {  	[smem:$0x3FC0] =	sst s2  }
0x8f: {  	_ = 	snop  }
0x90: {  	s2 =	sld [smem:$0x3FD0];
	(tm) =	ssettm $0x1  }
0x91: {  	s18 =	sld [smem:$0x3FFB];
	_ =	sdelay $0x3  }
0x92: {  	_ =	strace s18  }
0x93: {  	s3 =	sld [smem:$0x3FFC];
	_ =	sdelay $0x3  }
0x94: {  	_ =	strace s3  }
0x95: {  	s3 =	sld [smem:$0x3FFD];
	_ =	sdelay $0x3  }
0x96: {  	_ =	strace s3  }
0x97: {  	_ =	strace $0x8FFFFFFF  }
0x98: {  	s19 =	sld [smem:$0x3FDB];
	_ =	sdelay $0x1  }
0x99: {  	s4 =	simm.s32 $_scs_section_size  }
0x9a: {  	s5 =	simm.s32 $_size__tile_overlayer_lowered;
	s6 =	simm.s32 $_tile_overlayer_lowered  }
0x9b: {  	s22 =	simm.s32 $0x1BFF;
	s21 =	sshll.u32 s6, $0x1;
	s3 =	sadd.s32 s4, s19  }
0x9c: {  	s7 =	simm.s32 $0x0;
	s20 =	sshll.u32 s5, $0x1;
	s5 =	sadd.s32 s21, s3  }
0x9d: {  	[timem:s7], [sflag:s22] =	dma.local [hbm:s5], s20  }
0x9e: {  	_ =	swait.ge [sflag:s22], s20  }
0x9f: {  	s4 =	ssub.s32 $0x0, s20;
	[sflag:s22] =	ssyncset.done $0x0  }
0xa0: {  	[sflag:s22] =	ssyncadd.s32 s4;
	_ =	sdelay $0x1  }
0xa1: {  	s23 =	simm.s32 $0x1B8B  }
0xa2: {  	_ =	swait.ge [sflag:s23], $0x1  }
0xa3: {  	[sflag:s23] =	ssyncset.done $0x0  }
0xa4: {  	s25 =	simm.s32 $0x1B8E;
	s24 =	sld [smem:$0x3FFE];
	[sflag:s23] =	ssyncadd.s32 $0xFFFFFFFF  }
0xa5: {  	s26 =	simm.s32 $execute0_lowered;
	[smem:$0x3FD2] =	sst s25  }
0xa6: {  	s5 =	sshll.u32 s26, $0x1;
	_ =	strace $0x80000046;
	[dreg:$0x1] =	wrdreg $0xFFFFFFFF  }
0xa7: {  	s28 =	simm.s32 $_size_execute0_lowered;
	s3 =	sadd.s32 s3, s5;
	[dreg:$0x0] =	wrdreg $0x0  }
0xa8: {  	s5 =	sshll.u32 s28, $0x1;
	[dreg:$0x2] =	wrdreg s3  }
0xa9: {  	[dreg:$0x3] =	wrdreg s5  }
0xaa: {  	[dreg:$0x4] =	wrdreg $0xC0  }
0xab: {  	_ =	task [dreg:s7], $0x5FFFF  }
0xac: {  	[dreg:$0x1] =	wrdreg $0xFFFFFFFF  }
0xad: {  	[dreg:$0x0] =	wrdreg $0x60  }
0xae: {  	[dreg:$0x2] =	wrdreg s24  }
0xaf: {  	[dreg:$0x3] =	wrdreg s2  }
0xb0: {  	[dreg:$0x4] =	wrdreg $0x8F000  }
0xb1: {  	[dreg:$0x5] =	wrdreg $0x12B400  }
0xb2: {  	[dreg:$0x6] =	wrdreg $0x9  }
0xb3: {  	_ =	task.clear_ibuf [dreg:s7], $0x7FFFF;
	_ =	strace $0x90000046  }
0xb4: {  	s29 =	simm.s32 $0x9;
	_ =	strace $0x80000048  }
0xb5: {  	_ =	swait.ge [sflag:s29], $0x1  }
0xb6: {  	[sflag:s29] =	ssyncadd.s32 $0xFFFFFFFF  }
0xb7: {  	_ =	strace $0x90000048  }
0xb8: {  	_ =	sfence  }
0xb9: {  	s30 =	sld [smem:$0x0];
	_ =	sdelay $0x2  }
0xba: {  	s31 =	sshll.u32 s1, $0xD;
	s1 =	sshrl.u32 s1, $0x2  }
0xbb: {  	s3 =	sand.u32 $0x4000, s31;
	s1 =	sadd.s32 s1, s30  }
0xbc: {  	s0 =	sor.u32 s3, s0;
	s1 =	sshll.u32 s1, $0x11  }
0xbd: {  	s0 =	sor.u32 s1, s0  }
0xbe: {  	s0 =	sadd.s32 $0x8F2B, s0  }
0xbf: {  	[sflag:s0] =	ssyncadd.remote.s32 $0x1  }
0xc0: {  	_ =	sfence.sel $0xFFFF  }
0xc1: {  	[dreg:$0x0] =	wrdreg $0xFFFFFFFF;
	(pc) =	sbr.abs _section_cstart, $3  }
0xc2: {  	[dreg:$0x1] =	wrdreg $0xFFFFFFFF  }
0xc3: {  	_ =	task.clear_ibuf [dreg:s7], $0x2FFFF;
	_ =	strace $0x9FFFFFFF  }
0xc4: {  	(tm) =	ssettm $0x7FFFFFFF  }
0xc5: {  	_ =	shalt  }
tec
execute0_lowered:
.L_overlay_start_1:
0x0: {  	(tag) =	ssettag $0x1  }
0x1: {  	s0 =	rddreg [dreg:$0x0]  }
0x2: {  	s1 =	rddreg [dreg:$0x1];
	s21 =	stileid.u32  }
0x3: {  	s3 =	srdreg.scid;
	s2 =	rddreg [dreg:$0x2];
	s8 =	simm.s32 $0x0  }
0x4: {  	s28 =	simm.s32 $0x6F00;
	s29 =	simm.s32 $0x2;
	s4 =	smul.u32 $0x2710, s21  }
0x5: {  	s30 =	simm.s32 $0x2680;
	s31 =	simm.s32 $0x4D80;
	s20 =	smul.u32 $0x4E, s21  }
0x6: {  	s5 =	sand.u32 $0x1, s3;
	s3 =	rddreg [dreg:$0x3];
	s23 =	smul.u32 $0x27100, s21  }
0x7: {  	[smem:$0x7FF] =	sst s8;
	s24 =	sadd.s32 $0x9C40, s1;
	s10 =	smul.u32 $0x27200, s21  }
0x8: {  	p0 =	sgt.u32 s21, $0x1;
	p1 =	slt.u32 s21, $0x2;
	s6 =	smul.u32 $0x27100, s5  }
0x9: {  	s7 =	smul.u32 $0x4E2, s5;
	s5 =	ssub.s32 $0x2, s5;
	_ =	strace $0x80000047  }
0xa: {  	p3 =	sne.s32 @p1 s21, $0x0;
	s4 =	sadd.s32 s4, s0;
	s9 =	sshrl.u32 s5, $0x1  }
0xb: {  	s26 =	sshrl.u32 s23, $0x2;
	s10 =	sshrl.u32 s10, $0x2;
	s23 =	simm.s32 $0x8  }
0xc: {  	p2 =	por p3, !p1;
	p3 =	por !p3, !p1;
	s0 =	sadd.s32 s6, s0  }
0xd: {  	s5 =	ssub.s32 s5, s9;
	s22 =	sadd.s32 s20, s7;
	s7 =	sadd.s32 s21, s7  }
0xe: {  	s10 =	sadd.s32 s10, s3;
	s17 =	sadd.s32 $0x1E08, s4;
	s20 =	simm.s32 $0x3  }
0xf: {  	s21 =	simm.s32 $0x0;
	s6 =	sshll.u32 s22, $0x4;
	s7 =	sshll.u32 s7, $0x4  }
0x10: {  	s12 =	sadd.s32 $0x2000, s10;
	s13 =	sadd.s32 $0x4000, s10;
	s14 =	sadd.s32 $0x6000, s10  }
0x11: {  	s15 =	sadd.s32 $0x8000, s10;
	s16 =	sadd.s32 $0x29000, s0;
	s18 =	sadd.s32 $0x29008, s0  }
0x12: {  	s19 =	smax.u32 s5, $0x1;
	s22 =	simm.s32 $0x1;
	s11 =	sadd.s32 s1, s6  }
0x13: {  	s6 =	sadd.s32 s6, s24;
	s25 =	sadd.s32 $0x4E00, s7;
	[dreg:$0x5] =	wrdreg s11  }
0x14: {  	[dreg:$0x6] =	wrdreg s6;
	s1 =	sadd.s32 s1, s25;
	s6 =	sadd.s32 s25, s24  }
0x15: {  	s11 =	sadd.s32 $0x1E00, s4;
	s24 =	simm.s32 $0x10;
	[dreg:$0x7] =	wrdreg s1  }
0x16: {  	s25 =	simm.s32 $0x4F00;
	[dreg:$0x8] =	wrdreg s6;
	s1 =	sadd.s32 s26, s2  }
0x17: {  	v0 =	vimm.f32 $0.0e+00;
	s26 =	simm.s32 $0x80;
	[dreg:$0x9] =	wrdreg s1;
	s1 =	simm.s32 $0x4E00  }
.LBB2_1:
0x18: {  	s0 =	simm.s32 $0x0;
	s4 =	rddreg [dreg:$0x5]  }
0x19: {  	[tilespmem:s0], [sflag:$0x3] =	stream.linear.gather [hbm4b:s4+s0], $0x2700, $0x38;
	[tilespmem:$0x1C7C0] =	vst v63  }
0x1a: {  	_ =	swait.ge [sflag:s20], $0x2700  }
0x1b: {  	[sflag:s20] =	ssyncset.done $0x0  }
0x1c: {  	s5 =	simm.s32 $0x2780;
	s7 =	rddreg [dreg:$0x6];
	[sflag:s20] =	ssyncadd.s32 $0xFFFFD900  }
0x1d: {  	[tilespmem:s5], [sflag:$0x3] =	stream.linear.gather [hbm4b:s7+s0], $0x2700, $0x38;
	[tilespmem:$0x1C7C0] =	vst v63  }
0x1e: {  	_ =	swait.ge [sflag:s20], $0x2700  }
0x1f: {  	s4 =	simm.s32 @!p0 $0x2700;
	[sflag:s20] =	ssyncset.done $0x0  }
0x20: {  	s0 =	simm.s32 @!p0 $0x0;
	s5 =	rddreg [dreg:$0x7];
	[sflag:s20] =	ssyncadd.s32 $0xFFFFD900  }
0x21: {  	[tilespmem:s4], [sflag:$0x3] =	stream.linear.gather @!p0 [hbm4b:s5+s0], $0x80, $0x38;
	[tilespmem:$0x1C7C0] =	vst v63  }
0x22: {  	s4 =	simm.s32 @!p0 $0x3  }
0x23: {  	_ =	swait.ge @!p0 [sflag:s4], $0x80  }
0x24: {  	[sflag:s4] =	ssyncset.done @!p0 $0x0  }
0x25: {  	s5 =	simm.s32 @!p0 $0x4E80;
	s6 =	rddreg [dreg:$0x8];
	[sflag:s4] =	ssyncadd.s32 @!p0 $0xFFFFFF80  }
0x26: {  	[tilespmem:s5], [sflag:$0x3] =	stream.linear.gather @!p0 [hbm4b:s6+s0], $0x80, $0x38;
	[tilespmem:$0x1C7C0] =	vst v63  }
0x27: {  	s8 =	stileid.u32;
	_ =	swait.ge @!p0 [sflag:s4], $0x80  }
0x28: {  	s0 =	sshll.u32 s8, $0x6;
	[sflag:s4] =	ssyncset.done @!p0 $0x0;
	s9 =	rddreg [dreg:$0x9]  }
0x29: {  	s0 =	sor.u32 $0x1C03, s0;
	[sflag:s4] =	ssyncadd.s32 @!p0 $0xFFFFFF80;
	s4 =	sshrl.u32 s9, $0x3  }
0x2a: {  	[spmem:s4@s23], [sflag:s0] =	dma.strided [hbm:s11@s24], $0x1388, s22, $0x8   }
0x2b: {  	_ =	swait.ge [sflag:s20], $0x1388  }
0x2c: {  	[sflag:s20] =	ssyncset.done $0x0  }
0x2d: {  	s6 =	simm.s32 $0x100;
	s5 =	simm.s32 $0x0;
	[sflag:s20] =	ssyncadd.s32 $0xFFFFEC78  }
.LBB2_2:
0x2e: {  	p4 =	sne.s32 s6, $0x7F00;
	[tilespmem:s5+$0x4F30] =	vst v0;
	s7 =	smov.u32 s6;
	s6 =	sadd.s32 $0x100, s6  }
.Ltmp0:
0x2f: {  	[tilespmem:s5+$0x4F20] =	vst v0;
	(pc) =	sbr.rel @p4 .LBB2_2-.Ltmp0, $3  }
0x30: {  	[tilespmem:s5+$0x4F00] =	vst v0  }
0x31: {  	[tilespmem:s5+$0x4F10] =	vst v0;
	_ =	sdelay $0x1  }
0x32: {  	s5 =	sshra.s32 s7, $0x2  }
0x33: {  	[tilespmem:s5+$0x4F30] =	vst v0  }
0x34: {  	[tilespmem:s5+$0x4F20] =	vst v0  }
0x35: {  	[tilespmem:s5+$0x4F00] =	vst v0  }
0x36: {  	[tilespmem:s5+$0x4F10] =	vst v0  }
0x37: {  	[spmem:s10] =	stream.linear.scatter [tilespmem:s25], [sflag:$0x3], $0x2000, $0x38;
	[tilespmem:$0x1C7C0] =	vst v63  }
0x38: {  	_ =	swait.ge [sflag:s20], $0x2000  }
0x39: {  	[sflag:s20] =	ssyncset.done $0x0  }
0x3a: {  	[sflag:s20] =	ssyncadd.s32 $0xFFFFE000  }
0x3b: {  	[spmem:s12] =	stream.linear.scatter [tilespmem:s25], [sflag:$0x3], $0x2000, $0x38;
	[tilespmem:$0x1C7C0] =	vst v63  }
0x3c: {  	_ =	swait.ge [sflag:s20], $0x2000  }
0x3d: {  	[sflag:s20] =	ssyncset.done $0x0  }
0x3e: {  	[sflag:s20] =	ssyncadd.s32 $0xFFFFE000  }
0x3f: {  	[spmem:s13] =	stream.linear.scatter [tilespmem:s25], [sflag:$0x3], $0x2000, $0x38;
	[tilespmem:$0x1C7C0] =	vst v63  }
0x40: {  	_ =	swait.ge [sflag:s20], $0x2000  }
0x41: {  	[sflag:s20] =	ssyncset.done $0x0  }
0x42: {  	[sflag:s20] =	ssyncadd.s32 $0xFFFFE000  }
0x43: {  	[spmem:s14] =	stream.linear.scatter [tilespmem:s25], [sflag:$0x3], $0x2000, $0x38;
	[tilespmem:$0x1C7C0] =	vst v63  }
0x44: {  	_ =	swait.ge [sflag:s20], $0x2000  }
0x45: {  	[sflag:s20] =	ssyncset.done $0x0  }
0x46: {  	[sflag:s20] =	ssyncadd.s32 $0xFFFFE000  }
0x47: {  	[spmem:s15] =	stream.linear.scatter [tilespmem:s25], [sflag:$0x3], $0x1C80, $0x38;
	[tilespmem:$0x1C7C0] =	vst v63  }
0x48: {  	_ =	swait.ge [sflag:s20], $0x1C80  }
0x49: {  	[sflag:s20] =	ssyncset.done $0x0  }
0x4a: {  	[sflag:s20] =	ssyncadd.s32 $0xFFFFE380  }
0x4b: {  	s9 =	simm.s32 $0x0;
	[bflag:$0x0] =	sbarrier.arrive $0xFFFF  }
0x4c: {  	[tilespmem:s25], [sflag:$0x1] =	stream.indirect.gather [spmem:s2], $0x40, s9, s26, $0xb8;
	[tilespmem:$0x1C7C0] =	vst v63  }
0x4d: {  	s6 =	simm.s32 $0x80  }
0x4e: {  	[tilespmem:s28], [sflag:$0x2] =	stream.indirect.gather [spmem:s2], $0x40, s6, s26, $0xb8;
	[tilespmem:$0x1C7C0] =	vst v63  }
0x4f: {  	_ =	swait.ge [sflag:s22], $0x2000  }
0x50: {  	[sflag:s22] =	ssyncset.done $0x0  }
0x51: {  	s7 =	simm.s32 $0x2780;
	[sflag:s22] =	ssyncadd.s32 $0xFFFFE000  }
0x52: {  	[spmem:s3] =	stream.indirect.scatter.add.f32 [tilespmem:s25], [sflag:$0x3], $0x40, s7, s26, $0xb8;
	[tilespmem:$0x1C7C0] =	vst v63  }
0x53: {  	_ =	swait.ge [sflag:s20], $0x2000  }
0x54: {  	[sflag:s20] =	ssyncset.done $0x0  }
0x55: {  	s8 =	simm.s32 $0x100;
	[sflag:s20] =	ssyncadd.s32 $0xFFFFE000  }
0x56: {  	[tilespmem:s25], [sflag:$0x1] =	stream.indirect.gather [spmem:s2], $0x40, s8, s26, $0xb8;
	[tilespmem:$0x1C7C0] =	vst v63  }
0x57: {  	_ =	swait.ge [sflag:s29], $0x2000  }
0x58: {  	[sflag:s29] =	ssyncset.done $0x0  }
0x59: {  	s9 =	simm.s32 $0x2800;
	[sflag:s29] =	ssyncadd.s32 $0xFFFFE000  }
0x5a: {  	[spmem:s3] =	stream.indirect.scatter.add.f32 [tilespmem:s28], [sflag:$0x3], $0x40, s9, s26, $0xb8;
	[tilespmem:$0x1C7C0] =	vst v63  }
0x5b: {  	_ =	swait.ge [sflag:s20], $0x2000  }
0x5c: {  	s5 =	simm.s32 $0x100;
	s6 =	simm.s32 $0x800;
	[sflag:s20] =	ssyncset.done $0x0  }
.LBB2_4:
0x5d: {  	s7 =	sadd.s32 $0x80, s5  }
0x5e: {  	[sflag:s20] =	ssyncadd.s32 $0xFFFFE000;
	s8 =	smov.u32 s6;
	s9 =	sadd.s32 $0x400, s6  }
0x5f: {  	[tilespmem:s28], [sflag:$0x2] =	stream.indirect.gather [spmem:s2], $0x40, s7, s26, $0xb8;
	[tilespmem:$0x1C7C0] =	vst v63  }
0x60: {  	p4 =	sne.s32 s6, $0x9400;
	_ =	swait.ge [sflag:s22], $0x2000  }
0x61: {  	[sflag:s22] =	ssyncset.done $0x0  }
0x62: {  	s6 =	sadd.s32 $0x2780, s5;
	[sflag:s22] =	ssyncadd.s32 $0xFFFFE000  }
0x63: {  	[spmem:s3] =	stream.indirect.scatter.add.f32 [tilespmem:s25], [sflag:$0x3], $0x40, s6, s26, $0xb8;
	[tilespmem:$0x1C7C0] =	vst v63  }
0x64: {  	_ =	swait.ge [sflag:s20], $0x2000  }
0x65: {  	[sflag:s20] =	ssyncset.done $0x0  }
0x66: {  	s6 =	sadd.s32 $0x100, s5;
	[sflag:s20] =	ssyncadd.s32 $0xFFFFE000  }
0x67: {  	[tilespmem:s25], [sflag:$0x1] =	stream.indirect.gather [spmem:s2], $0x40, s6, s26, $0xb8;
	[tilespmem:$0x1C7C0] =	vst v63  }
0x68: {  	_ =	swait.ge [sflag:s29], $0x2000  }
.Ltmp1:
0x69: {  	[sflag:s29] =	ssyncset.done $0x0;
	(pc) =	sbr.rel @p4 .LBB2_4-.Ltmp1, $4  }
0x6a: {  	s5 =	sadd.s32 $0x2800, s5;
	[sflag:s29] =	ssyncadd.s32 $0xFFFFE000  }
0x6b: {  	[spmem:s3] =	stream.indirect.scatter.add.f32 [tilespmem:s28], [sflag:$0x3], $0x40, s5, s26, $0xb8;
	[tilespmem:$0x1C7C0] =	vst v63  }
0x6c: {  	_ =	swait.ge [sflag:s20], $0x2000  }
0x6d: {  	s6 =	smov.u32 s9;
	s5 =	sshra.s32 s8, $0x2;
	[sflag:s20] =	ssyncset.done $0x0  }
0x6e: {  	s6 =	sadd.s32 $0x80, s5;
	[sflag:s20] =	ssyncadd.s32 $0xFFFFE000  }
0x6f: {  	[tilespmem:s28], [sflag:$0x2] =	stream.indirect.gather [spmem:s2], $0x40, s6, s26, $0xb8;
	[tilespmem:$0x1C7C0] =	vst v63  }
0x70: {  	_ =	swait.ge [sflag:s22], $0x2000  }
0x71: {  	[sflag:s22] =	ssyncset.done $0x0  }
0x72: {  	s7 =	sadd.s32 $0x2780, s5;
	[sflag:s22] =	ssyncadd.s32 $0xFFFFE000  }
0x73: {  	[spmem:s3] =	stream.indirect.scatter.add.f32 [tilespmem:s25], [sflag:$0x3], $0x40, s7, s26, $0xb8;
	[tilespmem:$0x1C7C0] =	vst v63  }
0x74: {  	_ =	swait.ge [sflag:s20], $0x2000  }
0x75: {  	[sflag:s20] =	ssyncset.done $0x0  }
0x76: {  	s8 =	sadd.s32 $0x100, s5;
	[sflag:s20] =	ssyncadd.s32 $0xFFFFE000  }
0x77: {  	[tilespmem:s25], [sflag:$0x1] =	stream.indirect.gather [spmem:s2], $0x40, s8, s26, $0xb8;
	[tilespmem:$0x1C7C0] =	vst v63  }
0x78: {  	_ =	swait.ge [sflag:s29], $0x2000  }
0x79: {  	[sflag:s29] =	ssyncset.done $0x0  }
0x7a: {  	s9 =	sadd.s32 $0x2800, s5;
	[sflag:s29] =	ssyncadd.s32 $0xFFFFE000  }
0x7b: {  	[spmem:s3] =	stream.indirect.scatter.add.f32 [tilespmem:s28], [sflag:$0x3], $0x40, s9, s26, $0xb8;
	[tilespmem:$0x1C7C0] =	vst v63  }
0x7c: {  	_ =	swait.ge [sflag:s20], $0x2000  }
0x7d: {  	[sflag:s20] =	ssyncset.done $0x0  }
0x7e: {  	[sflag:s20] =	ssyncadd.s32 $0xFFFFE000  }
0x7f: {  	[tilespmem:s28], [sflag:$0x2] =	stream.indirect.gather [spmem:s2], $0x40, s30, s26, $0xb8;
	[tilespmem:$0x1C7C0] =	vst v63  }
0x80: {  	_ =	swait.ge [sflag:s22], $0x2000  }
0x81: {  	[sflag:s22] =	ssyncset.done $0x0  }
0x82: {  	[sflag:s22] =	ssyncadd.s32 $0xFFFFE000  }
0x83: {  	[spmem:s3] =	stream.indirect.scatter.add.f32 [tilespmem:s25], [sflag:$0x3], $0x40, s31, s26, $0xb8;
	[tilespmem:$0x1C7C0] =	vst v63  }
0x84: {  	_ =	swait.ge [sflag:s20], $0x2000  }
0x85: {  	[sflag:s20] =	ssyncset.done $0x0  }
0x86: {  	[sflag:s20] =	ssyncadd.s32 $0xFFFFE000  }
0x87: {  	_ =	swait.ge [sflag:s29], $0x2000  }
0x88: {  	[sflag:s29] =	ssyncset.done $0x0  }
0x89: {  	[sflag:s29] =	ssyncadd.s32 $0xFFFFE000  }
0x8a: {  	[spmem:s3] =	stream.indirect.scatter.add.f32 [tilespmem:s28], [sflag:$0x3], $0x40, s1, s26, $0xb8;
	[tilespmem:$0x1C7C0] =	vst v63  }
0x8b: {  	_ =	swait.ge [sflag:s20], $0x2000  }
0x8c: {  	s5 =	simm.s32 @p1 $0x80;
	[sflag:s20] =	ssyncset.done $0x0  }
0x8d: {  	s6 =	simm.s32 @p1 $0x2700;
	s7 =	simm.s32 @p1 $0x4F00;
	[sflag:s20] =	ssyncadd.s32 $0xFFFFE000  }
0x8e: {  	[tilespmem:s7], [sflag:$0x1] =	stream.indirect.gather @p1 [spmem:s2], $0x40, s6, s5, $0xb8;
	[tilespmem:$0x1C7C0] =	vst v63  }
0x8f: {  	s6 =	simm.s32 @p1 $0x1  }
0x90: {  	_ =	swait.ge @p1 [sflag:s6], $0x2000  }
0x91: {  	[sflag:s6] =	ssyncset.done @p1 $0x0  }
0x92: {  	[sflag:s6] =	ssyncadd.s32 @p1 $0xFFFFE000;
	s6 =	simm.s32 @p1 $0x4E80  }
0x93: {  	[spmem:s3] =	stream.indirect.scatter.add.f32 @p1 [tilespmem:s7], [sflag:$0x3], $0x40, s6, s5, $0xb8;
	[tilespmem:$0x1C7C0] =	vst v63  }
0x94: {  	s5 =	simm.s32 @p1 $0x3  }
0x95: {  	_ =	swait.ge @p1 [sflag:s5], $0x2000  }
0x96: {  	[sflag:s5] =	ssyncset.done @p1 $0x0  }
0x97: {  	s8 =	simm.s32 @!p2 $0x8;
	s6 =	simm.s32 @!p2 $0x1;
	[sflag:s5] =	ssyncadd.s32 @p1 $0xFFFFE000  }
0x98: {  	s7 =	simm.s32 @!p2 $0x10;
	s5 =	sshrl.u32 @!p2 s3, $0x3;
	[bflag:$0x0] =	sbarrier.arrive @p1 $0xFFFF  }
0x99: {  	[hbm:s16@s7], [sflag:s0] =	dma.strided @!p2 [spmem:s5@s8], $0x13880, s6, $0x8   }
0x9a: {  	s5 =	simm.s32 @!p2 $0x3  }
0x9b: {  	_ =	swait.ge @!p2 [sflag:s5], $0x13880  }
0x9c: {  	[sflag:s5] =	ssyncset.done @!p2 $0x0  }
0x9d: {  	[sflag:s5] =	ssyncadd.s32 @!p2 $0xFFFEC780  }
0x9e: {  	[bflag:$0x0] =	sbarrier.arrive @!p1 $0xFFFF  }
0x9f: {  	p5 =	por @p1 $0x0, $0x0;
	p4 =	por @!p2 $0x1, $0x1;
	[bflag:$0x0] =	sbarrier.arrive $0xFFFF  }
0xa0: {  	[spmem:s4@s23], [sflag:s0] =	dma.strided [hbm:s17@s24], $0x1388, s22, $0x8   }
0xa1: {  	p4 =	por @!p3 p5, p5;
	p5 =	por @!p1 $0x0, $0x0;
	_ =	swait.ge [sflag:s20], $0x1388  }
0xa2: {  	p4 =	por @!p1 p5, p5;
	[sflag:s20] =	ssyncset.done $0x0  }
0xa3: {  	s5 =	simm.s32 $0x100;
	s4 =	simm.s32 $0x0;
	[sflag:s20] =	ssyncadd.s32 $0xFFFFEC78  }
.LBB2_6:
0xa4: {  	p5 =	sne.s32 s5, $0x7F00;
	[tilespmem:s4+$0x4F30] =	vst v0;
	s6 =	smov.u32 s5;
	s5 =	sadd.s32 $0x100, s5  }
.Ltmp2:
0xa5: {  	[tilespmem:s4+$0x4F20] =	vst v0;
	(pc) =	sbr.rel @p5 .LBB2_6-.Ltmp2, $3  }
0xa6: {  	[tilespmem:s4+$0x4F00] =	vst v0  }
0xa7: {  	[tilespmem:s4+$0x4F10] =	vst v0;
	_ =	sdelay $0x1  }
0xa8: {  	s4 =	sshra.s32 s6, $0x2  }
0xa9: {  	[tilespmem:s4+$0x4F30] =	vst v0  }
0xaa: {  	[tilespmem:s4+$0x4F20] =	vst v0  }
0xab: {  	[tilespmem:s4+$0x4F00] =	vst v0  }
0xac: {  	[tilespmem:s4+$0x4F10] =	vst v0  }
0xad: {  	[spmem:s10] =	stream.linear.scatter [tilespmem:s25], [sflag:$0x3], $0x2000, $0x38;
	[tilespmem:$0x1C7C0] =	vst v63  }
0xae: {  	_ =	swait.ge [sflag:s20], $0x2000  }
0xaf: {  	[sflag:s20] =	ssyncset.done $0x0  }
0xb0: {  	[sflag:s20] =	ssyncadd.s32 $0xFFFFE000  }
0xb1: {  	[spmem:s12] =	stream.linear.scatter [tilespmem:s25], [sflag:$0x3], $0x2000, $0x38;
	[tilespmem:$0x1C7C0] =	vst v63  }
0xb2: {  	_ =	swait.ge [sflag:s20], $0x2000  }
0xb3: {  	[sflag:s20] =	ssyncset.done $0x0  }
0xb4: {  	[sflag:s20] =	ssyncadd.s32 $0xFFFFE000  }
0xb5: {  	[spmem:s13] =	stream.linear.scatter [tilespmem:s25], [sflag:$0x3], $0x2000, $0x38;
	[tilespmem:$0x1C7C0] =	vst v63  }
0xb6: {  	_ =	swait.ge [sflag:s20], $0x2000  }
0xb7: {  	[sflag:s20] =	ssyncset.done $0x0  }
0xb8: {  	[sflag:s20] =	ssyncadd.s32 $0xFFFFE000  }
0xb9: {  	[spmem:s14] =	stream.linear.scatter [tilespmem:s25], [sflag:$0x3], $0x2000, $0x38;
	[tilespmem:$0x1C7C0] =	vst v63  }
0xba: {  	_ =	swait.ge [sflag:s20], $0x2000  }
0xbb: {  	[sflag:s20] =	ssyncset.done $0x0  }
0xbc: {  	[sflag:s20] =	ssyncadd.s32 $0xFFFFE000  }
0xbd: {  	[spmem:s15] =	stream.linear.scatter [tilespmem:s25], [sflag:$0x3], $0x1C80, $0x38;
	[tilespmem:$0x1C7C0] =	vst v63  }
0xbe: {  	_ =	swait.ge [sflag:s20], $0x1C80  }
0xbf: {  	[sflag:s20] =	ssyncset.done $0x0  }
0xc0: {  	[sflag:s20] =	ssyncadd.s32 $0xFFFFE380  }
0xc1: {  	s5 =	simm.s32 $0x0;
	[bflag:$0x0] =	sbarrier.arrive $0xFFFF  }
0xc2: {  	[tilespmem:s25], [sflag:$0x1] =	stream.indirect.gather [spmem:s2], $0x40, s5, s26, $0xb8;
	[tilespmem:$0x1C7C0] =	vst v63  }
0xc3: {  	s6 =	simm.s32 $0x80  }
0xc4: {  	[tilespmem:s28], [sflag:$0x2] =	stream.indirect.gather [spmem:s2], $0x40, s6, s26, $0xb8;
	[tilespmem:$0x1C7C0] =	vst v63  }
0xc5: {  	_ =	swait.ge [sflag:s22], $0x2000  }
0xc6: {  	[sflag:s22] =	ssyncset.done $0x0  }
0xc7: {  	s7 =	simm.s32 $0x2780;
	[sflag:s22] =	ssyncadd.s32 $0xFFFFE000  }
0xc8: {  	[spmem:s3] =	stream.indirect.scatter.add.f32 [tilespmem:s25], [sflag:$0x3], $0x40, s7, s26, $0xb8;
	[tilespmem:$0x1C7C0] =	vst v63  }
0xc9: {  	_ =	swait.ge [sflag:s20], $0x2000  }
0xca: {  	[sflag:s20] =	ssyncset.done $0x0  }
0xcb: {  	s8 =	simm.s32 $0x100;
	[sflag:s20] =	ssyncadd.s32 $0xFFFFE000  }
0xcc: {  	[tilespmem:s25], [sflag:$0x1] =	stream.indirect.gather [spmem:s2], $0x40, s8, s26, $0xb8;
	[tilespmem:$0x1C7C0] =	vst v63  }
0xcd: {  	_ =	swait.ge [sflag:s29], $0x2000  }
0xce: {  	[sflag:s29] =	ssyncset.done $0x0  }
0xcf: {  	s9 =	simm.s32 $0x2800;
	[sflag:s29] =	ssyncadd.s32 $0xFFFFE000  }
0xd0: {  	[spmem:s3] =	stream.indirect.scatter.add.f32 [tilespmem:s28], [sflag:$0x3], $0x40, s9, s26, $0xb8;
	[tilespmem:$0x1C7C0] =	vst v63  }
0xd1: {  	_ =	swait.ge [sflag:s20], $0x2000  }
0xd2: {  	s4 =	simm.s32 $0x100;
	s5 =	simm.s32 $0x800;
	[sflag:s20] =	ssyncset.done $0x0  }
.LBB2_8:
0xd3: {  	s6 =	sadd.s32 $0x80, s4  }
0xd4: {  	[sflag:s20] =	ssyncadd.s32 $0xFFFFE000;
	s7 =	smov.u32 s5;
	s8 =	sadd.s32 $0x400, s5  }
0xd5: {  	[tilespmem:s28], [sflag:$0x2] =	stream.indirect.gather [spmem:s2], $0x40, s6, s26, $0xb8;
	[tilespmem:$0x1C7C0] =	vst v63  }
0xd6: {  	p5 =	sne.s32 s5, $0x9400;
	_ =	swait.ge [sflag:s22], $0x2000  }
0xd7: {  	[sflag:s22] =	ssyncset.done $0x0  }
0xd8: {  	s5 =	sadd.s32 $0x2780, s4;
	[sflag:s22] =	ssyncadd.s32 $0xFFFFE000  }
0xd9: {  	[spmem:s3] =	stream.indirect.scatter.add.f32 [tilespmem:s25], [sflag:$0x3], $0x40, s5, s26, $0xb8;
	[tilespmem:$0x1C7C0] =	vst v63  }
0xda: {  	_ =	swait.ge [sflag:s20], $0x2000  }
0xdb: {  	[sflag:s20] =	ssyncset.done $0x0  }
0xdc: {  	s5 =	sadd.s32 $0x100, s4;
	[sflag:s20] =	ssyncadd.s32 $0xFFFFE000  }
0xdd: {  	[tilespmem:s25], [sflag:$0x1] =	stream.indirect.gather [spmem:s2], $0x40, s5, s26, $0xb8;
	[tilespmem:$0x1C7C0] =	vst v63  }
0xde: {  	_ =	swait.ge [sflag:s29], $0x2000  }
.Ltmp3:
0xdf: {  	[sflag:s29] =	ssyncset.done $0x0;
	(pc) =	sbr.rel @p5 .LBB2_8-.Ltmp3, $4  }
0xe0: {  	s4 =	sadd.s32 $0x2800, s4;
	[sflag:s29] =	ssyncadd.s32 $0xFFFFE000  }
0xe1: {  	[spmem:s3] =	stream.indirect.scatter.add.f32 [tilespmem:s28], [sflag:$0x3], $0x40, s4, s26, $0xb8;
	[tilespmem:$0x1C7C0] =	vst v63  }
0xe2: {  	_ =	swait.ge [sflag:s20], $0x2000  }
0xe3: {  	s5 =	smov.u32 s8;
	s4 =	sshra.s32 s7, $0x2;
	[sflag:s20] =	ssyncset.done $0x0  }
0xe4: {  	s5 =	sadd.s32 $0x80, s4;
	[sflag:s20] =	ssyncadd.s32 $0xFFFFE000  }
0xe5: {  	[tilespmem:s28], [sflag:$0x2] =	stream.indirect.gather [spmem:s2], $0x40, s5, s26, $0xb8;
	[tilespmem:$0x1C7C0] =	vst v63  }
0xe6: {  	_ =	swait.ge [sflag:s22], $0x2000  }
0xe7: {  	[sflag:s22] =	ssyncset.done $0x0  }
0xe8: {  	s7 =	sadd.s32 $0x2780, s4;
	[sflag:s22] =	ssyncadd.s32 $0xFFFFE000  }
0xe9: {  	[spmem:s3] =	stream.indirect.scatter.add.f32 [tilespmem:s25], [sflag:$0x3], $0x40, s7, s26, $0xb8;
	[tilespmem:$0x1C7C0] =	vst v63  }
0xea: {  	_ =	swait.ge [sflag:s20], $0x2000  }
0xeb: {  	[sflag:s20] =	ssyncset.done $0x0  }
0xec: {  	s8 =	sadd.s32 $0x100, s4;
	[sflag:s20] =	ssyncadd.s32 $0xFFFFE000  }
0xed: {  	[tilespmem:s25], [sflag:$0x1] =	stream.indirect.gather [spmem:s2], $0x40, s8, s26, $0xb8;
	[tilespmem:$0x1C7C0] =	vst v63  }
0xee: {  	_ =	swait.ge [sflag:s29], $0x2000  }
0xef: {  	[sflag:s29] =	ssyncset.done $0x0  }
0xf0: {  	s9 =	sadd.s32 $0x2800, s4;
	[sflag:s29] =	ssyncadd.s32 $0xFFFFE000  }
0xf1: {  	[spmem:s3] =	stream.indirect.scatter.add.f32 [tilespmem:s28], [sflag:$0x3], $0x40, s9, s26, $0xb8;
	[tilespmem:$0x1C7C0] =	vst v63  }
0xf2: {  	_ =	swait.ge [sflag:s20], $0x2000  }
0xf3: {  	[sflag:s20] =	ssyncset.done $0x0  }
0xf4: {  	[sflag:s20] =	ssyncadd.s32 $0xFFFFE000  }
0xf5: {  	[tilespmem:s28], [sflag:$0x2] =	stream.indirect.gather [spmem:s2], $0x40, s30, s26, $0xb8;
	[tilespmem:$0x1C7C0] =	vst v63  }
0xf6: {  	_ =	swait.ge [sflag:s22], $0x2000  }
0xf7: {  	[sflag:s22] =	ssyncset.done $0x0  }
0xf8: {  	[sflag:s22] =	ssyncadd.s32 $0xFFFFE000  }
0xf9: {  	[spmem:s3] =	stream.indirect.scatter.add.f32 [tilespmem:s25], [sflag:$0x3], $0x40, s31, s26, $0xb8;
	[tilespmem:$0x1C7C0] =	vst v63  }
0xfa: {  	_ =	swait.ge [sflag:s20], $0x2000  }
0xfb: {  	[sflag:s20] =	ssyncset.done $0x0  }
0xfc: {  	[sflag:s20] =	ssyncadd.s32 $0xFFFFE000  }
0xfd: {  	_ =	swait.ge [sflag:s29], $0x2000  }
0xfe: {  	[sflag:s29] =	ssyncset.done $0x0  }
0xff: {  	[sflag:s29] =	ssyncadd.s32 $0xFFFFE000  }
0x100: {  	[spmem:s3] =	stream.indirect.scatter.add.f32 [tilespmem:s28], [sflag:$0x3], $0x40, s1, s26, $0xb8;
	[tilespmem:$0x1C7C0] =	vst v63  }
0x101: {  	_ =	swait.ge [sflag:s20], $0x2000  }
0x102: {  	s4 =	simm.s32 @!p0 $0x80;
	[sflag:s20] =	ssyncset.done $0x0  }
0x103: {  	s6 =	simm.s32 @!p0 $0x4F00;
	s5 =	simm.s32 @!p0 $0x2700;
	[sflag:s20] =	ssyncadd.s32 $0xFFFFE000  }
0x104: {  	[tilespmem:s6], [sflag:$0x1] =	stream.indirect.gather @!p0 [spmem:s2], $0x40, s5, s4, $0xb8;
	[tilespmem:$0x1C7C0] =	vst v63  }
0x105: {  	s5 =	simm.s32 @!p0 $0x1  }
0x106: {  	_ =	swait.ge @!p0 [sflag:s5], $0x2000  }
0x107: {  	[sflag:s5] =	ssyncset.done @!p0 $0x0  }
0x108: {  	[sflag:s5] =	ssyncadd.s32 @!p0 $0xFFFFE000;
	s5 =	simm.s32 @!p0 $0x4E80  }
0x109: {  	[spmem:s3] =	stream.indirect.scatter.add.f32 @!p0 [tilespmem:s6], [sflag:$0x3], $0x40, s5, s4, $0xb8;
	[tilespmem:$0x1C7C0] =	vst v63  }
0x10a: {  	s4 =	simm.s32 @!p0 $0x3  }
0x10b: {  	_ =	swait.ge @!p0 [sflag:s4], $0x2000  }
0x10c: {  	[sflag:s4] =	ssyncset.done @!p0 $0x0  }
0x10d: {  	s7 =	simm.s32 @p4 $0x8;
	s5 =	simm.s32 @p4 $0x1;
	[sflag:s4] =	ssyncadd.s32 @!p0 $0xFFFFE000  }
0x10e: {  	s6 =	simm.s32 @p4 $0x10;
	s4 =	sshrl.u32 @p4 s3, $0x3;
	[bflag:$0x0] =	sbarrier.arrive $0xFFFF  }
0x10f: {  	[hbm:s18@s6], [sflag:s0] =	dma.strided @p4 [spmem:s4@s7], $0x13880, s5, $0x8   }
0x110: {  	s0 =	simm.s32 @p4 $0x3  }
0x111: {  	_ =	swait.ge @p4 [sflag:s0], $0x13880  }
0x112: {  	s21 =	sadd.s32 $0x1, s21;
	[sflag:s0] =	ssyncset.done @p4 $0x0  }
0x113: {  	[sflag:s0] =	ssyncadd.s32 @p4 $0xFFFEC780;
	p4 =	sne.s32 s21, s19  }
.Ltmp4:
0x114: {  	_ = 	snop;
	(pc) =	sbr.rel @p4 .LBB2_1-.Ltmp4, $2  }
0x115: {  	_ =	sdelay $0x1  }
0x116: {  	[bflag:$0x0] =	sbarrier.arrive $0xFFFF;
	_ =	sdelay $0x1  }
0x117: {  	_ =	sfence.sel $0x180000  }
0x118: {  	[bflag:$0x0] =	sbarrier.arrive $0xFFFF  }
0x119: {  	_ =	strace $0x90000047  }
0x11a: {  	s0 =	stileid.u32;
	[bflag:$0x2] =	sbarrier.arrive $0xFFFF  }
0x11b: {  	p0 =	sne.s32 s0, $0x0;
	s0 =	rddreg [dreg:$0x4]  }
0x11c: {  	s0 =	sadd.s32 @!p0 $0x100000, s0  }
0x11d: {  	[sflag:s0] =	ssyncadd.tile.s32 @!p0 $0x1;
	_ =	shalt  }
.Lfunc_end2:
_tile_overlayer_lowered:
.L_overlay_start_2:
0x11e: {  	(tag) =	ssettag $0x2  }
0x11f: {  	s0 =	rddreg [dreg:$0x0];
	s2 =	stileid.u32  }
0x120: {  	s1 =	rddreg [dreg:$0x1];
	p0 =	sne.s32 s2, $0x0  }
0x121: {  	s3 =	rddreg [dreg:$0x2];
	[bflag:$0x3] =	sbarrier.arrive $0xFFFF;
	s2 =	simm.s32 @!p0 $0x1C03  }
0x122: {  	[timem:s3], [sflag:s2] =	dma.local @!p0 [hbm:s0], s1  }
0x123: {  	s0 =	simm.s32 @!p0 $0x3  }
0x124: {  	_ =	swait.ge @!p0 [sflag:s0], s1  }
0x125: {  	s1 =	ssub.s32 @!p0 $0x0, s1;
	[sflag:s0] =	ssyncset.done @!p0 $0x0  }
0x126: {  	[sflag:s0] =	ssyncadd.s32 @!p0 s1  }
0x127: {  	[bflag:$0x3] =	sbarrier.arrive $0xFFFF  }
0x128: {  	_ =	shalt  }

</sc_bundles>
